<compile_context>
chip_gen: v7x
topology: tpu7x:2x2x1
jax: 0.10.2.dev20260603
libtpu: 0.0.44.dev20260713+nightly
codegen_flags: <defaults>
</compile_context>

<pallas_src>
import functools

import jax
import jax.numpy as jnp
from jax import lax
from jax.experimental import pallas as pl
from jax.experimental.pallas import tpu as pltpu
from jax.experimental.pallas import tpu_sc as plsc

NUSER = 10000
NITEM = 10000
E = 320000
D = 128
HEADS = 2
HID = 64
ROWW = 144
NC = 2
NS = 16
NTILES = NC * NS
EPT = E // NTILES
KBLK = 80
NBLK = EPT // KBLK
ZROWS = 25
ADW = 16


def _sc_gat(ext, ad, edges, n_dst):
    rps = n_dst // NS
    mesh = plsc.VectorSubcoreMesh(core_axis_name="c", subcore_axis_name="s")

    @functools.partial(
        pl.kernel,
        out_type=jax.ShapeDtypeStruct((NC, n_dst, ROWW), jnp.float32),
        mesh=mesh,
        scratch_types=[
            pltpu.VMEM_SHARED((n_dst, ROWW), jnp.float32),
            pltpu.VMEM((KBLK, ADW), jnp.float32),
            pltpu.VMEM((1, KBLK), jnp.int32),
            pltpu.VMEM((1, KBLK), jnp.int32),
            pltpu.VMEM((KBLK, ROWW), jnp.float32),
            pltpu.VMEM((ZROWS, ROWW), jnp.float32),
            pltpu.VMEM((KBLK,), jnp.float32),
            pltpu.VMEM((KBLK,), jnp.float32),
        ],
        compiler_params=pltpu.CompilerParams(use_tc_tiling_on_sc=False,
                                             needs_layout_passes=False),
    )
    def gat(ext_hbm, ad_hbm, edge_hbm, out_hbm,
            acc, ad_v, src_v, dst_v, rows_v, zero_v, ex0_v, ex1_v):
        c = lax.axis_index("c")
        s = lax.axis_index("s")
        wid = s * NC + c

        zvec = jnp.zeros((16,), jnp.float32)

        @pl.loop(0, ZROWS)
        def _(i):
            @pl.loop(0, ROWW, step=16)
            def _(j):
                zero_v[i, pl.ds(j, 16)] = zvec

        @pl.loop(0, rps, step=ZROWS)
        def _(r):
            pltpu.sync_copy(zero_v, acc.at[pl.ds(s * rps + r, ZROWS)])

        plsc.subcore_barrier()

        cols_ex0 = jnp.full((16,), D, jnp.int32)
        cols_ex1 = jnp.full((16,), D + 1, jnp.int32)
        col0 = jnp.zeros((16,), jnp.int32)
        col1 = jnp.ones((16,), jnp.int32)

        @pl.loop(0, NBLK)
        def _(blk):
            base = wid * EPT + blk * KBLK
            pltpu.sync_copy(edge_hbm.at[0, pl.ds(base, KBLK)], src_v.at[0])
            pltpu.sync_copy(edge_hbm.at[1, pl.ds(base, KBLK)], dst_v.at[0])
            pltpu.sync_copy(ext_hbm.at[src_v.at[0]], rows_v)
            pltpu.sync_copy(ad_hbm.at[dst_v.at[0]], ad_v)

            @pl.loop(0, KBLK, step=16)
            def _(g):
                lanes = g + lax.iota(jnp.int32, 16)
                a_s0 = plsc.load_gather(rows_v, [lanes, cols_ex0])
                a_s1 = plsc.load_gather(rows_v, [lanes, cols_ex1])
                a_d0 = plsc.load_gather(ad_v, [lanes, col0])
                a_d1 = plsc.load_gather(ad_v, [lanes, col1])
                al0 = a_s0 + a_d0
                al1 = a_s1 + a_d1
                ex0 = jnp.exp(jnp.maximum(al0, al0 * 0.2))
                ex1 = jnp.exp(jnp.maximum(al1, al1 * 0.2))
                plsc.store_scatter(rows_v, [lanes, cols_ex0], ex0)
                plsc.store_scatter(rows_v, [lanes, cols_ex1], ex1)
                ex0_v[pl.ds(g, 16)] = ex0
                ex1_v[pl.ds(g, 16)] = ex1

            @pl.loop(0, KBLK)
            def _(k):
                ksplat = jnp.full((16,), 0, jnp.int32) + k
                e0 = plsc.load_gather(ex0_v, [ksplat])
                e1 = plsc.load_gather(ex1_v, [ksplat])
                for cc in range(4):
                    rows_v[k, pl.ds(cc * 16, 16)] = rows_v[k, pl.ds(cc * 16, 16)] * e0
                for cc in range(4, 8):
                    rows_v[k, pl.ds(cc * 16, 16)] = rows_v[k, pl.ds(cc * 16, 16)] * e1

            pltpu.sync_copy(rows_v, acc.at[dst_v.at[0]], add=True)

        plsc.subcore_barrier()

        @pl.loop(0, rps, step=ZROWS)
        def _(r):
            pltpu.sync_copy(acc.at[pl.ds(s * rps + r, ZROWS)],
                            out_hbm.at[c, pl.ds(s * rps + r, ZROWS)])

    return gat(ext, ad, edges)


def _prep_body(x_ref, w_ref, o_ref):
    o_ref[...] = jnp.dot(x_ref[...], w_ref[...],
                         preferred_element_type=jnp.float32)


def _prep(x, w):
    n, wout = x.shape[0], w.shape[1]
    blk = 400
    return pl.pallas_call(
        _prep_body,
        grid=(n // blk,),
        in_specs=[
            pl.BlockSpec((blk, D), lambda i: (i, 0)),
            pl.BlockSpec((D, wout), lambda i: (0, 0)),
        ],
        out_specs=pl.BlockSpec((blk, wout), lambda i: (i, 0)),
        out_shape=jax.ShapeDtypeStruct((n, wout), jnp.float32),
    )(x, w)


def _fin_body(p0_ref, p1_ref, b_ref, w_ref, b2_ref, o_ref):
    p = p0_ref[...] + p1_ref[...]
    num = p[:, :D]
    d0 = p[:, D:D + 1] + 1e-16
    d1 = p[:, D + 1:D + 2] + 1e-16
    den = jnp.concatenate(
        [jnp.broadcast_to(d0, (p.shape[0], HID)),
         jnp.broadcast_to(d1, (p.shape[0], HID))], axis=1)
    x = jnp.maximum(num / den + b_ref[...], 0.0)
    o_ref[...] = jnp.dot(x, w_ref[...],
                         preferred_element_type=jnp.float32) + b2_ref[...]


def _fin(partials, b, w, b2):
    n = partials.shape[1]
    wout = w.shape[1]
    blk = 400
    p0, p1 = partials[0], partials[1]
    return pl.pallas_call(
        _fin_body,
        grid=(n // blk,),
        in_specs=[
            pl.BlockSpec((blk, ROWW), lambda i: (i, 0)),
            pl.BlockSpec((blk, ROWW), lambda i: (i, 0)),
            pl.BlockSpec((1, D), lambda i: (0, 0)),
            pl.BlockSpec((D, wout), lambda i: (0, 0)),
            pl.BlockSpec((1, wout), lambda i: (0, 0)),
        ],
        out_specs=pl.BlockSpec((blk, wout), lambda i: (i, 0)),
        out_shape=jax.ShapeDtypeStruct((n, wout), jnp.float32),
    )(p0, p1, b, w, b2)


def _mk_ext_w(wsrc, asrc):
    vs = jnp.stack([wsrc[:, h * HID:(h + 1) * HID] @ asrc[h]
                    for h in range(HEADS)], axis=1)
    pad = jnp.zeros((D, ROWW - D - HEADS), jnp.float32)
    return jnp.concatenate([wsrc, vs, pad], axis=1)


def _mk_ad_w(wdst, adst):
    vd = jnp.stack([wdst[:, h * HID:(h + 1) * HID] @ adst[h]
                    for h in range(HEADS)], axis=1)
    return jnp.concatenate([vd, jnp.zeros((D, ADW - HEADS), jnp.float32)],
                           axis=1)


def kernel(x_user, x_item, edge_index_ui, edge_index_iu,
           Wsrc_0_ui, Wdst_0_ui, asrc_0_ui, adst_0_ui, b_0_ui,
           Wsrc_0_iu, Wdst_0_iu, asrc_0_iu, adst_0_iu, b_0_iu,
           Wsrc_1_ui, Wdst_1_ui, asrc_1_ui, adst_1_ui, b_1_ui,
           Wsrc_1_iu, Wdst_1_iu, asrc_1_iu, adst_1_iu, b_1_iu,
           W_lin, b_lin):
    wext_u0 = _mk_ext_w(Wsrc_0_ui, asrc_0_ui)
    wad_i0 = _mk_ad_w(Wdst_0_ui, adst_0_ui)
    wext_i0 = _mk_ext_w(Wsrc_0_iu, asrc_0_iu)
    wad_u0 = _mk_ad_w(Wdst_0_iu, adst_0_iu)
    wext_i1 = _mk_ext_w(Wsrc_1_iu, asrc_1_iu)
    wad_u1 = _mk_ad_w(Wdst_1_iu, adst_1_iu)

    def chain(dep, xs):
        out = lax.optimization_barrier(tuple(xs) + (dep,))
        return out[:-1]

    ext_u0 = _prep(x_user, wext_u0)
    ad_i0 = _prep(x_item, wad_i0)
    ext_i0 = _prep(x_item, wext_i0)
    ad_u0 = _prep(x_user, wad_u0)

    (ext_u0, ad_i0) = chain(ext_i0, chain(ad_u0, (ext_u0, ad_i0)))
    ni = _sc_gat(ext_u0, ad_i0, edge_index_ui, NITEM)
    (ext_i0, ad_u0) = chain(ni, (ext_i0, ad_u0))
    nu = _sc_gat(ext_i0, ad_u0, edge_index_iu, NUSER)

    z144 = jnp.zeros((1, ROWW), jnp.float32)
    z2 = jnp.zeros((1, ADW), jnp.float32)
    (ni,) = chain(nu, (ni,))
    ext_i1 = _fin(ni, b_0_ui.reshape(1, D), wext_i1, z144)
    (nu,) = chain(ext_i1, (nu,))
    ad_u1 = _fin(nu, b_0_iu.reshape(1, D), wad_u1, z2)

    nu1 = _sc_gat(ext_i1, ad_u1, edge_index_iu, NUSER)

    return _fin(nu1, b_1_iu.reshape(1, D), W_lin, b_lin.reshape(1, D))

# --- scband reference (transcript-rebuilt; emitter-appended) ---
"""Pipeline reference for scband-hetero-gnn-12970801234250 (READ-ONLY COPY).

The authoritative reference and input builder live on the scoring server;
editing this copy changes nothing except your own understanding.
"""

import jax, jax.numpy as jnp
import numpy as np

N_USER = 10000
N_ITEM = 10000
E = 320000
D = 128
HEADS = 2
HID = 64
OUTC = 128


def setup_inputs() -> dict:
    keys = iter(jax.random.split(jax.random.key(0), 64))
    inp = {}
    inp["x_user"] = jax.random.normal(next(keys), (N_USER, D), dtype=jnp.float32)
    inp["x_item"] = jax.random.normal(next(keys), (N_ITEM, D), dtype=jnp.float32)
    inp["edge_index_ui"] = jax.random.randint(next(keys), (2, E), 0, N_USER, dtype=jnp.int32)
    inp["edge_index_iu"] = jax.random.randint(next(keys), (2, E), 0, N_ITEM, dtype=jnp.int32)
    for l in (0, 1):
        for et in ("ui", "iu"):
            inp["Wsrc_%d_%s" % (l, et)] = jax.random.normal(next(keys), (D, HEADS * HID), dtype=jnp.float32) * 0.05
            inp["Wdst_%d_%s" % (l, et)] = jax.random.normal(next(keys), (D, HEADS * HID), dtype=jnp.float32) * 0.05
            inp["asrc_%d_%s" % (l, et)] = jax.random.normal(next(keys), (HEADS, HID), dtype=jnp.float32) * 0.05
            inp["adst_%d_%s" % (l, et)] = jax.random.normal(next(keys), (HEADS, HID), dtype=jnp.float32) * 0.05
            inp["b_%d_%s" % (l, et)] = jnp.zeros((HEADS * HID,), dtype=jnp.float32)
    inp["W_lin"] = jax.random.normal(next(keys), (HEADS * HID, OUTC), dtype=jnp.float32) * 0.05
    inp["b_lin"] = jnp.zeros((OUTC,), dtype=jnp.float32)
    return inp


def _gat(x_src, x_dst, edge_index, Wsrc, Wdst, asrc, adst, b, n_dst):
    # Faithful PyG GATConv((-1,-1), hid, heads, add_self_loops=False), edge_attr unused (edge_dim=None)
    src = edge_index[0]
    dst = edge_index[1]
    hs = (x_src @ Wsrc).reshape(-1, HEADS, HID)
    hd = (x_dst @ Wdst).reshape(-1, HEADS, HID)
    a_s = (hs * asrc[None, :, :]).sum(-1)
    a_d = (hd * adst[None, :, :]).sum(-1)
    alpha = a_s[src] + a_d[dst]
    alpha = jax.nn.leaky_relu(alpha, negative_slope=0.2)
    amax = jax.ops.segment_max(alpha, dst, num_segments=n_dst)
    amax = jnp.where(jnp.isfinite(amax), amax, 0.0)
    ex = jnp.exp(alpha - amax[dst])
    denom = jax.ops.segment_sum(ex, dst, num_segments=n_dst)
    w = ex / (denom[dst] + 1e-16)
    msg = hs[src] * w[:, :, None]
    out = jax.ops.segment_sum(msg, dst, num_segments=n_dst)
    return out.reshape(n_dst, HEADS * HID) + b


def reference(x_user, x_item, edge_index_ui, edge_index_iu,
              Wsrc_0_ui, Wdst_0_ui, asrc_0_ui, adst_0_ui, b_0_ui,
              Wsrc_0_iu, Wdst_0_iu, asrc_0_iu, adst_0_iu, b_0_iu,
              Wsrc_1_ui, Wdst_1_ui, asrc_1_ui, adst_1_ui, b_1_ui,
              Wsrc_1_iu, Wdst_1_iu, asrc_1_iu, adst_1_iu, b_1_iu,
              W_lin, b_lin):
    xu, xi = x_user, x_item
    # layer 0: HeteroConv with aggr='sum' (each dst type receives from exactly one edge type here)
    ni = _gat(xu, xi, edge_index_ui, Wsrc_0_ui, Wdst_0_ui, asrc_0_ui, adst_0_ui, b_0_ui, N_ITEM)
    nu = _gat(xi, xu, edge_index_iu, Wsrc_0_iu, Wdst_0_iu, asrc_0_iu, adst_0_iu, b_0_iu, N_USER)
    xu, xi = jax.nn.relu(nu), jax.nn.relu(ni)
    # layer 1
    ni = _gat(xu, xi, edge_index_ui, Wsrc_1_ui, Wdst_1_ui, asrc_1_ui, adst_1_ui, b_1_ui, N_ITEM)
    nu = _gat(xi, xu, edge_index_iu, Wsrc_1_iu, Wdst_1_iu, asrc_1_iu, adst_1_iu, b_1_iu, N_USER)
    xu = jax.nn.relu(nu)
    return xu @ W_lin + b_lin

if __name__ == "__main__":
    import jax
    _d = setup_inputs()
    print(jax.jit(kernel)(*tuple(_d.values())))

</pallas_src>

<mosaic_0001>
#map = affine_map<(d0, d1) -> (0, 0)>
#map1 = affine_map<(d0, d1) -> (0, 0, 0)>
module attributes {stable_mosaic.version = 14 : i64} {
  func.func @gat(%arg0: i32, %arg1: i32, %arg2: memref<10000x144xf32, #tpu.memory_space<hbm>>, %arg3: memref<10000x16xf32, #tpu.memory_space<hbm>>, %arg4: memref<2x320000xi32, #tpu.memory_space<hbm>>, %arg5: memref<2x10000x144xf32, #tpu.memory_space<hbm>>, %arg6: memref<10000x144xf32, #tpu.memory_space<vmem_shared>>, %arg7: memref<80x16xf32, #tpu.memory_space<vmem>>, %arg8: memref<1x80xi32, #tpu.memory_space<vmem>>, %arg9: memref<1x80xi32, #tpu.memory_space<vmem>>, %arg10: memref<80x144xf32, #tpu.memory_space<vmem>>, %arg11: memref<25x144xf32, #tpu.memory_space<vmem>>, %arg12: memref<80xf32, #tpu.memory_space<vmem>>, %arg13: memref<80xf32, #tpu.memory_space<vmem>>) attributes {dimension_semantics = [#tpu.dimension_semantics<core_parallel>, #tpu.dimension_semantics<subcore_parallel>], iteration_bounds = array<i64: 2, 16>, scalar_prefetch = 0 : i64, scratch_operands = 8 : i64, tpu.core_type = #tpu.core_type<sc_vector_subcore>, window_params = [{transform_indices = #map}, {transform_indices = #map}, {transform_indices = #map}, {transform_indices = #map1}]} {
    %mul3A = arith.constant 2 : i32
    %mul3A_0 = arith.muli %arg1, %mul3A : i32
    %add3A = arith.addi %mul3A_0, %arg0 : i32
    %broadcast_in_dim3A = arith.constant 0.000000e+00 : f32
    %broadcast_in_dim3A_1 = vector.broadcast %broadcast_in_dim3A : f32 to vector<16xf32>
    %scan3A = arith.constant 0 : i32
    %scan3A_2 = arith.constant 25 : i32
    %scan3A_3 = arith.addi %scan3A, %scan3A_2 : i32
    %scan3A_4 = arith.constant 1 : i32
    scf.for %scan3A_30 = %scan3A to %scan3A_3 step %scan3A_4  : i32 {
      %mul3A_31 = arith.constant 1 : i32
      %mul3A_32 = arith.muli %scan3A_30, %mul3A_31 : i32
      %add3A_33 = arith.constant 0 : i32
      %add3A_34 = arith.addi %add3A_33, %mul3A_32 : i32
      %scan3A_35 = arith.constant 0 : i32
      %scan3A_36 = arith.constant 9 : i32
      %scan3A_37 = arith.addi %scan3A_35, %scan3A_36 : i32
      %scan3A_38 = arith.constant 1 : i32
      scf.for %scan3A_40 = %scan3A_35 to %scan3A_37 step %scan3A_38  : i32 {
        %mul3A_41 = arith.constant 16 : i32
        %mul3A_42 = arith.muli %scan3A_40, %mul3A_41 : i32
        %add3A_43 = arith.constant 0 : i32
        %add3A_44 = arith.addi %add3A_43, %mul3A_42 : i32
        %swap3A = arith.index_cast %add3A_34 : i32 to index
        %swap3A_45 = arith.index_cast %add3A_44 : i32 to index
        %swap3A_46 = tpu.vector_load %arg11[%swap3A, %swap3A_45] {strides = array<i32>} : memref<25x144xf32, #tpu.memory_space<vmem>>, vector<16xf32>,
        tpu.vector_store %arg11[%swap3A, %swap3A_45], %broadcast_in_dim3A_1 {strides = array<i32>} : memref<25x144xf32, #tpu.memory_space<vmem>>, vector<16xf32>,
      }
      %scan3A_39 = arith.constant 9 : i32
    }
    %scan3A_5 = arith.constant 25 : i32
    %scan3A_6 = arith.constant 0 : i32
    %scan3A_7 = arith.constant 25 : i32
    %scan3A_8 = arith.addi %scan3A_6, %scan3A_7 : i32
    %scan3A_9 = arith.constant 1 : i32
    scf.for %scan3A_30 = %scan3A_6 to %scan3A_8 step %scan3A_9  : i32 {
      %mul3A_31 = arith.constant 25 : i32
      %mul3A_32 = arith.muli %scan3A_30, %mul3A_31 : i32
      %add3A_33 = arith.constant 0 : i32
      %add3A_34 = arith.addi %add3A_33, %mul3A_32 : i32
      %mul3A_35 = arith.constant 625 : i32
      %mul3A_36 = arith.muli %arg1, %mul3A_35 : i32
      %add3A_37 = arith.addi %mul3A_36, %add3A_34 : i32
      "tpu.region"() ({
        %run_scoped3A = tpu.sem_alloc : memref<!tpu.dma_semaphore, #tpu.memory_space<semaphore_mem>>
        %dma_start3A = arith.constant 0 : i32
        %dma_start3A_38 = tpu.memref_slice %arg6[%add3A_37, %dma_start3A] : memref<10000x144xf32, #tpu.memory_space<vmem_shared>> -> memref<25x144xf32, #tpu.memory_space<vmem_shared>>
        %dma_start3A_39 = arith.constant 0 : i32
        %dma_start3A_40 = tpu.memref_slice %arg6[%add3A_37, %dma_start3A_39] : memref<10000x144xf32, #tpu.memory_space<vmem_shared>> -> memref<25x144xf32, #tpu.memory_space<vmem_shared>>
        tpu.enqueue_dma source(%arg11 : memref<25x144xf32, #tpu.memory_space<vmem>>) target(%dma_start3A_40 : memref<25x144xf32, #tpu.memory_space<vmem_shared>>) target_semaphore(%run_scoped3A : memref<!tpu.dma_semaphore, #tpu.memory_space<semaphore_mem>>)
        %dma_wait3A = arith.constant 0 : i32
        %dma_wait3A_41 = tpu.memref_slice %arg6[%add3A_37, %dma_wait3A] : memref<10000x144xf32, #tpu.memory_space<vmem_shared>> -> memref<25x144xf32, #tpu.memory_space<vmem_shared>>
        %dma_wait3A_42 = arith.constant 0 : i32
        %dma_wait3A_43 = tpu.memref_slice %arg6[%add3A_37, %dma_wait3A_42] : memref<10000x144xf32, #tpu.memory_space<vmem_shared>> -> memref<25x144xf32, #tpu.memory_space<vmem_shared>>
        tpu.wait_dma2 semaphore(%run_scoped3A : memref<!tpu.dma_semaphore, #tpu.memory_space<semaphore_mem>>) src(%arg11 : memref<25x144xf32, #tpu.memory_space<vmem>>) dst(%dma_wait3A_43 : memref<25x144xf32, #tpu.memory_space<vmem_shared>>)
        tpu.yield
      }) : () -> ()
    }
    %scan3A_10 = arith.constant 25 : i32
    %barrier3A = arith.constant 0 : index
    tpu.barrier barrier_id(%barrier3A)
    %broadcast_in_dim3A_11 = arith.constant 128 : i32
    %broadcast_in_dim3A_12 = vector.broadcast %broadcast_in_dim3A_11 : i32 to vector<16xi32>
    %broadcast_in_dim3A_13 = arith.constant 129 : i32
    %broadcast_in_dim3A_14 = vector.broadcast %broadcast_in_dim3A_13 : i32 to vector<16xi32>
    %broadcast_in_dim3A_15 = arith.constant 0 : i32
    %broadcast_in_dim3A_16 = vector.broadcast %broadcast_in_dim3A_15 : i32 to vector<16xi32>
    %broadcast_in_dim3A_17 = arith.constant 1 : i32
    %broadcast_in_dim3A_18 = vector.broadcast %broadcast_in_dim3A_17 : i32 to vector<16xi32>
    %scan3A_19 = arith.constant 0 : i32
    %scan3A_20 = arith.constant 125 : i32
    %scan3A_21 = arith.addi %scan3A_19, %scan3A_20 : i32
    %scan3A_22 = arith.constant 1 : i32
    scf.for %scan3A_30 = %scan3A_19 to %scan3A_21 step %scan3A_22  : i32 {
      %mul3A_31 = arith.constant 1 : i32
      %mul3A_32 = arith.muli %scan3A_30, %mul3A_31 : i32
      %add3A_33 = arith.constant 0 : i32
      %add3A_34 = arith.addi %add3A_33, %mul3A_32 : i32
      %mul3A_35 = arith.constant 10000 : i32
      %mul3A_36 = arith.muli %add3A, %mul3A_35 : i32
      %mul3A_37 = arith.constant 80 : i32
      %mul3A_38 = arith.muli %add3A_34, %mul3A_37 : i32
      %add3A_39 = arith.addi %mul3A_36, %mul3A_38 : i32
      %run_scoped3A = arith.constant 0 : i32
      %run_scoped3A_40 = arith.constant 0 : i32
      "tpu.region"() ({
        %run_scoped3A_56 = tpu.sem_alloc : memref<!tpu.dma_semaphore, #tpu.memory_space<semaphore_mem>>
        %dma_start3A = arith.constant 0 : i32
        %dma_start3A_57 = tpu.memref_slice %arg8[%run_scoped3A_40, %dma_start3A] : memref<1x80xi32, #tpu.memory_space<vmem>> -> memref<1x80xi32, #tpu.memory_space<vmem>>
        %dma_start3A_58 = tpu.memref_squeeze %dma_start3A_57 : memref<1x80xi32, #tpu.memory_space<vmem>> -> memref<80xi32, #tpu.memory_space<vmem>>
        %dma_start3A_59 = tpu.memref_slice %arg4[%run_scoped3A, %add3A_39] : memref<2x320000xi32, #tpu.memory_space<hbm>> -> memref<1x80xi32, #tpu.memory_space<hbm>>
        %dma_start3A_60 = tpu.memref_squeeze %dma_start3A_59 : memref<1x80xi32, #tpu.memory_space<hbm>> -> memref<80xi32, #tpu.memory_space<hbm>>
        %dma_start3A_61 = arith.constant 0 : i32
        %dma_start3A_62 = tpu.memref_slice %arg8[%run_scoped3A_40, %dma_start3A_61] : memref<1x80xi32, #tpu.memory_space<vmem>> -> memref<1x80xi32, #tpu.memory_space<vmem>>
        %dma_start3A_63 = tpu.memref_squeeze %dma_start3A_62 : memref<1x80xi32, #tpu.memory_space<vmem>> -> memref<80xi32, #tpu.memory_space<vmem>>
        %dma_start3A_64 = tpu.memref_slice %arg4[%run_scoped3A, %add3A_39] : memref<2x320000xi32, #tpu.memory_space<hbm>> -> memref<1x80xi32, #tpu.memory_space<hbm>>
        %dma_start3A_65 = tpu.memref_squeeze %dma_start3A_64 : memref<1x80xi32, #tpu.memory_space<hbm>> -> memref<80xi32, #tpu.memory_space<hbm>>
        tpu.enqueue_dma source(%dma_start3A_65 : memref<80xi32, #tpu.memory_space<hbm>>) target(%dma_start3A_63 : memref<80xi32, #tpu.memory_space<vmem>>) target_semaphore(%run_scoped3A_56 : memref<!tpu.dma_semaphore, #tpu.memory_space<semaphore_mem>>)
        %dma_wait3A = arith.constant 0 : i32
        %dma_wait3A_66 = tpu.memref_slice %arg8[%run_scoped3A_40, %dma_wait3A] : memref<1x80xi32, #tpu.memory_space<vmem>> -> memref<1x80xi32, #tpu.memory_space<vmem>>
        %dma_wait3A_67 = tpu.memref_squeeze %dma_wait3A_66 : memref<1x80xi32, #tpu.memory_space<vmem>> -> memref<80xi32, #tpu.memory_space<vmem>>
        %dma_wait3A_68 = tpu.memref_slice %arg4[%run_scoped3A, %add3A_39] : memref<2x320000xi32, #tpu.memory_space<hbm>> -> memref<1x80xi32, #tpu.memory_space<hbm>>
        %dma_wait3A_69 = tpu.memref_squeeze %dma_wait3A_68 : memref<1x80xi32, #tpu.memory_space<hbm>> -> memref<80xi32, #tpu.memory_space<hbm>>
        %dma_wait3A_70 = arith.constant 0 : i32
        %dma_wait3A_71 = tpu.memref_slice %arg8[%run_scoped3A_40, %dma_wait3A_70] : memref<1x80xi32, #tpu.memory_space<vmem>> -> memref<1x80xi32, #tpu.memory_space<vmem>>
        %dma_wait3A_72 = tpu.memref_squeeze %dma_wait3A_71 : memref<1x80xi32, #tpu.memory_space<vmem>> -> memref<80xi32, #tpu.memory_space<vmem>>
        %dma_wait3A_73 = tpu.memref_slice %arg4[%run_scoped3A, %add3A_39] : memref<2x320000xi32, #tpu.memory_space<hbm>> -> memref<1x80xi32, #tpu.memory_space<hbm>>
        %dma_wait3A_74 = tpu.memref_squeeze %dma_wait3A_73 : memref<1x80xi32, #tpu.memory_space<hbm>> -> memref<80xi32, #tpu.memory_space<hbm>>
        tpu.wait_dma2 semaphore(%run_scoped3A_56 : memref<!tpu.dma_semaphore, #tpu.memory_space<semaphore_mem>>) src(%dma_wait3A_74 : memref<80xi32, #tpu.memory_space<hbm>>) dst(%dma_wait3A_72 : memref<80xi32, #tpu.memory_space<vmem>>)
        tpu.yield
      }) : () -> ()
      %run_scoped3A_41 = arith.constant 1 : i32
      %run_scoped3A_42 = arith.constant 0 : i32
      "tpu.region"() ({
        %run_scoped3A_56 = tpu.sem_alloc : memref<!tpu.dma_semaphore, #tpu.memory_space<semaphore_mem>>
        %dma_start3A = arith.constant 0 : i32
        %dma_start3A_57 = tpu.memref_slice %arg9[%run_scoped3A_42, %dma_start3A] : memref<1x80xi32, #tpu.memory_space<vmem>> -> memref<1x80xi32, #tpu.memory_space<vmem>>
        %dma_start3A_58 = tpu.memref_squeeze %dma_start3A_57 : memref<1x80xi32, #tpu.memory_space<vmem>> -> memref<80xi32, #tpu.memory_space<vmem>>
        %dma_start3A_59 = tpu.memref_slice %arg4[%run_scoped3A_41, %add3A_39] : memref<2x320000xi32, #tpu.memory_space<hbm>> -> memref<1x80xi32, #tpu.memory_space<hbm>>
        %dma_start3A_60 = tpu.memref_squeeze %dma_start3A_59 : memref<1x80xi32, #tpu.memory_space<hbm>> -> memref<80xi32, #tpu.memory_space<hbm>>
        %dma_start3A_61 = arith.constant 0 : i32
        %dma_start3A_62 = tpu.memref_slice %arg9[%run_scoped3A_42, %dma_start3A_61] : memref<1x80xi32, #tpu.memory_space<vmem>> -> memref<1x80xi32, #tpu.memory_space<vmem>>
        %dma_start3A_63 = tpu.memref_squeeze %dma_start3A_62 : memref<1x80xi32, #tpu.memory_space<vmem>> -> memref<80xi32, #tpu.memory_space<vmem>>
        %dma_start3A_64 = tpu.memref_slice %arg4[%run_scoped3A_41, %add3A_39] : memref<2x320000xi32, #tpu.memory_space<hbm>> -> memref<1x80xi32, #tpu.memory_space<hbm>>
        %dma_start3A_65 = tpu.memref_squeeze %dma_start3A_64 : memref<1x80xi32, #tpu.memory_space<hbm>> -> memref<80xi32, #tpu.memory_space<hbm>>
        tpu.enqueue_dma source(%dma_start3A_65 : memref<80xi32, #tpu.memory_space<hbm>>) target(%dma_start3A_63 : memref<80xi32, #tpu.memory_space<vmem>>) target_semaphore(%run_scoped3A_56 : memref<!tpu.dma_semaphore, #tpu.memory_space<semaphore_mem>>)
        %dma_wait3A = arith.constant 0 : i32
        %dma_wait3A_66 = tpu.memref_slice %arg9[%run_scoped3A_42, %dma_wait3A] : memref<1x80xi32, #tpu.memory_space<vmem>> -> memref<1x80xi32, #tpu.memory_space<vmem>>
        %dma_wait3A_67 = tpu.memref_squeeze %dma_wait3A_66 : memref<1x80xi32, #tpu.memory_space<vmem>> -> memref<80xi32, #tpu.memory_space<vmem>>
        %dma_wait3A_68 = tpu.memref_slice %arg4[%run_scoped3A_41, %add3A_39] : memref<2x320000xi32, #tpu.memory_space<hbm>> -> memref<1x80xi32, #tpu.memory_space<hbm>>
        %dma_wait3A_69 = tpu.memref_squeeze %dma_wait3A_68 : memref<1x80xi32, #tpu.memory_space<hbm>> -> memref<80xi32, #tpu.memory_space<hbm>>
        %dma_wait3A_70 = arith.constant 0 : i32
        %dma_wait3A_71 = tpu.memref_slice %arg9[%run_scoped3A_42, %dma_wait3A_70] : memref<1x80xi32, #tpu.memory_space<vmem>> -> memref<1x80xi32, #tpu.memory_space<vmem>>
        %dma_wait3A_72 = tpu.memref_squeeze %dma_wait3A_71 : memref<1x80xi32, #tpu.memory_space<vmem>> -> memref<80xi32, #tpu.memory_space<vmem>>
        %dma_wait3A_73 = tpu.memref_slice %arg4[%run_scoped3A_41, %add3A_39] : memref<2x320000xi32, #tpu.memory_space<hbm>> -> memref<1x80xi32, #tpu.memory_space<hbm>>
        %dma_wait3A_74 = tpu.memref_squeeze %dma_wait3A_73 : memref<1x80xi32, #tpu.memory_space<hbm>> -> memref<80xi32, #tpu.memory_space<hbm>>
        tpu.wait_dma2 semaphore(%run_scoped3A_56 : memref<!tpu.dma_semaphore, #tpu.memory_space<semaphore_mem>>) src(%dma_wait3A_74 : memref<80xi32, #tpu.memory_space<hbm>>) dst(%dma_wait3A_72 : memref<80xi32, #tpu.memory_space<vmem>>)
        tpu.yield
      }) : () -> ()
      %run_scoped3A_43 = arith.constant 0 : i32
      "tpu.region"() ({
        %run_scoped3A_56 = tpu.sem_alloc : memref<!tpu.dma_semaphore, #tpu.memory_space<semaphore_mem>>
        %dma_start3A = arith.constant 0 : i32
        %dma_start3A_57 = tpu.memref_slice %arg8[%run_scoped3A_43, %dma_start3A] : memref<1x80xi32, #tpu.memory_space<vmem>> -> memref<1x80xi32, #tpu.memory_space<vmem>>
        %dma_start3A_58 = tpu.memref_squeeze %dma_start3A_57 : memref<1x80xi32, #tpu.memory_space<vmem>> -> memref<80xi32, #tpu.memory_space<vmem>>
        %dma_start3A_59 = arith.constant 0 : i32
        %dma_start3A_60 = arith.constant 0 : i32
        %dma_start3A_61 = tpu.memref_slice %arg2[%dma_start3A_59, %dma_start3A_60] : memref<10000x144xf32, #tpu.memory_space<hbm>> -> memref<10000x144xf32, #tpu.memory_space<hbm>>
        tpu.enqueue_indirect_dma source(%dma_start3A_61 : memref<10000x144xf32, #tpu.memory_space<hbm>>) target(%arg10 : memref<80x144xf32, #tpu.memory_space<vmem>>) offsets(%dma_start3A_58 : memref<80xi32, #tpu.memory_space<vmem>>) semaphore(%run_scoped3A_56 : memref<!tpu.dma_semaphore, #tpu.memory_space<semaphore_mem>>)
        %dma_wait3A = arith.constant 0 : i32
        %dma_wait3A_62 = tpu.memref_slice %arg8[%run_scoped3A_43, %dma_wait3A] : memref<1x80xi32, #tpu.memory_space<vmem>> -> memref<1x80xi32, #tpu.memory_space<vmem>>
        %dma_wait3A_63 = tpu.memref_squeeze %dma_wait3A_62 : memref<1x80xi32, #tpu.memory_space<vmem>> -> memref<80xi32, #tpu.memory_space<vmem>>
        %dma_wait3A_64 = arith.constant 0 : i32
        %dma_wait3A_65 = arith.constant 0 : i32
        %dma_wait3A_66 = tpu.memref_slice %arg2[%dma_wait3A_64, %dma_wait3A_65] : memref<10000x144xf32, #tpu.memory_space<hbm>> -> memref<10000x144xf32, #tpu.memory_space<hbm>>
        tpu.wait_indirect_dma semaphore(%run_scoped3A_56 : memref<!tpu.dma_semaphore, #tpu.memory_space<semaphore_mem>>) src(%dma_wait3A_66 : memref<10000x144xf32, #tpu.memory_space<hbm>>) dst(%arg10 : memref<80x144xf32, #tpu.memory_space<vmem>>)
        tpu.yield
      }) : () -> ()
      %run_scoped3A_44 = arith.constant 0 : i32
      "tpu.region"() ({
        %run_scoped3A_56 = tpu.sem_alloc : memref<!tpu.dma_semaphore, #tpu.memory_space<semaphore_mem>>
        %dma_start3A = arith.constant 0 : i32
        %dma_start3A_57 = tpu.memref_slice %arg9[%run_scoped3A_44, %dma_start3A] : memref<1x80xi32, #tpu.memory_space<vmem>> -> memref<1x80xi32, #tpu.memory_space<vmem>>
        %dma_start3A_58 = tpu.memref_squeeze %dma_start3A_57 : memref<1x80xi32, #tpu.memory_space<vmem>> -> memref<80xi32, #tpu.memory_space<vmem>>
        %dma_start3A_59 = arith.constant 0 : i32
        %dma_start3A_60 = arith.constant 0 : i32
        %dma_start3A_61 = tpu.memref_slice %arg3[%dma_start3A_59, %dma_start3A_60] : memref<10000x16xf32, #tpu.memory_space<hbm>> -> memref<10000x16xf32, #tpu.memory_space<hbm>>
        tpu.enqueue_indirect_dma source(%dma_start3A_61 : memref<10000x16xf32, #tpu.memory_space<hbm>>) target(%arg7 : memref<80x16xf32, #tpu.memory_space<vmem>>) offsets(%dma_start3A_58 : memref<80xi32, #tpu.memory_space<vmem>>) semaphore(%run_scoped3A_56 : memref<!tpu.dma_semaphore, #tpu.memory_space<semaphore_mem>>)
        %dma_wait3A = arith.constant 0 : i32
        %dma_wait3A_62 = tpu.memref_slice %arg9[%run_scoped3A_44, %dma_wait3A] : memref<1x80xi32, #tpu.memory_space<vmem>> -> memref<1x80xi32, #tpu.memory_space<vmem>>
        %dma_wait3A_63 = tpu.memref_squeeze %dma_wait3A_62 : memref<1x80xi32, #tpu.memory_space<vmem>> -> memref<80xi32, #tpu.memory_space<vmem>>
        %dma_wait3A_64 = arith.constant 0 : i32
        %dma_wait3A_65 = arith.constant 0 : i32
        %dma_wait3A_66 = tpu.memref_slice %arg3[%dma_wait3A_64, %dma_wait3A_65] : memref<10000x16xf32, #tpu.memory_space<hbm>> -> memref<10000x16xf32, #tpu.memory_space<hbm>>
        tpu.wait_indirect_dma semaphore(%run_scoped3A_56 : memref<!tpu.dma_semaphore, #tpu.memory_space<semaphore_mem>>) src(%dma_wait3A_66 : memref<10000x16xf32, #tpu.memory_space<hbm>>) dst(%arg7 : memref<80x16xf32, #tpu.memory_space<vmem>>)
        tpu.yield
      }) : () -> ()
      %scan3A_45 = arith.constant 0 : i32
      %scan3A_46 = arith.constant 5 : i32
      %scan3A_47 = arith.addi %scan3A_45, %scan3A_46 : i32
      %scan3A_48 = arith.constant 1 : i32
      scf.for %scan3A_56 = %scan3A_45 to %scan3A_47 step %scan3A_48  : i32 {
        %mul3A_57 = arith.constant 16 : i32
        %mul3A_58 = arith.muli %scan3A_56, %mul3A_57 : i32
        %add3A_59 = arith.constant 0 : i32
        %add3A_60 = arith.addi %add3A_59, %mul3A_58 : i32
        %iota3A = tpu.iota {dimensions = array<i32: 0>} : vector<16xi32>
        %add3A_61 = vector.broadcast %add3A_60 : i32 to vector<16xi32>
        %add3A_62 = arith.addi %add3A_61, %iota3A : vector<16xi32>
        %gather3A = tpu.vector_load_idx %arg10[%add3A_62, %broadcast_in_dim3A_12] : memref<80x144xf32, #tpu.memory_space<vmem>>[vector<16xi32>, vector<16xi32>], vector<16xf32>,
        %gather3A_63 = tpu.vector_load_idx %arg10[%add3A_62, %broadcast_in_dim3A_14] : memref<80x144xf32, #tpu.memory_space<vmem>>[vector<16xi32>, vector<16xi32>], vector<16xf32>,
        %gather3A_64 = tpu.vector_load_idx %arg7[%add3A_62, %broadcast_in_dim3A_16] : memref<80x16xf32, #tpu.memory_space<vmem>>[vector<16xi32>, vector<16xi32>], vector<16xf32>,
        %gather3A_65 = tpu.vector_load_idx %arg7[%add3A_62, %broadcast_in_dim3A_18] : memref<80x16xf32, #tpu.memory_space<vmem>>[vector<16xi32>, vector<16xi32>], vector<16xf32>,
        %add3A_66 = arith.addf %gather3A, %gather3A_64 : vector<16xf32>
        %add3A_67 = arith.addf %gather3A_63, %gather3A_65 : vector<16xf32>
        %mul3A_68 = arith.constant 2.000000e-01 : f32
        %mul3A_69 = vector.broadcast %mul3A_68 : f32 to vector<16xf32>
        %mul3A_70 = arith.mulf %add3A_66, %mul3A_69 : vector<16xf32>
        %max3A = arith.maximumf %add3A_66, %mul3A_70 : vector<16xf32>
        %exp3A = math.exp %max3A : vector<16xf32>
        %mul3A_71 = arith.constant 2.000000e-01 : f32
        %mul3A_72 = vector.broadcast %mul3A_71 : f32 to vector<16xf32>
        %mul3A_73 = arith.mulf %add3A_67, %mul3A_72 : vector<16xf32>
        %max3A_74 = arith.maximumf %add3A_67, %mul3A_73 : vector<16xf32>
        %exp3A_75 = math.exp %max3A_74 : vector<16xf32>
        tpu.vector_store_idx %arg10[%add3A_62, %broadcast_in_dim3A_12], %exp3A : memref<80x144xf32, #tpu.memory_space<vmem>>[vector<16xi32>, vector<16xi32>], vector<16xf32>,
        tpu.vector_store_idx %arg10[%add3A_62, %broadcast_in_dim3A_14], %exp3A_75 : memref<80x144xf32, #tpu.memory_space<vmem>>[vector<16xi32>, vector<16xi32>], vector<16xf32>,
        %swap3A = arith.index_cast %add3A_60 : i32 to index
        %swap3A_76 = tpu.vector_load %arg12[%swap3A] {strides = array<i32>} : memref<80xf32, #tpu.memory_space<vmem>>, vector<16xf32>,
        tpu.vector_store %arg12[%swap3A], %exp3A {strides = array<i32>} : memref<80xf32, #tpu.memory_space<vmem>>, vector<16xf32>,
        %swap3A_77 = arith.index_cast %add3A_60 : i32 to index
        %swap3A_78 = tpu.vector_load %arg13[%swap3A_77] {strides = array<i32>} : memref<80xf32, #tpu.memory_space<vmem>>, vector<16xf32>,
        tpu.vector_store %arg13[%swap3A_77], %exp3A_75 {strides = array<i32>} : memref<80xf32, #tpu.memory_space<vmem>>, vector<16xf32>,
      }
      %scan3A_49 = arith.constant 5 : i32
      %scan3A_50 = arith.constant 0 : i32
      %scan3A_51 = arith.constant 80 : i32
      %scan3A_52 = arith.addi %scan3A_50, %scan3A_51 : i32
      %scan3A_53 = arith.constant 1 : i32
      scf.for %scan3A_56 = %scan3A_50 to %scan3A_52 step %scan3A_53  : i32 {
        %mul3A_57 = arith.constant 1 : i32
        %mul3A_58 = arith.muli %scan3A_56, %mul3A_57 : i32
        %add3A_59 = arith.constant 0 : i32
        %add3A_60 = arith.addi %add3A_59, %mul3A_58 : i32
        %broadcast_in_dim3A_61 = arith.constant 0 : i32
        %broadcast_in_dim3A_62 = vector.broadcast %broadcast_in_dim3A_61 : i32 to vector<16xi32>
        %add3A_63 = vector.broadcast %add3A_60 : i32 to vector<16xi32>
        %add3A_64 = arith.addi %broadcast_in_dim3A_62, %add3A_63 : vector<16xi32>
        %gather3A = tpu.vector_load_idx %arg12[%add3A_64] : memref<80xf32, #tpu.memory_space<vmem>>[vector<16xi32>], vector<16xf32>,
        %gather3A_65 = tpu.vector_load_idx %arg13[%add3A_64] : memref<80xf32, #tpu.memory_space<vmem>>[vector<16xi32>], vector<16xf32>,
        %get3A = arith.index_cast %add3A_60 : i32 to index
        %get3A_66 = arith.constant 0 : index
        %get3A_67 = tpu.vector_load %arg10[%get3A, %get3A_66] {strides = array<i32>} : memref<80x144xf32, #tpu.memory_space<vmem>>, vector<16xf32>,
        %mul3A_68 = arith.mulf %get3A_67, %gather3A : vector<16xf32>
        %swap3A = arith.index_cast %add3A_60 : i32 to index
        %swap3A_69 = arith.constant 0 : index
        %swap3A_70 = tpu.vector_load %arg10[%swap3A, %swap3A_69] {strides = array<i32>} : memref<80x144xf32, #tpu.memory_space<vmem>>, vector<16xf32>,
        tpu.vector_store %arg10[%swap3A, %swap3A_69], %mul3A_68 {strides = array<i32>} : memref<80x144xf32, #tpu.memory_space<vmem>>, vector<16xf32>,
        %get3A_71 = arith.index_cast %add3A_60 : i32 to index
        %get3A_72 = arith.constant 16 : index
        %get3A_73 = tpu.vector_load %arg10[%get3A_71, %get3A_72] {strides = array<i32>} : memref<80x144xf32, #tpu.memory_space<vmem>>, vector<16xf32>,
        %mul3A_74 = arith.mulf %get3A_73, %gather3A : vector<16xf32>
        %swap3A_75 = arith.index_cast %add3A_60 : i32 to index
        %swap3A_76 = arith.constant 16 : index
        %swap3A_77 = tpu.vector_load %arg10[%swap3A_75, %swap3A_76] {strides = array<i32>} : memref<80x144xf32, #tpu.memory_space<vmem>>, vector<16xf32>,
        tpu.vector_store %arg10[%swap3A_75, %swap3A_76], %mul3A_74 {strides = array<i32>} : memref<80x144xf32, #tpu.memory_space<vmem>>, vector<16xf32>,
        %get3A_78 = arith.index_cast %add3A_60 : i32 to index
        %get3A_79 = arith.constant 32 : index
        %get3A_80 = tpu.vector_load %arg10[%get3A_78, %get3A_79] {strides = array<i32>} : memref<80x144xf32, #tpu.memory_space<vmem>>, vector<16xf32>,
        %mul3A_81 = arith.mulf %get3A_80, %gather3A : vector<16xf32>
        %swap3A_82 = arith.index_cast %add3A_60 : i32 to index
        %swap3A_83 = arith.constant 32 : index
        %swap3A_84 = tpu.vector_load %arg10[%swap3A_82, %swap3A_83] {strides = array<i32>} : memref<80x144xf32, #tpu.memory_space<vmem>>, vector<16xf32>,
        tpu.vector_store %arg10[%swap3A_82, %swap3A_83], %mul3A_81 {strides = array<i32>} : memref<80x144xf32, #tpu.memory_space<vmem>>, vector<16xf32>,
        %get3A_85 = arith.index_cast %add3A_60 : i32 to index
        %get3A_86 = arith.constant 48 : index
        %get3A_87 = tpu.vector_load %arg10[%get3A_85, %get3A_86] {strides = array<i32>} : memref<80x144xf32, #tpu.memory_space<vmem>>, vector<16xf32>,
        %mul3A_88 = arith.mulf %get3A_87, %gather3A : vector<16xf32>
        %swap3A_89 = arith.index_cast %add3A_60 : i32 to index
        %swap3A_90 = arith.constant 48 : index
        %swap3A_91 = tpu.vector_load %arg10[%swap3A_89, %swap3A_90] {strides = array<i32>} : memref<80x144xf32, #tpu.memory_space<vmem>>, vector<16xf32>,
        tpu.vector_store %arg10[%swap3A_89, %swap3A_90], %mul3A_88 {strides = array<i32>} : memref<80x144xf32, #tpu.memory_space<vmem>>, vector<16xf32>,
        %get3A_92 = arith.index_cast %add3A_60 : i32 to index
        %get3A_93 = arith.constant 64 : index
        %get3A_94 = tpu.vector_load %arg10[%get3A_92, %get3A_93] {strides = array<i32>} : memref<80x144xf32, #tpu.memory_space<vmem>>, vector<16xf32>,
        %mul3A_95 = arith.mulf %get3A_94, %gather3A_65 : vector<16xf32>
        %swap3A_96 = arith.index_cast %add3A_60 : i32 to index
        %swap3A_97 = arith.constant 64 : index
        %swap3A_98 = tpu.vector_load %arg10[%swap3A_96, %swap3A_97] {strides = array<i32>} : memref<80x144xf32, #tpu.memory_space<vmem>>, vector<16xf32>,
        tpu.vector_store %arg10[%swap3A_96, %swap3A_97], %mul3A_95 {strides = array<i32>} : memref<80x144xf32, #tpu.memory_space<vmem>>, vector<16xf32>,
        %get3A_99 = arith.index_cast %add3A_60 : i32 to index
        %get3A_100 = arith.constant 80 : index
        %get3A_101 = tpu.vector_load %arg10[%get3A_99, %get3A_100] {strides = array<i32>} : memref<80x144xf32, #tpu.memory_space<vmem>>, vector<16xf32>,
        %mul3A_102 = arith.mulf %get3A_101, %gather3A_65 : vector<16xf32>
        %swap3A_103 = arith.index_cast %add3A_60 : i32 to index
        %swap3A_104 = arith.constant 80 : index
        %swap3A_105 = tpu.vector_load %arg10[%swap3A_103, %swap3A_104] {strides = array<i32>} : memref<80x144xf32, #tpu.memory_space<vmem>>, vector<16xf32>,
        tpu.vector_store %arg10[%swap3A_103, %swap3A_104], %mul3A_102 {strides = array<i32>} : memref<80x144xf32, #tpu.memory_space<vmem>>, vector<16xf32>,
        %get3A_106 = arith.index_cast %add3A_60 : i32 to index
        %get3A_107 = arith.constant 96 : index
        %get3A_108 = tpu.vector_load %arg10[%get3A_106, %get3A_107] {strides = array<i32>} : memref<80x144xf32, #tpu.memory_space<vmem>>, vector<16xf32>,
        %mul3A_109 = arith.mulf %get3A_108, %gather3A_65 : vector<16xf32>
        %swap3A_110 = arith.index_cast %add3A_60 : i32 to index
        %swap3A_111 = arith.constant 96 : index
        %swap3A_112 = tpu.vector_load %arg10[%swap3A_110, %swap3A_111] {strides = array<i32>} : memref<80x144xf32, #tpu.memory_space<vmem>>, vector<16xf32>,
        tpu.vector_store %arg10[%swap3A_110, %swap3A_111], %mul3A_109 {strides = array<i32>} : memref<80x144xf32, #tpu.memory_space<vmem>>, vector<16xf32>,
        %get3A_113 = arith.index_cast %add3A_60 : i32 to index
        %get3A_114 = arith.constant 112 : index
        %get3A_115 = tpu.vector_load %arg10[%get3A_113, %get3A_114] {strides = array<i32>} : memref<80x144xf32, #tpu.memory_space<vmem>>, vector<16xf32>,
        %mul3A_116 = arith.mulf %get3A_115, %gather3A_65 : vector<16xf32>
        %swap3A_117 = arith.index_cast %add3A_60 : i32 to index
        %swap3A_118 = arith.constant 112 : index
        %swap3A_119 = tpu.vector_load %arg10[%swap3A_117, %swap3A_118] {strides = array<i32>} : memref<80x144xf32, #tpu.memory_space<vmem>>, vector<16xf32>,
        tpu.vector_store %arg10[%swap3A_117, %swap3A_118], %mul3A_116 {strides = array<i32>} : memref<80x144xf32, #tpu.memory_space<vmem>>, vector<16xf32>,
      }
      %scan3A_54 = arith.constant 80 : i32
      %run_scoped3A_55 = arith.constant 0 : i32
      "tpu.region"() ({
        %run_scoped3A_56 = tpu.sem_alloc : memref<!tpu.dma_semaphore, #tpu.memory_space<semaphore_mem>>
        %dma_start3A = arith.constant 0 : i32
        %dma_start3A_57 = tpu.memref_slice %arg9[%run_scoped3A_55, %dma_start3A] : memref<1x80xi32, #tpu.memory_space<vmem>> -> memref<1x80xi32, #tpu.memory_space<vmem>>
        %dma_start3A_58 = tpu.memref_squeeze %dma_start3A_57 : memref<1x80xi32, #tpu.memory_space<vmem>> -> memref<80xi32, #tpu.memory_space<vmem>>
        %dma_start3A_59 = arith.constant 0 : i32
        %dma_start3A_60 = arith.constant 0 : i32
        %dma_start3A_61 = tpu.memref_slice %arg6[%dma_start3A_59, %dma_start3A_60] : memref<10000x144xf32, #tpu.memory_space<vmem_shared>> -> memref<10000x144xf32, #tpu.memory_space<vmem_shared>>
        tpu.enqueue_indirect_dma source(%arg10 : memref<80x144xf32, #tpu.memory_space<vmem>>) target(%dma_start3A_61 : memref<10000x144xf32, #tpu.memory_space<vmem_shared>>) offsets(%dma_start3A_58 : memref<80xi32, #tpu.memory_space<vmem>>) semaphore(%run_scoped3A_56 : memref<!tpu.dma_semaphore, #tpu.memory_space<semaphore_mem>>) {add = true}
        %dma_wait3A = arith.constant 0 : i32
        %dma_wait3A_62 = tpu.memref_slice %arg9[%run_scoped3A_55, %dma_wait3A] : memref<1x80xi32, #tpu.memory_space<vmem>> -> memref<1x80xi32, #tpu.memory_space<vmem>>
        %dma_wait3A_63 = tpu.memref_squeeze %dma_wait3A_62 : memref<1x80xi32, #tpu.memory_space<vmem>> -> memref<80xi32, #tpu.memory_space<vmem>>
        %dma_wait3A_64 = arith.constant 0 : i32
        %dma_wait3A_65 = arith.constant 0 : i32
        %dma_wait3A_66 = tpu.memref_slice %arg6[%dma_wait3A_64, %dma_wait3A_65] : memref<10000x144xf32, #tpu.memory_space<vmem_shared>> -> memref<10000x144xf32, #tpu.memory_space<vmem_shared>>
        tpu.wait_indirect_dma semaphore(%run_scoped3A_56 : memref<!tpu.dma_semaphore, #tpu.memory_space<semaphore_mem>>) src(%arg10 : memref<80x144xf32, #tpu.memory_space<vmem>>) dst(%dma_wait3A_66 : memref<10000x144xf32, #tpu.memory_space<vmem_shared>>)
        tpu.yield
      }) : () -> ()
    }
    %scan3A_23 = arith.constant 125 : i32
    %barrier3A_24 = arith.constant 0 : index
    tpu.barrier barrier_id(%barrier3A_24)
    %scan3A_25 = arith.constant 0 : i32
    %scan3A_26 = arith.constant 25 : i32
    %scan3A_27 = arith.addi %scan3A_25, %scan3A_26 : i32
    %scan3A_28 = arith.constant 1 : i32
    scf.for %scan3A_30 = %scan3A_25 to %scan3A_27 step %scan3A_28  : i32 {
      %mul3A_31 = arith.constant 25 : i32
      %mul3A_32 = arith.muli %scan3A_30, %mul3A_31 : i32
      %add3A_33 = arith.constant 0 : i32
      %add3A_34 = arith.addi %add3A_33, %mul3A_32 : i32
      %mul3A_35 = arith.constant 625 : i32
      %mul3A_36 = arith.muli %arg1, %mul3A_35 : i32
      %add3A_37 = arith.addi %mul3A_36, %add3A_34 : i32
      %mul3A_38 = arith.constant 625 : i32
      %mul3A_39 = arith.muli %arg1, %mul3A_38 : i32
      %add3A_40 = arith.addi %mul3A_39, %add3A_34 : i32
      "tpu.region"() ({
        %run_scoped3A = tpu.sem_alloc : memref<!tpu.dma_semaphore, #tpu.memory_space<semaphore_mem>>
        %dma_start3A = arith.constant 0 : i32
        %dma_start3A_41 = tpu.memref_slice %arg5[%arg0, %add3A_40, %dma_start3A] : memref<2x10000x144xf32, #tpu.memory_space<hbm>> -> memref<1x25x144xf32, #tpu.memory_space<hbm>>
        %dma_start3A_42 = tpu.memref_squeeze %dma_start3A_41 : memref<1x25x144xf32, #tpu.memory_space<hbm>> -> memref<25x144xf32, #tpu.memory_space<hbm>>
        %dma_start3A_43 = arith.constant 0 : i32
        %dma_start3A_44 = tpu.memref_slice %arg6[%add3A_37, %dma_start3A_43] : memref<10000x144xf32, #tpu.memory_space<vmem_shared>> -> memref<25x144xf32, #tpu.memory_space<vmem_shared>>
        tpu.enqueue_dma source(%dma_start3A_44 : memref<25x144xf32, #tpu.memory_space<vmem_shared>>) target(%dma_start3A_42 : memref<25x144xf32, #tpu.memory_space<hbm>>) target_semaphore(%run_scoped3A : memref<!tpu.dma_semaphore, #tpu.memory_space<semaphore_mem>>)
        %dma_wait3A = arith.constant 0 : i32
        %dma_wait3A_45 = tpu.memref_slice %arg5[%arg0, %add3A_40, %dma_wait3A] : memref<2x10000x144xf32, #tpu.memory_space<hbm>> -> memref<1x25x144xf32, #tpu.memory_space<hbm>>
        %dma_wait3A_46 = tpu.memref_squeeze %dma_wait3A_45 : memref<1x25x144xf32, #tpu.memory_space<hbm>> -> memref<25x144xf32, #tpu.memory_space<hbm>>
        %dma_wait3A_47 = arith.constant 0 : i32
        %dma_wait3A_48 = tpu.memref_slice %arg6[%add3A_37, %dma_wait3A_47] : memref<10000x144xf32, #tpu.memory_space<vmem_shared>> -> memref<25x144xf32, #tpu.memory_space<vmem_shared>>
        tpu.wait_dma2 semaphore(%run_scoped3A : memref<!tpu.dma_semaphore, #tpu.memory_space<semaphore_mem>>) src(%dma_wait3A_48 : memref<25x144xf32, #tpu.memory_space<vmem_shared>>) dst(%dma_wait3A_46 : memref<25x144xf32, #tpu.memory_space<hbm>>)
        tpu.yield
      }) : () -> ()
    }
    %scan3A_29 = arith.constant 25 : i32
    return
  }
}

#map = affine_map<(d0, d1) -> (0, 0)>
#map1 = affine_map<(d0, d1) -> (0, 0, 0)>
module attributes {stable_mosaic.version = 14 : i64} {
  func.func @gat(%arg0: i32, %arg1: i32, %arg2: memref<10000x144xf32, #tpu.memory_space<hbm>>, %arg3: memref<10000x16xf32, #tpu.memory_space<hbm>>, %arg4: memref<2x320000xi32, #tpu.memory_space<hbm>>, %arg5: memref<2x10000x144xf32, #tpu.memory_space<hbm>>, %arg6: memref<10000x144xf32, #tpu.memory_space<vmem_shared>>, %arg7: memref<80x16xf32, #tpu.memory_space<vmem>>, %arg8: memref<1x80xi32, #tpu.memory_space<vmem>>, %arg9: memref<1x80xi32, #tpu.memory_space<vmem>>, %arg10: memref<80x144xf32, #tpu.memory_space<vmem>>, %arg11: memref<25x144xf32, #tpu.memory_space<vmem>>, %arg12: memref<80xf32, #tpu.memory_space<vmem>>, %arg13: memref<80xf32, #tpu.memory_space<vmem>>) attributes {dimension_semantics = [#tpu.dimension_semantics<core_parallel>, #tpu.dimension_semantics<subcore_parallel>], iteration_bounds = array<i64: 2, 16>, scalar_prefetch = 0 : i64, scratch_operands = 8 : i64, tpu.core_type = #tpu.core_type<sc_vector_subcore>, window_params = [{transform_indices = #map}, {transform_indices = #map}, {transform_indices = #map}, {transform_indices = #map1}]} {
    %mul3A = arith.constant 2 : i32
    %mul3A_0 = arith.muli %arg1, %mul3A : i32
    %add3A = arith.addi %mul3A_0, %arg0 : i32
    %broadcast_in_dim3A = arith.constant 0.000000e+00 : f32
    %broadcast_in_dim3A_1 = vector.broadcast %broadcast_in_dim3A : f32 to vector<16xf32>
    %scan3A = arith.constant 0 : i32
    %scan3A_2 = arith.constant 25 : i32
    %scan3A_3 = arith.addi %scan3A, %scan3A_2 : i32
    %scan3A_4 = arith.constant 1 : i32
    scf.for %scan3A_30 = %scan3A to %scan3A_3 step %scan3A_4  : i32 {
      %mul3A_31 = arith.constant 1 : i32
      %mul3A_32 = arith.muli %scan3A_30, %mul3A_31 : i32
      %add3A_33 = arith.constant 0 : i32
      %add3A_34 = arith.addi %add3A_33, %mul3A_32 : i32
      %scan3A_35 = arith.constant 0 : i32
      %scan3A_36 = arith.constant 9 : i32
      %scan3A_37 = arith.addi %scan3A_35, %scan3A_36 : i32
      %scan3A_38 = arith.constant 1 : i32
      scf.for %scan3A_40 = %scan3A_35 to %scan3A_37 step %scan3A_38  : i32 {
        %mul3A_41 = arith.constant 16 : i32
        %mul3A_42 = arith.muli %scan3A_40, %mul3A_41 : i32
        %add3A_43 = arith.constant 0 : i32
        %add3A_44 = arith.addi %add3A_43, %mul3A_42 : i32
        %swap3A = arith.index_cast %add3A_34 : i32 to index
        %swap3A_45 = arith.index_cast %add3A_44 : i32 to index
        %swap3A_46 = tpu.vector_load %arg11[%swap3A, %swap3A_45] {strides = array<i32>} : memref<25x144xf32, #tpu.memory_space<vmem>>, vector<16xf32>,
        tpu.vector_store %arg11[%swap3A, %swap3A_45], %broadcast_in_dim3A_1 {strides = array<i32>} : memref<25x144xf32, #tpu.memory_space<vmem>>, vector<16xf32>,
      }
      %scan3A_39 = arith.constant 9 : i32
    }
    %scan3A_5 = arith.constant 25 : i32
    %scan3A_6 = arith.constant 0 : i32
    %scan3A_7 = arith.constant 25 : i32
    %scan3A_8 = arith.addi %scan3A_6, %scan3A_7 : i32
    %scan3A_9 = arith.constant 1 : i32
    scf.for %scan3A_30 = %scan3A_6 to %scan3A_8 step %scan3A_9  : i32 {
      %mul3A_31 = arith.constant 25 : i32
      %mul3A_32 = arith.muli %scan3A_30, %mul3A_31 : i32
      %add3A_33 = arith.constant 0 : i32
      %add3A_34 = arith.addi %add3A_33, %mul3A_32 : i32
      %mul3A_35 = arith.constant 625 : i32
      %mul3A_36 = arith.muli %arg1, %mul3A_35 : i32
      %add3A_37 = arith.addi %mul3A_36, %add3A_34 : i32
      "tpu.region"() ({
        %run_scoped3A = tpu.sem_alloc : memref<!tpu.dma_semaphore, #tpu.memory_space<semaphore_mem>>
        %dma_start3A = arith.constant 0 : i32
        %dma_start3A_38 = tpu.memref_slice %arg6[%add3A_37, %dma_start3A] : memref<10000x144xf32, #tpu.memory_space<vmem_shared>> -> memref<25x144xf32, #tpu.memory_space<vmem_shared>>
        %dma_start3A_39 = arith.constant 0 : i32
        %dma_start3A_40 = tpu.memref_slice %arg6[%add3A_37, %dma_start3A_39] : memref<10000x144xf32, #tpu.memory_space<vmem_shared>> -> memref<25x144xf32, #tpu.memory_space<vmem_shared>>
        tpu.enqueue_dma source(%arg11 : memref<25x144xf32, #tpu.memory_space<vmem>>) target(%dma_start3A_40 : memref<25x144xf32, #tpu.memory_space<vmem_shared>>) target_semaphore(%run_scoped3A : memref<!tpu.dma_semaphore, #tpu.memory_space<semaphore_mem>>)
        %dma_wait3A = arith.constant 0 : i32
        %dma_wait3A_41 = tpu.memref_slice %arg6[%add3A_37, %dma_wait3A] : memref<10000x144xf32, #tpu.memory_space<vmem_shared>> -> memref<25x144xf32, #tpu.memory_space<vmem_shared>>
        %dma_wait3A_42 = arith.constant 0 : i32
        %dma_wait3A_43 = tpu.memref_slice %arg6[%add3A_37, %dma_wait3A_42] : memref<10000x144xf32, #tpu.memory_space<vmem_shared>> -> memref<25x144xf32, #tpu.memory_space<vmem_shared>>
        tpu.wait_dma2 semaphore(%run_scoped3A : memref<!tpu.dma_semaphore, #tpu.memory_space<semaphore_mem>>) src(%arg11 : memref<25x144xf32, #tpu.memory_space<vmem>>) dst(%dma_wait3A_43 : memref<25x144xf32, #tpu.memory_space<vmem_shared>>)
        tpu.yield
      }) : () -> ()
    }
    %scan3A_10 = arith.constant 25 : i32
    %barrier3A = arith.constant 0 : index
    tpu.barrier barrier_id(%barrier3A)
    %broadcast_in_dim3A_11 = arith.constant 128 : i32
    %broadcast_in_dim3A_12 = vector.broadcast %broadcast_in_dim3A_11 : i32 to vector<16xi32>
    %broadcast_in_dim3A_13 = arith.constant 129 : i32
    %broadcast_in_dim3A_14 = vector.broadcast %broadcast_in_dim3A_13 : i32 to vector<16xi32>
    %broadcast_in_dim3A_15 = arith.constant 0 : i32
    %broadcast_in_dim3A_16 = vector.broadcast %broadcast_in_dim3A_15 : i32 to vector<16xi32>
    %broadcast_in_dim3A_17 = arith.constant 1 : i32
    %broadcast_in_dim3A_18 = vector.broadcast %broadcast_in_dim3A_17 : i32 to vector<16xi32>
    %scan3A_19 = arith.constant 0 : i32
    %scan3A_20 = arith.constant 125 : i32
    %scan3A_21 = arith.addi %scan3A_19, %scan3A_20 : i32
    %scan3A_22 = arith.constant 1 : i32
    scf.for %scan3A_30 = %scan3A_19 to %scan3A_21 step %scan3A_22  : i32 {
      %mul3A_31 = arith.constant 1 : i32
      %mul3A_32 = arith.muli %scan3A_30, %mul3A_31 : i32
      %add3A_33 = arith.constant 0 : i32
      %add3A_34 = arith.addi %add3A_33, %mul3A_32 : i32
      %mul3A_35 = arith.constant 10000 : i32
      %mul3A_36 = arith.muli %add3A, %mul3A_35 : i32
      %mul3A_37 = arith.constant 80 : i32
      %mul3A_38 = arith.muli %add3A_34, %mul3A_37 : i32
      %add3A_39 = arith.addi %mul3A_36, %mul3A_38 : i32
      %run_scoped3A = arith.constant 0 : i32
      %run_scoped3A_40 = arith.constant 0 : i32
      "tpu.region"() ({
        %run_scoped3A_56 = tpu.sem_alloc : memref<!tpu.dma_semaphore, #tpu.memory_space<semaphore_mem>>
        %dma_start3A = arith.constant 0 : i32
        %dma_start3A_57 = tpu.memref_slice %arg8[%run_scoped3A_40, %dma_start3A] : memref<1x80xi32, #tpu.memory_space<vmem>> -> memref<1x80xi32, #tpu.memory_space<vmem>>
        %dma_start3A_58 = tpu.memref_squeeze %dma_start3A_57 : memref<1x80xi32, #tpu.memory_space<vmem>> -> memref<80xi32, #tpu.memory_space<vmem>>
        %dma_start3A_59 = tpu.memref_slice %arg4[%run_scoped3A, %add3A_39] : memref<2x320000xi32, #tpu.memory_space<hbm>> -> memref<1x80xi32, #tpu.memory_space<hbm>>
        %dma_start3A_60 = tpu.memref_squeeze %dma_start3A_59 : memref<1x80xi32, #tpu.memory_space<hbm>> -> memref<80xi32, #tpu.memory_space<hbm>>
        %dma_start3A_61 = arith.constant 0 : i32
        %dma_start3A_62 = tpu.memref_slice %arg8[%run_scoped3A_40, %dma_start3A_61] : memref<1x80xi32, #tpu.memory_space<vmem>> -> memref<1x80xi32, #tpu.memory_space<vmem>>
        %dma_start3A_63 = tpu.memref_squeeze %dma_start3A_62 : memref<1x80xi32, #tpu.memory_space<vmem>> -> memref<80xi32, #tpu.memory_space<vmem>>
        %dma_start3A_64 = tpu.memref_slice %arg4[%run_scoped3A, %add3A_39] : memref<2x320000xi32, #tpu.memory_space<hbm>> -> memref<1x80xi32, #tpu.memory_space<hbm>>
        %dma_start3A_65 = tpu.memref_squeeze %dma_start3A_64 : memref<1x80xi32, #tpu.memory_space<hbm>> -> memref<80xi32, #tpu.memory_space<hbm>>
        tpu.enqueue_dma source(%dma_start3A_65 : memref<80xi32, #tpu.memory_space<hbm>>) target(%dma_start3A_63 : memref<80xi32, #tpu.memory_space<vmem>>) target_semaphore(%run_scoped3A_56 : memref<!tpu.dma_semaphore, #tpu.memory_space<semaphore_mem>>)
        %dma_wait3A = arith.constant 0 : i32
        %dma_wait3A_66 = tpu.memref_slice %arg8[%run_scoped3A_40, %dma_wait3A] : memref<1x80xi32, #tpu.memory_space<vmem>> -> memref<1x80xi32, #tpu.memory_space<vmem>>
        %dma_wait3A_67 = tpu.memref_squeeze %dma_wait3A_66 : memref<1x80xi32, #tpu.memory_space<vmem>> -> memref<80xi32, #tpu.memory_space<vmem>>
        %dma_wait3A_68 = tpu.memref_slice %arg4[%run_scoped3A, %add3A_39] : memref<2x320000xi32, #tpu.memory_space<hbm>> -> memref<1x80xi32, #tpu.memory_space<hbm>>
        %dma_wait3A_69 = tpu.memref_squeeze %dma_wait3A_68 : memref<1x80xi32, #tpu.memory_space<hbm>> -> memref<80xi32, #tpu.memory_space<hbm>>
        %dma_wait3A_70 = arith.constant 0 : i32
        %dma_wait3A_71 = tpu.memref_slice %arg8[%run_scoped3A_40, %dma_wait3A_70] : memref<1x80xi32, #tpu.memory_space<vmem>> -> memref<1x80xi32, #tpu.memory_space<vmem>>
        %dma_wait3A_72 = tpu.memref_squeeze %dma_wait3A_71 : memref<1x80xi32, #tpu.memory_space<vmem>> -> memref<80xi32, #tpu.memory_space<vmem>>
        %dma_wait3A_73 = tpu.memref_slice %arg4[%run_scoped3A, %add3A_39] : memref<2x320000xi32, #tpu.memory_space<hbm>> -> memref<1x80xi32, #tpu.memory_space<hbm>>
        %dma_wait3A_74 = tpu.memref_squeeze %dma_wait3A_73 : memref<1x80xi32, #tpu.memory_space<hbm>> -> memref<80xi32, #tpu.memory_space<hbm>>
        tpu.wait_dma2 semaphore(%run_scoped3A_56 : memref<!tpu.dma_semaphore, #tpu.memory_space<semaphore_mem>>) src(%dma_wait3A_74 : memref<80xi32, #tpu.memory_space<hbm>>) dst(%dma_wait3A_72 : memref<80xi32, #tpu.memory_space<vmem>>)
        tpu.yield
      }) : () -> ()
      %run_scoped3A_41 = arith.constant 1 : i32
      %run_scoped3A_42 = arith.constant 0 : i32
      "tpu.region"() ({
        %run_scoped3A_56 = tpu.sem_alloc : memref<!tpu.dma_semaphore, #tpu.memory_space<semaphore_mem>>
        %dma_start3A = arith.constant 0 : i32
        %dma_start3A_57 = tpu.memref_slice %arg9[%run_scoped3A_42, %dma_start3A] : memref<1x80xi32, #tpu.memory_space<vmem>> -> memref<1x80xi32, #tpu.memory_space<vmem>>
        %dma_start3A_58 = tpu.memref_squeeze %dma_start3A_57 : memref<1x80xi32, #tpu.memory_space<vmem>> -> memref<80xi32, #tpu.memory_space<vmem>>
        %dma_start3A_59 = tpu.memref_slice %arg4[%run_scoped3A_41, %add3A_39] : memref<2x320000xi32, #tpu.memory_space<hbm>> -> memref<1x80xi32, #tpu.memory_space<hbm>>
        %dma_start3A_60 = tpu.memref_squeeze %dma_start3A_59 : memref<1x80xi32, #tpu.memory_space<hbm>> -> memref<80xi32, #tpu.memory_space<hbm>>
        %dma_start3A_61 = arith.constant 0 : i32
        %dma_start3A_62 = tpu.memref_slice %arg9[%run_scoped3A_42, %dma_start3A_61] : memref<1x80xi32, #tpu.memory_space<vmem>> -> memref<1x80xi32, #tpu.memory_space<vmem>>
        %dma_start3A_63 = tpu.memref_squeeze %dma_start3A_62 : memref<1x80xi32, #tpu.memory_space<vmem>> -> memref<80xi32, #tpu.memory_space<vmem>>
        %dma_start3A_64 = tpu.memref_slice %arg4[%run_scoped3A_41, %add3A_39] : memref<2x320000xi32, #tpu.memory_space<hbm>> -> memref<1x80xi32, #tpu.memory_space<hbm>>
        %dma_start3A_65 = tpu.memref_squeeze %dma_start3A_64 : memref<1x80xi32, #tpu.memory_space<hbm>> -> memref<80xi32, #tpu.memory_space<hbm>>
        tpu.enqueue_dma source(%dma_start3A_65 : memref<80xi32, #tpu.memory_space<hbm>>) target(%dma_start3A_63 : memref<80xi32, #tpu.memory_space<vmem>>) target_semaphore(%run_scoped3A_56 : memref<!tpu.dma_semaphore, #tpu.memory_space<semaphore_mem>>)
        %dma_wait3A = arith.constant 0 : i32
        %dma_wait3A_66 = tpu.memref_slice %arg9[%run_scoped3A_42, %dma_wait3A] : memref<1x80xi32, #tpu.memory_space<vmem>> -> memref<1x80xi32, #tpu.memory_space<vmem>>
        %dma_wait3A_67 = tpu.memref_squeeze %dma_wait3A_66 : memref<1x80xi32, #tpu.memory_space<vmem>> -> memref<80xi32, #tpu.memory_space<vmem>>
        %dma_wait3A_68 = tpu.memref_slice %arg4[%run_scoped3A_41, %add3A_39] : memref<2x320000xi32, #tpu.memory_space<hbm>> -> memref<1x80xi32, #tpu.memory_space<hbm>>
        %dma_wait3A_69 = tpu.memref_squeeze %dma_wait3A_68 : memref<1x80xi32, #tpu.memory_space<hbm>> -> memref<80xi32, #tpu.memory_space<hbm>>
        %dma_wait3A_70 = arith.constant 0 : i32
        %dma_wait3A_71 = tpu.memref_slice %arg9[%run_scoped3A_42, %dma_wait3A_70] : memref<1x80xi32, #tpu.memory_space<vmem>> -> memref<1x80xi32, #tpu.memory_space<vmem>>
        %dma_wait3A_72 = tpu.memref_squeeze %dma_wait3A_71 : memref<1x80xi32, #tpu.memory_space<vmem>> -> memref<80xi32, #tpu.memory_space<vmem>>
        %dma_wait3A_73 = tpu.memref_slice %arg4[%run_scoped3A_41, %add3A_39] : memref<2x320000xi32, #tpu.memory_space<hbm>> -> memref<1x80xi32, #tpu.memory_space<hbm>>
        %dma_wait3A_74 = tpu.memref_squeeze %dma_wait3A_73 : memref<1x80xi32, #tpu.memory_space<hbm>> -> memref<80xi32, #tpu.memory_space<hbm>>
        tpu.wait_dma2 semaphore(%run_scoped3A_56 : memref<!tpu.dma_semaphore, #tpu.memory_space<semaphore_mem>>) src(%dma_wait3A_74 : memref<80xi32, #tpu.memory_space<hbm>>) dst(%dma_wait3A_72 : memref<80xi32, #tpu.memory_space<vmem>>)
        tpu.yield
      }) : () -> ()
      %run_scoped3A_43 = arith.constant 0 : i32
      "tpu.region"() ({
        %run_scoped3A_56 = tpu.sem_alloc : memref<!tpu.dma_semaphore, #tpu.memory_space<semaphore_mem>>
        %dma_start3A = arith.constant 0 : i32
        %dma_start3A_57 = tpu.memref_slice %arg8[%run_scoped3A_43, %dma_start3A] : memref<1x80xi32, #tpu.memory_space<vmem>> -> memref<1x80xi32, #tpu.memory_space<vmem>>
        %dma_start3A_58 = tpu.memref_squeeze %dma_start3A_57 : memref<1x80xi32, #tpu.memory_space<vmem>> -> memref<80xi32, #tpu.memory_space<vmem>>
        %dma_start3A_59 = arith.constant 0 : i32
        %dma_start3A_60 = arith.constant 0 : i32
        %dma_start3A_61 = tpu.memref_slice %arg2[%dma_start3A_59, %dma_start3A_60] : memref<10000x144xf32, #tpu.memory_space<hbm>> -> memref<10000x144xf32, #tpu.memory_space<hbm>>
        tpu.enqueue_indirect_dma source(%dma_start3A_61 : memref<10000x144xf32, #tpu.memory_space<hbm>>) target(%arg10 : memref<80x144xf32, #tpu.memory_space<vmem>>) offsets(%dma_start3A_58 : memref<80xi32, #tpu.memory_space<vmem>>) semaphore(%run_scoped3A_56 : memref<!tpu.dma_semaphore, #tpu.memory_space<semaphore_mem>>)
        %dma_wait3A = arith.constant 0 : i32
        %dma_wait3A_62 = tpu.memref_slice %arg8[%run_scoped3A_43, %dma_wait3A] : memref<1x80xi32, #tpu.memory_space<vmem>> -> memref<1x80xi32, #tpu.memory_space<vmem>>
        %dma_wait3A_63 = tpu.memref_squeeze %dma_wait3A_62 : memref<1x80xi32, #tpu.memory_space<vmem>> -> memref<80xi32, #tpu.memory_space<vmem>>
        %dma_wait3A_64 = arith.constant 0 : i32
        %dma_wait3A_65 = arith.constant 0 : i32
        %dma_wait3A_66 = tpu.memref_slice %arg2[%dma_wait3A_64, %dma_wait3A_65] : memref<10000x144xf32, #tpu.memory_space<hbm>> -> memref<10000x144xf32, #tpu.memory_space<hbm>>
        tpu.wait_indirect_dma semaphore(%run_scoped3A_56 : memref<!tpu.dma_semaphore, #tpu.memory_space<semaphore_mem>>) src(%dma_wait3A_66 : memref<10000x144xf32, #tpu.memory_space<hbm>>) dst(%arg10 : memref<80x144xf32, #tpu.memory_space<vmem>>)
        tpu.yield
      }) : () -> ()
      %run_scoped3A_44 = arith.constant 0 : i32
      "tpu.region"() ({
        %run_scoped3A_56 = tpu.sem_alloc : memref<!tpu.dma_semaphore, #tpu.memory_space<semaphore_mem>>
        %dma_start3A = arith.constant 0 : i32
        %dma_start3A_57 = tpu.memref_slice %arg9[%run_scoped3A_44, %dma_start3A] : memref<1x80xi32, #tpu.memory_space<vmem>> -> memref<1x80xi32, #tpu.memory_space<vmem>>
        %dma_start3A_58 = tpu.memref_squeeze %dma_start3A_57 : memref<1x80xi32, #tpu.memory_space<vmem>> -> memref<80xi32, #tpu.memory_space<vmem>>
        %dma_start3A_59 = arith.constant 0 : i32
        %dma_start3A_60 = arith.constant 0 : i32
        %dma_start3A_61 = tpu.memref_slice %arg3[%dma_start3A_59, %dma_start3A_60] : memref<10000x16xf32, #tpu.memory_space<hbm>> -> memref<10000x16xf32, #tpu.memory_space<hbm>>
        tpu.enqueue_indirect_dma source(%dma_start3A_61 : memref<10000x16xf32, #tpu.memory_space<hbm>>) target(%arg7 : memref<80x16xf32, #tpu.memory_space<vmem>>) offsets(%dma_start3A_58 : memref<80xi32, #tpu.memory_space<vmem>>) semaphore(%run_scoped3A_56 : memref<!tpu.dma_semaphore, #tpu.memory_space<semaphore_mem>>)
        %dma_wait3A = arith.constant 0 : i32
        %dma_wait3A_62 = tpu.memref_slice %arg9[%run_scoped3A_44, %dma_wait3A] : memref<1x80xi32, #tpu.memory_space<vmem>> -> memref<1x80xi32, #tpu.memory_space<vmem>>
        %dma_wait3A_63 = tpu.memref_squeeze %dma_wait3A_62 : memref<1x80xi32, #tpu.memory_space<vmem>> -> memref<80xi32, #tpu.memory_space<vmem>>
        %dma_wait3A_64 = arith.constant 0 : i32
        %dma_wait3A_65 = arith.constant 0 : i32
        %dma_wait3A_66 = tpu.memref_slice %arg3[%dma_wait3A_64, %dma_wait3A_65] : memref<10000x16xf32, #tpu.memory_space<hbm>> -> memref<10000x16xf32, #tpu.memory_space<hbm>>
        tpu.wait_indirect_dma semaphore(%run_scoped3A_56 : memref<!tpu.dma_semaphore, #tpu.memory_space<semaphore_mem>>) src(%dma_wait3A_66 : memref<10000x16xf32, #tpu.memory_space<hbm>>) dst(%arg7 : memref<80x16xf32, #tpu.memory_space<vmem>>)
        tpu.yield
      }) : () -> ()
      %scan3A_45 = arith.constant 0 : i32
      %scan3A_46 = arith.constant 5 : i32
      %scan3A_47 = arith.addi %scan3A_45, %scan3A_46 : i32
      %scan3A_48 = arith.constant 1 : i32
      scf.for %scan3A_56 = %scan3A_45 to %scan3A_47 step %scan3A_48  : i32 {
        %mul3A_57 = arith.constant 16 : i32
        %mul3A_58 = arith.muli %scan3A_56, %mul3A_57 : i32
        %add3A_59 = arith.constant 0 : i32
        %add3A_60 = arith.addi %add3A_59, %mul3A_58 : i32
        %iota3A = tpu.iota {dimensions = array<i32: 0>} : vector<16xi32>
        %add3A_61 = vector.broadcast %add3A_60 : i32 to vector<16xi32>
        %add3A_62 = arith.addi %add3A_61, %iota3A : vector<16xi32>
        %gather3A = tpu.vector_load_idx %arg10[%add3A_62, %broadcast_in_dim3A_12] : memref<80x144xf32, #tpu.memory_space<vmem>>[vector<16xi32>, vector<16xi32>], vector<16xf32>,
        %gather3A_63 = tpu.vector_load_idx %arg10[%add3A_62, %broadcast_in_dim3A_14] : memref<80x144xf32, #tpu.memory_space<vmem>>[vector<16xi32>, vector<16xi32>], vector<16xf32>,
        %gather3A_64 = tpu.vector_load_idx %arg7[%add3A_62, %broadcast_in_dim3A_16] : memref<80x16xf32, #tpu.memory_space<vmem>>[vector<16xi32>, vector<16xi32>], vector<16xf32>,
        %gather3A_65 = tpu.vector_load_idx %arg7[%add3A_62, %broadcast_in_dim3A_18] : memref<80x16xf32, #tpu.memory_space<vmem>>[vector<16xi32>, vector<16xi32>], vector<16xf32>,
        %add3A_66 = arith.addf %gather3A, %gather3A_64 : vector<16xf32>
        %add3A_67 = arith.addf %gather3A_63, %gather3A_65 : vector<16xf32>
        %mul3A_68 = arith.constant 2.000000e-01 : f32
        %mul3A_69 = vector.broadcast %mul3A_68 : f32 to vector<16xf32>
        %mul3A_70 = arith.mulf %add3A_66, %mul3A_69 : vector<16xf32>
        %max3A = arith.maximumf %add3A_66, %mul3A_70 : vector<16xf32>
        %exp3A = math.exp %max3A : vector<16xf32>
        %mul3A_71 = arith.constant 2.000000e-01 : f32
        %mul3A_72 = vector.broadcast %mul3A_71 : f32 to vector<16xf32>
        %mul3A_73 = arith.mulf %add3A_67, %mul3A_72 : vector<16xf32>
        %max3A_74 = arith.maximumf %add3A_67, %mul3A_73 : vector<16xf32>
        %exp3A_75 = math.exp %max3A_74 : vector<16xf32>
        tpu.vector_store_idx %arg10[%add3A_62, %broadcast_in_dim3A_12], %exp3A : memref<80x144xf32, #tpu.memory_space<vmem>>[vector<16xi32>, vector<16xi32>], vector<16xf32>,
        tpu.vector_store_idx %arg10[%add3A_62, %broadcast_in_dim3A_14], %exp3A_75 : memref<80x144xf32, #tpu.memory_space<vmem>>[vector<16xi32>, vector<16xi32>], vector<16xf32>,
        %swap3A = arith.index_cast %add3A_60 : i32 to index
        %swap3A_76 = tpu.vector_load %arg12[%swap3A] {strides = array<i32>} : memref<80xf32, #tpu.memory_space<vmem>>, vector<16xf32>,
        tpu.vector_store %arg12[%swap3A], %exp3A {strides = array<i32>} : memref<80xf32, #tpu.memory_space<vmem>>, vector<16xf32>,
        %swap3A_77 = arith.index_cast %add3A_60 : i32 to index
        %swap3A_78 = tpu.vector_load %arg13[%swap3A_77] {strides = array<i32>} : memref<80xf32, #tpu.memory_space<vmem>>, vector<16xf32>,
        tpu.vector_store %arg13[%swap3A_77], %exp3A_75 {strides = array<i32>} : memref<80xf32, #tpu.memory_space<vmem>>, vector<16xf32>,
      }
      %scan3A_49 = arith.constant 5 : i32
      %scan3A_50 = arith.constant 0 : i32
      %scan3A_51 = arith.constant 80 : i32
      %scan3A_52 = arith.addi %scan3A_50, %scan3A_51 : i32
      %scan3A_53 = arith.constant 1 : i32
      scf.for %scan3A_56 = %scan3A_50 to %scan3A_52 step %scan3A_53  : i32 {
        %mul3A_57 = arith.constant 1 : i32
        %mul3A_58 = arith.muli %scan3A_56, %mul3A_57 : i32
        %add3A_59 = arith.constant 0 : i32
        %add3A_60 = arith.addi %add3A_59, %mul3A_58 : i32
        %broadcast_in_dim3A_61 = arith.constant 0 : i32
        %broadcast_in_dim3A_62 = vector.broadcast %broadcast_in_dim3A_61 : i32 to vector<16xi32>
        %add3A_63 = vector.broadcast %add3A_60 : i32 to vector<16xi32>
        %add3A_64 = arith.addi %broadcast_in_dim3A_62, %add3A_63 : vector<16xi32>
        %gather3A = tpu.vector_load_idx %arg12[%add3A_64] : memref<80xf32, #tpu.memory_space<vmem>>[vector<16xi32>], vector<16xf32>,
        %gather3A_65 = tpu.vector_load_idx %arg13[%add3A_64] : memref<80xf32, #tpu.memory_space<vmem>>[vector<16xi32>], vector<16xf32>,
        %get3A = arith.index_cast %add3A_60 : i32 to index
        %get3A_66 = arith.constant 0 : index
        %get3A_67 = tpu.vector_load %arg10[%get3A, %get3A_66] {strides = array<i32>} : memref<80x144xf32, #tpu.memory_space<vmem>>, vector<16xf32>,
        %mul3A_68 = arith.mulf %get3A_67, %gather3A : vector<16xf32>
        %swap3A = arith.index_cast %add3A_60 : i32 to index
        %swap3A_69 = arith.constant 0 : index
        %swap3A_70 = tpu.vector_load %arg10[%swap3A, %swap3A_69] {strides = array<i32>} : memref<80x144xf32, #tpu.memory_space<vmem>>, vector<16xf32>,
        tpu.vector_store %arg10[%swap3A, %swap3A_69], %mul3A_68 {strides = array<i32>} : memref<80x144xf32, #tpu.memory_space<vmem>>, vector<16xf32>,
        %get3A_71 = arith.index_cast %add3A_60 : i32 to index
        %get3A_72 = arith.constant 16 : index
        %get3A_73 = tpu.vector_load %arg10[%get3A_71, %get3A_72] {strides = array<i32>} : memref<80x144xf32, #tpu.memory_space<vmem>>, vector<16xf32>,
        %mul3A_74 = arith.mulf %get3A_73, %gather3A : vector<16xf32>
        %swap3A_75 = arith.index_cast %add3A_60 : i32 to index
        %swap3A_76 = arith.constant 16 : index
        %swap3A_77 = tpu.vector_load %arg10[%swap3A_75, %swap3A_76] {strides = array<i32>} : memref<80x144xf32, #tpu.memory_space<vmem>>, vector<16xf32>,
        tpu.vector_store %arg10[%swap3A_75, %swap3A_76], %mul3A_74 {strides = array<i32>} : memref<80x144xf32, #tpu.memory_space<vmem>>, vector<16xf32>,
        %get3A_78 = arith.index_cast %add3A_60 : i32 to index
        %get3A_79 = arith.constant 32 : index
        %get3A_80 = tpu.vector_load %arg10[%get3A_78, %get3A_79] {strides = array<i32>} : memref<80x144xf32, #tpu.memory_space<vmem>>, vector<16xf32>,
        %mul3A_81 = arith.mulf %get3A_80, %gather3A : vector<16xf32>
        %swap3A_82 = arith.index_cast %add3A_60 : i32 to index
        %swap3A_83 = arith.constant 32 : index
        %swap3A_84 = tpu.vector_load %arg10[%swap3A_82, %swap3A_83] {strides = array<i32>} : memref<80x144xf32, #tpu.memory_space<vmem>>, vector<16xf32>,
        tpu.vector_store %arg10[%swap3A_82, %swap3A_83], %mul3A_81 {strides = array<i32>} : memref<80x144xf32, #tpu.memory_space<vmem>>, vector<16xf32>,
        %get3A_85 = arith.index_cast %add3A_60 : i32 to index
        %get3A_86 = arith.constant 48 : index
        %get3A_87 = tpu.vector_load %arg10[%get3A_85, %get3A_86] {strides = array<i32>} : memref<80x144xf32, #tpu.memory_space<vmem>>, vector<16xf32>,
        %mul3A_88 = arith.mulf %get3A_87, %gather3A : vector<16xf32>
        %swap3A_89 = arith.index_cast %add3A_60 : i32 to index
        %swap3A_90 = arith.constant 48 : index
        %swap3A_91 = tpu.vector_load %arg10[%swap3A_89, %swap3A_90] {strides = array<i32>} : memref<80x144xf32, #tpu.memory_space<vmem>>, vector<16xf32>,
        tpu.vector_store %arg10[%swap3A_89, %swap3A_90], %mul3A_88 {strides = array<i32>} : memref<80x144xf32, #tpu.memory_space<vmem>>, vector<16xf32>,
        %get3A_92 = arith.index_cast %add3A_60 : i32 to index
        %get3A_93 = arith.constant 64 : index
        %get3A_94 = tpu.vector_load %arg10[%get3A_92, %get3A_93] {strides = array<i32>} : memref<80x144xf32, #tpu.memory_space<vmem>>, vector<16xf32>,
        %mul3A_95 = arith.mulf %get3A_94, %gather3A_65 : vector<16xf32>
        %swap3A_96 = arith.index_cast %add3A_60 : i32 to index
        %swap3A_97 = arith.constant 64 : index
        %swap3A_98 = tpu.vector_load %arg10[%swap3A_96, %swap3A_97] {strides = array<i32>} : memref<80x144xf32, #tpu.memory_space<vmem>>, vector<16xf32>,
        tpu.vector_store %arg10[%swap3A_96, %swap3A_97], %mul3A_95 {strides = array<i32>} : memref<80x144xf32, #tpu.memory_space<vmem>>, vector<16xf32>,
        %get3A_99 = arith.index_cast %add3A_60 : i32 to index
        %get3A_100 = arith.constant 80 : index
        %get3A_101 = tpu.vector_load %arg10[%get3A_99, %get3A_100] {strides = array<i32>} : memref<80x144xf32, #tpu.memory_space<vmem>>, vector<16xf32>,
        %mul3A_102 = arith.mulf %get3A_101, %gather3A_65 : vector<16xf32>
        %swap3A_103 = arith.index_cast %add3A_60 : i32 to index
        %swap3A_104 = arith.constant 80 : index
        %swap3A_105 = tpu.vector_load %arg10[%swap3A_103, %swap3A_104] {strides = array<i32>} : memref<80x144xf32, #tpu.memory_space<vmem>>, vector<16xf32>,
        tpu.vector_store %arg10[%swap3A_103, %swap3A_104], %mul3A_102 {strides = array<i32>} : memref<80x144xf32, #tpu.memory_space<vmem>>, vector<16xf32>,
        %get3A_106 = arith.index_cast %add3A_60 : i32 to index
        %get3A_107 = arith.constant 96 : index
        %get3A_108 = tpu.vector_load %arg10[%get3A_106, %get3A_107] {strides = array<i32>} : memref<80x144xf32, #tpu.memory_space<vmem>>, vector<16xf32>,
        %mul3A_109 = arith.mulf %get3A_108, %gather3A_65 : vector<16xf32>
        %swap3A_110 = arith.index_cast %add3A_60 : i32 to index
        %swap3A_111 = arith.constant 96 : index
        %swap3A_112 = tpu.vector_load %arg10[%swap3A_110, %swap3A_111] {strides = array<i32>} : memref<80x144xf32, #tpu.memory_space<vmem>>, vector<16xf32>,
        tpu.vector_store %arg10[%swap3A_110, %swap3A_111], %mul3A_109 {strides = array<i32>} : memref<80x144xf32, #tpu.memory_space<vmem>>, vector<16xf32>,
        %get3A_113 = arith.index_cast %add3A_60 : i32 to index
        %get3A_114 = arith.constant 112 : index
        %get3A_115 = tpu.vector_load %arg10[%get3A_113, %get3A_114] {strides = array<i32>} : memref<80x144xf32, #tpu.memory_space<vmem>>, vector<16xf32>,
        %mul3A_116 = arith.mulf %get3A_115, %gather3A_65 : vector<16xf32>
        %swap3A_117 = arith.index_cast %add3A_60 : i32 to index
        %swap3A_118 = arith.constant 112 : index
        %swap3A_119 = tpu.vector_load %arg10[%swap3A_117, %swap3A_118] {strides = array<i32>} : memref<80x144xf32, #tpu.memory_space<vmem>>, vector<16xf32>,
        tpu.vector_store %arg10[%swap3A_117, %swap3A_118], %mul3A_116 {strides = array<i32>} : memref<80x144xf32, #tpu.memory_space<vmem>>, vector<16xf32>,
      }
      %scan3A_54 = arith.constant 80 : i32
      %run_scoped3A_55 = arith.constant 0 : i32
      "tpu.region"() ({
        %run_scoped3A_56 = tpu.sem_alloc : memref<!tpu.dma_semaphore, #tpu.memory_space<semaphore_mem>>
        %dma_start3A = arith.constant 0 : i32
        %dma_start3A_57 = tpu.memref_slice %arg9[%run_scoped3A_55, %dma_start3A] : memref<1x80xi32, #tpu.memory_space<vmem>> -> memref<1x80xi32, #tpu.memory_space<vmem>>
        %dma_start3A_58 = tpu.memref_squeeze %dma_start3A_57 : memref<1x80xi32, #tpu.memory_space<vmem>> -> memref<80xi32, #tpu.memory_space<vmem>>
        %dma_start3A_59 = arith.constant 0 : i32
        %dma_start3A_60 = arith.constant 0 : i32
        %dma_start3A_61 = tpu.memref_slice %arg6[%dma_start3A_59, %dma_start3A_60] : memref<10000x144xf32, #tpu.memory_space<vmem_shared>> -> memref<10000x144xf32, #tpu.memory_space<vmem_shared>>
        tpu.enqueue_indirect_dma source(%arg10 : memref<80x144xf32, #tpu.memory_space<vmem>>) target(%dma_start3A_61 : memref<10000x144xf32, #tpu.memory_space<vmem_shared>>) offsets(%dma_start3A_58 : memref<80xi32, #tpu.memory_space<vmem>>) semaphore(%run_scoped3A_56 : memref<!tpu.dma_semaphore, #tpu.memory_space<semaphore_mem>>) {add = true}
        %dma_wait3A = arith.constant 0 : i32
        %dma_wait3A_62 = tpu.memref_slice %arg9[%run_scoped3A_55, %dma_wait3A] : memref<1x80xi32, #tpu.memory_space<vmem>> -> memref<1x80xi32, #tpu.memory_space<vmem>>
        %dma_wait3A_63 = tpu.memref_squeeze %dma_wait3A_62 : memref<1x80xi32, #tpu.memory_space<vmem>> -> memref<80xi32, #tpu.memory_space<vmem>>
        %dma_wait3A_64 = arith.constant 0 : i32
        %dma_wait3A_65 = arith.constant 0 : i32
        %dma_wait3A_66 = tpu.memref_slice %arg6[%dma_wait3A_64, %dma_wait3A_65] : memref<10000x144xf32, #tpu.memory_space<vmem_shared>> -> memref<10000x144xf32, #tpu.memory_space<vmem_shared>>
        tpu.wait_indirect_dma semaphore(%run_scoped3A_56 : memref<!tpu.dma_semaphore, #tpu.memory_space<semaphore_mem>>) src(%arg10 : memref<80x144xf32, #tpu.memory_space<vmem>>) dst(%dma_wait3A_66 : memref<10000x144xf32, #tpu.memory_space<vmem_shared>>)
        tpu.yield
      }) : () -> ()
    }
    %scan3A_23 = arith.constant 125 : i32
    %barrier3A_24 = arith.constant 0 : index
    tpu.barrier barrier_id(%barrier3A_24)
    %scan3A_25 = arith.constant 0 : i32
    %scan3A_26 = arith.constant 25 : i32
    %scan3A_27 = arith.addi %scan3A_25, %scan3A_26 : i32
    %scan3A_28 = arith.constant 1 : i32
    scf.for %scan3A_30 = %scan3A_25 to %scan3A_27 step %scan3A_28  : i32 {
      %mul3A_31 = arith.constant 25 : i32
      %mul3A_32 = arith.muli %scan3A_30, %mul3A_31 : i32
      %add3A_33 = arith.constant 0 : i32
      %add3A_34 = arith.addi %add3A_33, %mul3A_32 : i32
      %mul3A_35 = arith.constant 625 : i32
      %mul3A_36 = arith.muli %arg1, %mul3A_35 : i32
      %add3A_37 = arith.addi %mul3A_36, %add3A_34 : i32
      %mul3A_38 = arith.constant 625 : i32
      %mul3A_39 = arith.muli %arg1, %mul3A_38 : i32
      %add3A_40 = arith.addi %mul3A_39, %add3A_34 : i32
      "tpu.region"() ({
        %run_scoped3A = tpu.sem_alloc : memref<!tpu.dma_semaphore, #tpu.memory_space<semaphore_mem>>
        %dma_start3A = arith.constant 0 : i32
        %dma_start3A_41 = tpu.memref_slice %arg5[%arg0, %add3A_40, %dma_start3A] : memref<2x10000x144xf32, #tpu.memory_space<hbm>> -> memref<1x25x144xf32, #tpu.memory_space<hbm>>
        %dma_start3A_42 = tpu.memref_squeeze %dma_start3A_41 : memref<1x25x144xf32, #tpu.memory_space<hbm>> -> memref<25x144xf32, #tpu.memory_space<hbm>>
        %dma_start3A_43 = arith.constant 0 : i32
        %dma_start3A_44 = tpu.memref_slice %arg6[%add3A_37, %dma_start3A_43] : memref<10000x144xf32, #tpu.memory_space<vmem_shared>> -> memref<25x144xf32, #tpu.memory_space<vmem_shared>>
        tpu.enqueue_dma source(%dma_start3A_44 : memref<25x144xf32, #tpu.memory_space<vmem_shared>>) target(%dma_start3A_42 : memref<25x144xf32, #tpu.memory_space<hbm>>) target_semaphore(%run_scoped3A : memref<!tpu.dma_semaphore, #tpu.memory_space<semaphore_mem>>)
        %dma_wait3A = arith.constant 0 : i32
        %dma_wait3A_45 = tpu.memref_slice %arg5[%arg0, %add3A_40, %dma_wait3A] : memref<2x10000x144xf32, #tpu.memory_space<hbm>> -> memref<1x25x144xf32, #tpu.memory_space<hbm>>
        %dma_wait3A_46 = tpu.memref_squeeze %dma_wait3A_45 : memref<1x25x144xf32, #tpu.memory_space<hbm>> -> memref<25x144xf32, #tpu.memory_space<hbm>>
        %dma_wait3A_47 = arith.constant 0 : i32
        %dma_wait3A_48 = tpu.memref_slice %arg6[%add3A_37, %dma_wait3A_47] : memref<10000x144xf32, #tpu.memory_space<vmem_shared>> -> memref<25x144xf32, #tpu.memory_space<vmem_shared>>
        tpu.wait_dma2 semaphore(%run_scoped3A : memref<!tpu.dma_semaphore, #tpu.memory_space<semaphore_mem>>) src(%dma_wait3A_48 : memref<25x144xf32, #tpu.memory_space<vmem_shared>>) dst(%dma_wait3A_46 : memref<25x144xf32, #tpu.memory_space<hbm>>)
        tpu.yield
      }) : () -> ()
    }
    %scan3A_29 = arith.constant 25 : i32
    return
  }
}

#map = affine_map<(d0, d1) -> (0, 0)>
#map1 = affine_map<(d0, d1) -> (0, 0, 0)>
module attributes {stable_mosaic.version = 14 : i64} {
  func.func @gat(%arg0: i32, %arg1: i32, %arg2: memref<10000x144xf32, #tpu.memory_space<hbm>>, %arg3: memref<10000x16xf32, #tpu.memory_space<hbm>>, %arg4: memref<2x320000xi32, #tpu.memory_space<hbm>>, %arg5: memref<2x10000x144xf32, #tpu.memory_space<hbm>>, %arg6: memref<10000x144xf32, #tpu.memory_space<vmem_shared>>, %arg7: memref<80x16xf32, #tpu.memory_space<vmem>>, %arg8: memref<1x80xi32, #tpu.memory_space<vmem>>, %arg9: memref<1x80xi32, #tpu.memory_space<vmem>>, %arg10: memref<80x144xf32, #tpu.memory_space<vmem>>, %arg11: memref<25x144xf32, #tpu.memory_space<vmem>>, %arg12: memref<80xf32, #tpu.memory_space<vmem>>, %arg13: memref<80xf32, #tpu.memory_space<vmem>>) attributes {dimension_semantics = [#tpu.dimension_semantics<core_parallel>, #tpu.dimension_semantics<subcore_parallel>], iteration_bounds = array<i64: 2, 16>, scalar_prefetch = 0 : i64, scratch_operands = 8 : i64, tpu.core_type = #tpu.core_type<sc_vector_subcore>, window_params = [{transform_indices = #map}, {transform_indices = #map}, {transform_indices = #map}, {transform_indices = #map1}]} {
    %mul3A = arith.constant 2 : i32
    %mul3A_0 = arith.muli %arg1, %mul3A : i32
    %add3A = arith.addi %mul3A_0, %arg0 : i32
    %broadcast_in_dim3A = arith.constant 0.000000e+00 : f32
    %broadcast_in_dim3A_1 = vector.broadcast %broadcast_in_dim3A : f32 to vector<16xf32>
    %scan3A = arith.constant 0 : i32
    %scan3A_2 = arith.constant 25 : i32
    %scan3A_3 = arith.addi %scan3A, %scan3A_2 : i32
    %scan3A_4 = arith.constant 1 : i32
    scf.for %scan3A_30 = %scan3A to %scan3A_3 step %scan3A_4  : i32 {
      %mul3A_31 = arith.constant 1 : i32
      %mul3A_32 = arith.muli %scan3A_30, %mul3A_31 : i32
      %add3A_33 = arith.constant 0 : i32
      %add3A_34 = arith.addi %add3A_33, %mul3A_32 : i32
      %scan3A_35 = arith.constant 0 : i32
      %scan3A_36 = arith.constant 9 : i32
      %scan3A_37 = arith.addi %scan3A_35, %scan3A_36 : i32
      %scan3A_38 = arith.constant 1 : i32
      scf.for %scan3A_40 = %scan3A_35 to %scan3A_37 step %scan3A_38  : i32 {
        %mul3A_41 = arith.constant 16 : i32
        %mul3A_42 = arith.muli %scan3A_40, %mul3A_41 : i32
        %add3A_43 = arith.constant 0 : i32
        %add3A_44 = arith.addi %add3A_43, %mul3A_42 : i32
        %swap3A = arith.index_cast %add3A_34 : i32 to index
        %swap3A_45 = arith.index_cast %add3A_44 : i32 to index
        %swap3A_46 = tpu.vector_load %arg11[%swap3A, %swap3A_45] {strides = array<i32>} : memref<25x144xf32, #tpu.memory_space<vmem>>, vector<16xf32>,
        tpu.vector_store %arg11[%swap3A, %swap3A_45], %broadcast_in_dim3A_1 {strides = array<i32>} : memref<25x144xf32, #tpu.memory_space<vmem>>, vector<16xf32>,
      }
      %scan3A_39 = arith.constant 9 : i32
    }
    %scan3A_5 = arith.constant 25 : i32
    %scan3A_6 = arith.constant 0 : i32
    %scan3A_7 = arith.constant 25 : i32
    %scan3A_8 = arith.addi %scan3A_6, %scan3A_7 : i32
    %scan3A_9 = arith.constant 1 : i32
    scf.for %scan3A_30 = %scan3A_6 to %scan3A_8 step %scan3A_9  : i32 {
      %mul3A_31 = arith.constant 25 : i32
      %mul3A_32 = arith.muli %scan3A_30, %mul3A_31 : i32
      %add3A_33 = arith.constant 0 : i32
      %add3A_34 = arith.addi %add3A_33, %mul3A_32 : i32
      %mul3A_35 = arith.constant 625 : i32
      %mul3A_36 = arith.muli %arg1, %mul3A_35 : i32
      %add3A_37 = arith.addi %mul3A_36, %add3A_34 : i32
      "tpu.region"() ({
        %run_scoped3A = tpu.sem_alloc : memref<!tpu.dma_semaphore, #tpu.memory_space<semaphore_mem>>
        %dma_start3A = arith.constant 0 : i32
        %dma_start3A_38 = tpu.memref_slice %arg6[%add3A_37, %dma_start3A] : memref<10000x144xf32, #tpu.memory_space<vmem_shared>> -> memref<25x144xf32, #tpu.memory_space<vmem_shared>>
        %dma_start3A_39 = arith.constant 0 : i32
        %dma_start3A_40 = tpu.memref_slice %arg6[%add3A_37, %dma_start3A_39] : memref<10000x144xf32, #tpu.memory_space<vmem_shared>> -> memref<25x144xf32, #tpu.memory_space<vmem_shared>>
        tpu.enqueue_dma source(%arg11 : memref<25x144xf32, #tpu.memory_space<vmem>>) target(%dma_start3A_40 : memref<25x144xf32, #tpu.memory_space<vmem_shared>>) target_semaphore(%run_scoped3A : memref<!tpu.dma_semaphore, #tpu.memory_space<semaphore_mem>>)
        %dma_wait3A = arith.constant 0 : i32
        %dma_wait3A_41 = tpu.memref_slice %arg6[%add3A_37, %dma_wait3A] : memref<10000x144xf32, #tpu.memory_space<vmem_shared>> -> memref<25x144xf32, #tpu.memory_space<vmem_shared>>
        %dma_wait3A_42 = arith.constant 0 : i32
        %dma_wait3A_43 = tpu.memref_slice %arg6[%add3A_37, %dma_wait3A_42] : memref<10000x144xf32, #tpu.memory_space<vmem_shared>> -> memref<25x144xf32, #tpu.memory_space<vmem_shared>>
        tpu.wait_dma2 semaphore(%run_scoped3A : memref<!tpu.dma_semaphore, #tpu.memory_space<semaphore_mem>>) src(%arg11 : memref<25x144xf32, #tpu.memory_space<vmem>>) dst(%dma_wait3A_43 : memref<25x144xf32, #tpu.memory_space<vmem_shared>>)
        tpu.yield
      }) : () -> ()
    }
    %scan3A_10 = arith.constant 25 : i32
    %barrier3A = arith.constant 0 : index
    tpu.barrier barrier_id(%barrier3A)
    %broadcast_in_dim3A_11 = arith.constant 128 : i32
    %broadcast_in_dim3A_12 = vector.broadcast %broadcast_in_dim3A_11 : i32 to vector<16xi32>
    %broadcast_in_dim3A_13 = arith.constant 129 : i32
    %broadcast_in_dim3A_14 = vector.broadcast %broadcast_in_dim3A_13 : i32 to vector<16xi32>
    %broadcast_in_dim3A_15 = arith.constant 0 : i32
    %broadcast_in_dim3A_16 = vector.broadcast %broadcast_in_dim3A_15 : i32 to vector<16xi32>
    %broadcast_in_dim3A_17 = arith.constant 1 : i32
    %broadcast_in_dim3A_18 = vector.broadcast %broadcast_in_dim3A_17 : i32 to vector<16xi32>
    %scan3A_19 = arith.constant 0 : i32
    %scan3A_20 = arith.constant 125 : i32
    %scan3A_21 = arith.addi %scan3A_19, %scan3A_20 : i32
    %scan3A_22 = arith.constant 1 : i32
    scf.for %scan3A_30 = %scan3A_19 to %scan3A_21 step %scan3A_22  : i32 {
      %mul3A_31 = arith.constant 1 : i32
      %mul3A_32 = arith.muli %scan3A_30, %mul3A_31 : i32
      %add3A_33 = arith.constant 0 : i32
      %add3A_34 = arith.addi %add3A_33, %mul3A_32 : i32
      %mul3A_35 = arith.constant 10000 : i32
      %mul3A_36 = arith.muli %add3A, %mul3A_35 : i32
      %mul3A_37 = arith.constant 80 : i32
      %mul3A_38 = arith.muli %add3A_34, %mul3A_37 : i32
      %add3A_39 = arith.addi %mul3A_36, %mul3A_38 : i32
      %run_scoped3A = arith.constant 0 : i32
      %run_scoped3A_40 = arith.constant 0 : i32
      "tpu.region"() ({
        %run_scoped3A_56 = tpu.sem_alloc : memref<!tpu.dma_semaphore, #tpu.memory_space<semaphore_mem>>
        %dma_start3A = arith.constant 0 : i32
        %dma_start3A_57 = tpu.memref_slice %arg8[%run_scoped3A_40, %dma_start3A] : memref<1x80xi32, #tpu.memory_space<vmem>> -> memref<1x80xi32, #tpu.memory_space<vmem>>
        %dma_start3A_58 = tpu.memref_squeeze %dma_start3A_57 : memref<1x80xi32, #tpu.memory_space<vmem>> -> memref<80xi32, #tpu.memory_space<vmem>>
        %dma_start3A_59 = tpu.memref_slice %arg4[%run_scoped3A, %add3A_39] : memref<2x320000xi32, #tpu.memory_space<hbm>> -> memref<1x80xi32, #tpu.memory_space<hbm>>
        %dma_start3A_60 = tpu.memref_squeeze %dma_start3A_59 : memref<1x80xi32, #tpu.memory_space<hbm>> -> memref<80xi32, #tpu.memory_space<hbm>>
        %dma_start3A_61 = arith.constant 0 : i32
        %dma_start3A_62 = tpu.memref_slice %arg8[%run_scoped3A_40, %dma_start3A_61] : memref<1x80xi32, #tpu.memory_space<vmem>> -> memref<1x80xi32, #tpu.memory_space<vmem>>
        %dma_start3A_63 = tpu.memref_squeeze %dma_start3A_62 : memref<1x80xi32, #tpu.memory_space<vmem>> -> memref<80xi32, #tpu.memory_space<vmem>>
        %dma_start3A_64 = tpu.memref_slice %arg4[%run_scoped3A, %add3A_39] : memref<2x320000xi32, #tpu.memory_space<hbm>> -> memref<1x80xi32, #tpu.memory_space<hbm>>
        %dma_start3A_65 = tpu.memref_squeeze %dma_start3A_64 : memref<1x80xi32, #tpu.memory_space<hbm>> -> memref<80xi32, #tpu.memory_space<hbm>>
        tpu.enqueue_dma source(%dma_start3A_65 : memref<80xi32, #tpu.memory_space<hbm>>) target(%dma_start3A_63 : memref<80xi32, #tpu.memory_space<vmem>>) target_semaphore(%run_scoped3A_56 : memref<!tpu.dma_semaphore, #tpu.memory_space<semaphore_mem>>)
        %dma_wait3A = arith.constant 0 : i32
        %dma_wait3A_66 = tpu.memref_slice %arg8[%run_scoped3A_40, %dma_wait3A] : memref<1x80xi32, #tpu.memory_space<vmem>> -> memref<1x80xi32, #tpu.memory_space<vmem>>
        %dma_wait3A_67 = tpu.memref_squeeze %dma_wait3A_66 : memref<1x80xi32, #tpu.memory_space<vmem>> -> memref<80xi32, #tpu.memory_space<vmem>>
        %dma_wait3A_68 = tpu.memref_slice %arg4[%run_scoped3A, %add3A_39] : memref<2x320000xi32, #tpu.memory_space<hbm>> -> memref<1x80xi32, #tpu.memory_space<hbm>>
        %dma_wait3A_69 = tpu.memref_squeeze %dma_wait3A_68 : memref<1x80xi32, #tpu.memory_space<hbm>> -> memref<80xi32, #tpu.memory_space<hbm>>
        %dma_wait3A_70 = arith.constant 0 : i32
        %dma_wait3A_71 = tpu.memref_slice %arg8[%run_scoped3A_40, %dma_wait3A_70] : memref<1x80xi32, #tpu.memory_space<vmem>> -> memref<1x80xi32, #tpu.memory_space<vmem>>
        %dma_wait3A_72 = tpu.memref_squeeze %dma_wait3A_71 : memref<1x80xi32, #tpu.memory_space<vmem>> -> memref<80xi32, #tpu.memory_space<vmem>>
        %dma_wait3A_73 = tpu.memref_slice %arg4[%run_scoped3A, %add3A_39] : memref<2x320000xi32, #tpu.memory_space<hbm>> -> memref<1x80xi32, #tpu.memory_space<hbm>>
        %dma_wait3A_74 = tpu.memref_squeeze %dma_wait3A_73 : memref<1x80xi32, #tpu.memory_space<hbm>> -> memref<80xi32, #tpu.memory_space<hbm>>
        tpu.wait_dma2 semaphore(%run_scoped3A_56 : memref<!tpu.dma_semaphore, #tpu.memory_space<semaphore_mem>>) src(%dma_wait3A_74 : memref<80xi32, #tpu.memory_space<hbm>>) dst(%dma_wait3A_72 : memref<80xi32, #tpu.memory_space<vmem>>)
        tpu.yield
      }) : () -> ()
      %run_scoped3A_41 = arith.constant 1 : i32
      %run_scoped3A_42 = arith.constant 0 : i32
      "tpu.region"() ({
        %run_scoped3A_56 = tpu.sem_alloc : memref<!tpu.dma_semaphore, #tpu.memory_space<semaphore_mem>>
        %dma_start3A = arith.constant 0 : i32
        %dma_start3A_57 = tpu.memref_slice %arg9[%run_scoped3A_42, %dma_start3A] : memref<1x80xi32, #tpu.memory_space<vmem>> -> memref<1x80xi32, #tpu.memory_space<vmem>>
        %dma_start3A_58 = tpu.memref_squeeze %dma_start3A_57 : memref<1x80xi32, #tpu.memory_space<vmem>> -> memref<80xi32, #tpu.memory_space<vmem>>
        %dma_start3A_59 = tpu.memref_slice %arg4[%run_scoped3A_41, %add3A_39] : memref<2x320000xi32, #tpu.memory_space<hbm>> -> memref<1x80xi32, #tpu.memory_space<hbm>>
        %dma_start3A_60 = tpu.memref_squeeze %dma_start3A_59 : memref<1x80xi32, #tpu.memory_space<hbm>> -> memref<80xi32, #tpu.memory_space<hbm>>
        %dma_start3A_61 = arith.constant 0 : i32
        %dma_start3A_62 = tpu.memref_slice %arg9[%run_scoped3A_42, %dma_start3A_61] : memref<1x80xi32, #tpu.memory_space<vmem>> -> memref<1x80xi32, #tpu.memory_space<vmem>>
        %dma_start3A_63 = tpu.memref_squeeze %dma_start3A_62 : memref<1x80xi32, #tpu.memory_space<vmem>> -> memref<80xi32, #tpu.memory_space<vmem>>
        %dma_start3A_64 = tpu.memref_slice %arg4[%run_scoped3A_41, %add3A_39] : memref<2x320000xi32, #tpu.memory_space<hbm>> -> memref<1x80xi32, #tpu.memory_space<hbm>>
        %dma_start3A_65 = tpu.memref_squeeze %dma_start3A_64 : memref<1x80xi32, #tpu.memory_space<hbm>> -> memref<80xi32, #tpu.memory_space<hbm>>
        tpu.enqueue_dma source(%dma_start3A_65 : memref<80xi32, #tpu.memory_space<hbm>>) target(%dma_start3A_63 : memref<80xi32, #tpu.memory_space<vmem>>) target_semaphore(%run_scoped3A_56 : memref<!tpu.dma_semaphore, #tpu.memory_space<semaphore_mem>>)
        %dma_wait3A = arith.constant 0 : i32
        %dma_wait3A_66 = tpu.memref_slice %arg9[%run_scoped3A_42, %dma_wait3A] : memref<1x80xi32, #tpu.memory_space<vmem>> -> memref<1x80xi32, #tpu.memory_space<vmem>>
        %dma_wait3A_67 = tpu.memref_squeeze %dma_wait3A_66 : memref<1x80xi32, #tpu.memory_space<vmem>> -> memref<80xi32, #tpu.memory_space<vmem>>
        %dma_wait3A_68 = tpu.memref_slice %arg4[%run_scoped3A_41, %add3A_39] : memref<2x320000xi32, #tpu.memory_space<hbm>> -> memref<1x80xi32, #tpu.memory_space<hbm>>
        %dma_wait3A_69 = tpu.memref_squeeze %dma_wait3A_68 : memref<1x80xi32, #tpu.memory_space<hbm>> -> memref<80xi32, #tpu.memory_space<hbm>>
        %dma_wait3A_70 = arith.constant 0 : i32
        %dma_wait3A_71 = tpu.memref_slice %arg9[%run_scoped3A_42, %dma_wait3A_70] : memref<1x80xi32, #tpu.memory_space<vmem>> -> memref<1x80xi32, #tpu.memory_space<vmem>>
        %dma_wait3A_72 = tpu.memref_squeeze %dma_wait3A_71 : memref<1x80xi32, #tpu.memory_space<vmem>> -> memref<80xi32, #tpu.memory_space<vmem>>
        %dma_wait3A_73 = tpu.memref_slice %arg4[%run_scoped3A_41, %add3A_39] : memref<2x320000xi32, #tpu.memory_space<hbm>> -> memref<1x80xi32, #tpu.memory_space<hbm>>
        %dma_wait3A_74 = tpu.memref_squeeze %dma_wait3A_73 : memref<1x80xi32, #tpu.memory_space<hbm>> -> memref<80xi32, #tpu.memory_space<hbm>>
        tpu.wait_dma2 semaphore(%run_scoped3A_56 : memref<!tpu.dma_semaphore, #tpu.memory_space<semaphore_mem>>) src(%dma_wait3A_74 : memref<80xi32, #tpu.memory_space<hbm>>) dst(%dma_wait3A_72 : memref<80xi32, #tpu.memory_space<vmem>>)
        tpu.yield
      }) : () -> ()
      %run_scoped3A_43 = arith.constant 0 : i32
      "tpu.region"() ({
        %run_scoped3A_56 = tpu.sem_alloc : memref<!tpu.dma_semaphore, #tpu.memory_space<semaphore_mem>>
        %dma_start3A = arith.constant 0 : i32
        %dma_start3A_57 = tpu.memref_slice %arg8[%run_scoped3A_43, %dma_start3A] : memref<1x80xi32, #tpu.memory_space<vmem>> -> memref<1x80xi32, #tpu.memory_space<vmem>>
        %dma_start3A_58 = tpu.memref_squeeze %dma_start3A_57 : memref<1x80xi32, #tpu.memory_space<vmem>> -> memref<80xi32, #tpu.memory_space<vmem>>
        %dma_start3A_59 = arith.constant 0 : i32
        %dma_start3A_60 = arith.constant 0 : i32
        %dma_start3A_61 = tpu.memref_slice %arg2[%dma_start3A_59, %dma_start3A_60] : memref<10000x144xf32, #tpu.memory_space<hbm>> -> memref<10000x144xf32, #tpu.memory_space<hbm>>
        tpu.enqueue_indirect_dma source(%dma_start3A_61 : memref<10000x144xf32, #tpu.memory_space<hbm>>) target(%arg10 : memref<80x144xf32, #tpu.memory_space<vmem>>) offsets(%dma_start3A_58 : memref<80xi32, #tpu.memory_space<vmem>>) semaphore(%run_scoped3A_56 : memref<!tpu.dma_semaphore, #tpu.memory_space<semaphore_mem>>)
        %dma_wait3A = arith.constant 0 : i32
        %dma_wait3A_62 = tpu.memref_slice %arg8[%run_scoped3A_43, %dma_wait3A] : memref<1x80xi32, #tpu.memory_space<vmem>> -> memref<1x80xi32, #tpu.memory_space<vmem>>
        %dma_wait3A_63 = tpu.memref_squeeze %dma_wait3A_62 : memref<1x80xi32, #tpu.memory_space<vmem>> -> memref<80xi32, #tpu.memory_space<vmem>>
        %dma_wait3A_64 = arith.constant 0 : i32
        %dma_wait3A_65 = arith.constant 0 : i32
        %dma_wait3A_66 = tpu.memref_slice %arg2[%dma_wait3A_64, %dma_wait3A_65] : memref<10000x144xf32, #tpu.memory_space<hbm>> -> memref<10000x144xf32, #tpu.memory_space<hbm>>
        tpu.wait_indirect_dma semaphore(%run_scoped3A_56 : memref<!tpu.dma_semaphore, #tpu.memory_space<semaphore_mem>>) src(%dma_wait3A_66 : memref<10000x144xf32, #tpu.memory_space<hbm>>) dst(%arg10 : memref<80x144xf32, #tpu.memory_space<vmem>>)
        tpu.yield
      }) : () -> ()
      %run_scoped3A_44 = arith.constant 0 : i32
      "tpu.region"() ({
        %run_scoped3A_56 = tpu.sem_alloc : memref<!tpu.dma_semaphore, #tpu.memory_space<semaphore_mem>>
        %dma_start3A = arith.constant 0 : i32
        %dma_start3A_57 = tpu.memref_slice %arg9[%run_scoped3A_44, %dma_start3A] : memref<1x80xi32, #tpu.memory_space<vmem>> -> memref<1x80xi32, #tpu.memory_space<vmem>>
        %dma_start3A_58 = tpu.memref_squeeze %dma_start3A_57 : memref<1x80xi32, #tpu.memory_space<vmem>> -> memref<80xi32, #tpu.memory_space<vmem>>
        %dma_start3A_59 = arith.constant 0 : i32
        %dma_start3A_60 = arith.constant 0 : i32
        %dma_start3A_61 = tpu.memref_slice %arg3[%dma_start3A_59, %dma_start3A_60] : memref<10000x16xf32, #tpu.memory_space<hbm>> -> memref<10000x16xf32, #tpu.memory_space<hbm>>
        tpu.enqueue_indirect_dma source(%dma_start3A_61 : memref<10000x16xf32, #tpu.memory_space<hbm>>) target(%arg7 : memref<80x16xf32, #tpu.memory_space<vmem>>) offsets(%dma_start3A_58 : memref<80xi32, #tpu.memory_space<vmem>>) semaphore(%run_scoped3A_56 : memref<!tpu.dma_semaphore, #tpu.memory_space<semaphore_mem>>)
        %dma_wait3A = arith.constant 0 : i32
        %dma_wait3A_62 = tpu.memref_slice %arg9[%run_scoped3A_44, %dma_wait3A] : memref<1x80xi32, #tpu.memory_space<vmem>> -> memref<1x80xi32, #tpu.memory_space<vmem>>
        %dma_wait3A_63 = tpu.memref_squeeze %dma_wait3A_62 : memref<1x80xi32, #tpu.memory_space<vmem>> -> memref<80xi32, #tpu.memory_space<vmem>>
        %dma_wait3A_64 = arith.constant 0 : i32
        %dma_wait3A_65 = arith.constant 0 : i32
        %dma_wait3A_66 = tpu.memref_slice %arg3[%dma_wait3A_64, %dma_wait3A_65] : memref<10000x16xf32, #tpu.memory_space<hbm>> -> memref<10000x16xf32, #tpu.memory_space<hbm>>
        tpu.wait_indirect_dma semaphore(%run_scoped3A_56 : memref<!tpu.dma_semaphore, #tpu.memory_space<semaphore_mem>>) src(%dma_wait3A_66 : memref<10000x16xf32, #tpu.memory_space<hbm>>) dst(%arg7 : memref<80x16xf32, #tpu.memory_space<vmem>>)
        tpu.yield
      }) : () -> ()
      %scan3A_45 = arith.constant 0 : i32
      %scan3A_46 = arith.constant 5 : i32
      %scan3A_47 = arith.addi %scan3A_45, %scan3A_46 : i32
      %scan3A_48 = arith.constant 1 : i32
      scf.for %scan3A_56 = %scan3A_45 to %scan3A_47 step %scan3A_48  : i32 {
        %mul3A_57 = arith.constant 16 : i32
        %mul3A_58 = arith.muli %scan3A_56, %mul3A_57 : i32
        %add3A_59 = arith.constant 0 : i32
        %add3A_60 = arith.addi %add3A_59, %mul3A_58 : i32
        %iota3A = tpu.iota {dimensions = array<i32: 0>} : vector<16xi32>
        %add3A_61 = vector.broadcast %add3A_60 : i32 to vector<16xi32>
        %add3A_62 = arith.addi %add3A_61, %iota3A : vector<16xi32>
        %gather3A = tpu.vector_load_idx %arg10[%add3A_62, %broadcast_in_dim3A_12] : memref<80x144xf32, #tpu.memory_space<vmem>>[vector<16xi32>, vector<16xi32>], vector<16xf32>,
        %gather3A_63 = tpu.vector_load_idx %arg10[%add3A_62, %broadcast_in_dim3A_14] : memref<80x144xf32, #tpu.memory_space<vmem>>[vector<16xi32>, vector<16xi32>], vector<16xf32>,
        %gather3A_64 = tpu.vector_load_idx %arg7[%add3A_62, %broadcast_in_dim3A_16] : memref<80x16xf32, #tpu.memory_space<vmem>>[vector<16xi32>, vector<16xi32>], vector<16xf32>,
        %gather3A_65 = tpu.vector_load_idx %arg7[%add3A_62, %broadcast_in_dim3A_18] : memref<80x16xf32, #tpu.memory_space<vmem>>[vector<16xi32>, vector<16xi32>], vector<16xf32>,
        %add3A_66 = arith.addf %gather3A, %gather3A_64 : vector<16xf32>
        %add3A_67 = arith.addf %gather3A_63, %gather3A_65 : vector<16xf32>
        %mul3A_68 = arith.constant 2.000000e-01 : f32
        %mul3A_69 = vector.broadcast %mul3A_68 : f32 to vector<16xf32>
        %mul3A_70 = arith.mulf %add3A_66, %mul3A_69 : vector<16xf32>
        %max3A = arith.maximumf %add3A_66, %mul3A_70 : vector<16xf32>
        %exp3A = math.exp %max3A : vector<16xf32>
        %mul3A_71 = arith.constant 2.000000e-01 : f32
        %mul3A_72 = vector.broadcast %mul3A_71 : f32 to vector<16xf32>
        %mul3A_73 = arith.mulf %add3A_67, %mul3A_72 : vector<16xf32>
        %max3A_74 = arith.maximumf %add3A_67, %mul3A_73 : vector<16xf32>
        %exp3A_75 = math.exp %max3A_74 : vector<16xf32>
        tpu.vector_store_idx %arg10[%add3A_62, %broadcast_in_dim3A_12], %exp3A : memref<80x144xf32, #tpu.memory_space<vmem>>[vector<16xi32>, vector<16xi32>], vector<16xf32>,
        tpu.vector_store_idx %arg10[%add3A_62, %broadcast_in_dim3A_14], %exp3A_75 : memref<80x144xf32, #tpu.memory_space<vmem>>[vector<16xi32>, vector<16xi32>], vector<16xf32>,
        %swap3A = arith.index_cast %add3A_60 : i32 to index
        %swap3A_76 = tpu.vector_load %arg12[%swap3A] {strides = array<i32>} : memref<80xf32, #tpu.memory_space<vmem>>, vector<16xf32>,
        tpu.vector_store %arg12[%swap3A], %exp3A {strides = array<i32>} : memref<80xf32, #tpu.memory_space<vmem>>, vector<16xf32>,
        %swap3A_77 = arith.index_cast %add3A_60 : i32 to index
        %swap3A_78 = tpu.vector_load %arg13[%swap3A_77] {strides = array<i32>} : memref<80xf32, #tpu.memory_space<vmem>>, vector<16xf32>,
        tpu.vector_store %arg13[%swap3A_77], %exp3A_75 {strides = array<i32>} : memref<80xf32, #tpu.memory_space<vmem>>, vector<16xf32>,
      }
      %scan3A_49 = arith.constant 5 : i32
      %scan3A_50 = arith.constant 0 : i32
      %scan3A_51 = arith.constant 80 : i32
      %scan3A_52 = arith.addi %scan3A_50, %scan3A_51 : i32
      %scan3A_53 = arith.constant 1 : i32
      scf.for %scan3A_56 = %scan3A_50 to %scan3A_52 step %scan3A_53  : i32 {
        %mul3A_57 = arith.constant 1 : i32
        %mul3A_58 = arith.muli %scan3A_56, %mul3A_57 : i32
        %add3A_59 = arith.constant 0 : i32
        %add3A_60 = arith.addi %add3A_59, %mul3A_58 : i32
        %broadcast_in_dim3A_61 = arith.constant 0 : i32
        %broadcast_in_dim3A_62 = vector.broadcast %broadcast_in_dim3A_61 : i32 to vector<16xi32>
        %add3A_63 = vector.broadcast %add3A_60 : i32 to vector<16xi32>
        %add3A_64 = arith.addi %broadcast_in_dim3A_62, %add3A_63 : vector<16xi32>
        %gather3A = tpu.vector_load_idx %arg12[%add3A_64] : memref<80xf32, #tpu.memory_space<vmem>>[vector<16xi32>], vector<16xf32>,
        %gather3A_65 = tpu.vector_load_idx %arg13[%add3A_64] : memref<80xf32, #tpu.memory_space<vmem>>[vector<16xi32>], vector<16xf32>,
        %get3A = arith.index_cast %add3A_60 : i32 to index
        %get3A_66 = arith.constant 0 : index
        %get3A_67 = tpu.vector_load %arg10[%get3A, %get3A_66] {strides = array<i32>} : memref<80x144xf32, #tpu.memory_space<vmem>>, vector<16xf32>,
        %mul3A_68 = arith.mulf %get3A_67, %gather3A : vector<16xf32>
        %swap3A = arith.index_cast %add3A_60 : i32 to index
        %swap3A_69 = arith.constant 0 : index
        %swap3A_70 = tpu.vector_load %arg10[%swap3A, %swap3A_69] {strides = array<i32>} : memref<80x144xf32, #tpu.memory_space<vmem>>, vector<16xf32>,
        tpu.vector_store %arg10[%swap3A, %swap3A_69], %mul3A_68 {strides = array<i32>} : memref<80x144xf32, #tpu.memory_space<vmem>>, vector<16xf32>,
        %get3A_71 = arith.index_cast %add3A_60 : i32 to index
        %get3A_72 = arith.constant 16 : index
        %get3A_73 = tpu.vector_load %arg10[%get3A_71, %get3A_72] {strides = array<i32>} : memref<80x144xf32, #tpu.memory_space<vmem>>, vector<16xf32>,
        %mul3A_74 = arith.mulf %get3A_73, %gather3A : vector<16xf32>
        %swap3A_75 = arith.index_cast %add3A_60 : i32 to index
        %swap3A_76 = arith.constant 16 : index
        %swap3A_77 = tpu.vector_load %arg10[%swap3A_75, %swap3A_76] {strides = array<i32>} : memref<80x144xf32, #tpu.memory_space<vmem>>, vector<16xf32>,
        tpu.vector_store %arg10[%swap3A_75, %swap3A_76], %mul3A_74 {strides = array<i32>} : memref<80x144xf32, #tpu.memory_space<vmem>>, vector<16xf32>,
        %get3A_78 = arith.index_cast %add3A_60 : i32 to index
        %get3A_79 = arith.constant 32 : index
        %get3A_80 = tpu.vector_load %arg10[%get3A_78, %get3A_79] {strides = array<i32>} : memref<80x144xf32, #tpu.memory_space<vmem>>, vector<16xf32>,
        %mul3A_81 = arith.mulf %get3A_80, %gather3A : vector<16xf32>
        %swap3A_82 = arith.index_cast %add3A_60 : i32 to index
        %swap3A_83 = arith.constant 32 : index
        %swap3A_84 = tpu.vector_load %arg10[%swap3A_82, %swap3A_83] {strides = array<i32>} : memref<80x144xf32, #tpu.memory_space<vmem>>, vector<16xf32>,
        tpu.vector_store %arg10[%swap3A_82, %swap3A_83], %mul3A_81 {strides = array<i32>} : memref<80x144xf32, #tpu.memory_space<vmem>>, vector<16xf32>,
        %get3A_85 = arith.index_cast %add3A_60 : i32 to index
        %get3A_86 = arith.constant 48 : index
        %get3A_87 = tpu.vector_load %arg10[%get3A_85, %get3A_86] {strides = array<i32>} : memref<80x144xf32, #tpu.memory_space<vmem>>, vector<16xf32>,
        %mul3A_88 = arith.mulf %get3A_87, %gather3A : vector<16xf32>
        %swap3A_89 = arith.index_cast %add3A_60 : i32 to index
        %swap3A_90 = arith.constant 48 : index
        %swap3A_91 = tpu.vector_load %arg10[%swap3A_89, %swap3A_90] {strides = array<i32>} : memref<80x144xf32, #tpu.memory_space<vmem>>, vector<16xf32>,
        tpu.vector_store %arg10[%swap3A_89, %swap3A_90], %mul3A_88 {strides = array<i32>} : memref<80x144xf32, #tpu.memory_space<vmem>>, vector<16xf32>,
        %get3A_92 = arith.index_cast %add3A_60 : i32 to index
        %get3A_93 = arith.constant 64 : index
        %get3A_94 = tpu.vector_load %arg10[%get3A_92, %get3A_93] {strides = array<i32>} : memref<80x144xf32, #tpu.memory_space<vmem>>, vector<16xf32>,
        %mul3A_95 = arith.mulf %get3A_94, %gather3A_65 : vector<16xf32>
        %swap3A_96 = arith.index_cast %add3A_60 : i32 to index
        %swap3A_97 = arith.constant 64 : index
        %swap3A_98 = tpu.vector_load %arg10[%swap3A_96, %swap3A_97] {strides = array<i32>} : memref<80x144xf32, #tpu.memory_space<vmem>>, vector<16xf32>,
        tpu.vector_store %arg10[%swap3A_96, %swap3A_97], %mul3A_95 {strides = array<i32>} : memref<80x144xf32, #tpu.memory_space<vmem>>, vector<16xf32>,
        %get3A_99 = arith.index_cast %add3A_60 : i32 to index
        %get3A_100 = arith.constant 80 : index
        %get3A_101 = tpu.vector_load %arg10[%get3A_99, %get3A_100] {strides = array<i32>} : memref<80x144xf32, #tpu.memory_space<vmem>>, vector<16xf32>,
        %mul3A_102 = arith.mulf %get3A_101, %gather3A_65 : vector<16xf32>
        %swap3A_103 = arith.index_cast %add3A_60 : i32 to index
        %swap3A_104 = arith.constant 80 : index
        %swap3A_105 = tpu.vector_load %arg10[%swap3A_103, %swap3A_104] {strides = array<i32>} : memref<80x144xf32, #tpu.memory_space<vmem>>, vector<16xf32>,
        tpu.vector_store %arg10[%swap3A_103, %swap3A_104], %mul3A_102 {strides = array<i32>} : memref<80x144xf32, #tpu.memory_space<vmem>>, vector<16xf32>,
        %get3A_106 = arith.index_cast %add3A_60 : i32 to index
        %get3A_107 = arith.constant 96 : index
        %get3A_108 = tpu.vector_load %arg10[%get3A_106, %get3A_107] {strides = array<i32>} : memref<80x144xf32, #tpu.memory_space<vmem>>, vector<16xf32>,
        %mul3A_109 = arith.mulf %get3A_108, %gather3A_65 : vector<16xf32>
        %swap3A_110 = arith.index_cast %add3A_60 : i32 to index
        %swap3A_111 = arith.constant 96 : index
        %swap3A_112 = tpu.vector_load %arg10[%swap3A_110, %swap3A_111] {strides = array<i32>} : memref<80x144xf32, #tpu.memory_space<vmem>>, vector<16xf32>,
        tpu.vector_store %arg10[%swap3A_110, %swap3A_111], %mul3A_109 {strides = array<i32>} : memref<80x144xf32, #tpu.memory_space<vmem>>, vector<16xf32>,
        %get3A_113 = arith.index_cast %add3A_60 : i32 to index
        %get3A_114 = arith.constant 112 : index
        %get3A_115 = tpu.vector_load %arg10[%get3A_113, %get3A_114] {strides = array<i32>} : memref<80x144xf32, #tpu.memory_space<vmem>>, vector<16xf32>,
        %mul3A_116 = arith.mulf %get3A_115, %gather3A_65 : vector<16xf32>
        %swap3A_117 = arith.index_cast %add3A_60 : i32 to index
        %swap3A_118 = arith.constant 112 : index
        %swap3A_119 = tpu.vector_load %arg10[%swap3A_117, %swap3A_118] {strides = array<i32>} : memref<80x144xf32, #tpu.memory_space<vmem>>, vector<16xf32>,
        tpu.vector_store %arg10[%swap3A_117, %swap3A_118], %mul3A_116 {strides = array<i32>} : memref<80x144xf32, #tpu.memory_space<vmem>>, vector<16xf32>,
      }
      %scan3A_54 = arith.constant 80 : i32
      %run_scoped3A_55 = arith.constant 0 : i32
      "tpu.region"() ({
        %run_scoped3A_56 = tpu.sem_alloc : memref<!tpu.dma_semaphore, #tpu.memory_space<semaphore_mem>>
        %dma_start3A = arith.constant 0 : i32
        %dma_start3A_57 = tpu.memref_slice %arg9[%run_scoped3A_55, %dma_start3A] : memref<1x80xi32, #tpu.memory_space<vmem>> -> memref<1x80xi32, #tpu.memory_space<vmem>>
        %dma_start3A_58 = tpu.memref_squeeze %dma_start3A_57 : memref<1x80xi32, #tpu.memory_space<vmem>> -> memref<80xi32, #tpu.memory_space<vmem>>
        %dma_start3A_59 = arith.constant 0 : i32
        %dma_start3A_60 = arith.constant 0 : i32
        %dma_start3A_61 = tpu.memref_slice %arg6[%dma_start3A_59, %dma_start3A_60] : memref<10000x144xf32, #tpu.memory_space<vmem_shared>> -> memref<10000x144xf32, #tpu.memory_space<vmem_shared>>
        tpu.enqueue_indirect_dma source(%arg10 : memref<80x144xf32, #tpu.memory_space<vmem>>) target(%dma_start3A_61 : memref<10000x144xf32, #tpu.memory_space<vmem_shared>>) offsets(%dma_start3A_58 : memref<80xi32, #tpu.memory_space<vmem>>) semaphore(%run_scoped3A_56 : memref<!tpu.dma_semaphore, #tpu.memory_space<semaphore_mem>>) {add = true}
        %dma_wait3A = arith.constant 0 : i32
        %dma_wait3A_62 = tpu.memref_slice %arg9[%run_scoped3A_55, %dma_wait3A] : memref<1x80xi32, #tpu.memory_space<vmem>> -> memref<1x80xi32, #tpu.memory_space<vmem>>
        %dma_wait3A_63 = tpu.memref_squeeze %dma_wait3A_62 : memref<1x80xi32, #tpu.memory_space<vmem>> -> memref<80xi32, #tpu.memory_space<vmem>>
        %dma_wait3A_64 = arith.constant 0 : i32
        %dma_wait3A_65 = arith.constant 0 : i32
        %dma_wait3A_66 = tpu.memref_slice %arg6[%dma_wait3A_64, %dma_wait3A_65] : memref<10000x144xf32, #tpu.memory_space<vmem_shared>> -> memref<10000x144xf32, #tpu.memory_space<vmem_shared>>
        tpu.wait_indirect_dma semaphore(%run_scoped3A_56 : memref<!tpu.dma_semaphore, #tpu.memory_space<semaphore_mem>>) src(%arg10 : memref<80x144xf32, #tpu.memory_space<vmem>>) dst(%dma_wait3A_66 : memref<10000x144xf32, #tpu.memory_space<vmem_shared>>)
        tpu.yield
      }) : () -> ()
    }
    %scan3A_23 = arith.constant 125 : i32
    %barrier3A_24 = arith.constant 0 : index
    tpu.barrier barrier_id(%barrier3A_24)
    %scan3A_25 = arith.constant 0 : i32
    %scan3A_26 = arith.constant 25 : i32
    %scan3A_27 = arith.addi %scan3A_25, %scan3A_26 : i32
    %scan3A_28 = arith.constant 1 : i32
    scf.for %scan3A_30 = %scan3A_25 to %scan3A_27 step %scan3A_28  : i32 {
      %mul3A_31 = arith.constant 25 : i32
      %mul3A_32 = arith.muli %scan3A_30, %mul3A_31 : i32
      %add3A_33 = arith.constant 0 : i32
      %add3A_34 = arith.addi %add3A_33, %mul3A_32 : i32
      %mul3A_35 = arith.constant 625 : i32
      %mul3A_36 = arith.muli %arg1, %mul3A_35 : i32
      %add3A_37 = arith.addi %mul3A_36, %add3A_34 : i32
      %mul3A_38 = arith.constant 625 : i32
      %mul3A_39 = arith.muli %arg1, %mul3A_38 : i32
      %add3A_40 = arith.addi %mul3A_39, %add3A_34 : i32
      "tpu.region"() ({
        %run_scoped3A = tpu.sem_alloc : memref<!tpu.dma_semaphore, #tpu.memory_space<semaphore_mem>>
        %dma_start3A = arith.constant 0 : i32
        %dma_start3A_41 = tpu.memref_slice %arg5[%arg0, %add3A_40, %dma_start3A] : memref<2x10000x144xf32, #tpu.memory_space<hbm>> -> memref<1x25x144xf32, #tpu.memory_space<hbm>>
        %dma_start3A_42 = tpu.memref_squeeze %dma_start3A_41 : memref<1x25x144xf32, #tpu.memory_space<hbm>> -> memref<25x144xf32, #tpu.memory_space<hbm>>
        %dma_start3A_43 = arith.constant 0 : i32
        %dma_start3A_44 = tpu.memref_slice %arg6[%add3A_37, %dma_start3A_43] : memref<10000x144xf32, #tpu.memory_space<vmem_shared>> -> memref<25x144xf32, #tpu.memory_space<vmem_shared>>
        tpu.enqueue_dma source(%dma_start3A_44 : memref<25x144xf32, #tpu.memory_space<vmem_shared>>) target(%dma_start3A_42 : memref<25x144xf32, #tpu.memory_space<hbm>>) target_semaphore(%run_scoped3A : memref<!tpu.dma_semaphore, #tpu.memory_space<semaphore_mem>>)
        %dma_wait3A = arith.constant 0 : i32
        %dma_wait3A_45 = tpu.memref_slice %arg5[%arg0, %add3A_40, %dma_wait3A] : memref<2x10000x144xf32, #tpu.memory_space<hbm>> -> memref<1x25x144xf32, #tpu.memory_space<hbm>>
        %dma_wait3A_46 = tpu.memref_squeeze %dma_wait3A_45 : memref<1x25x144xf32, #tpu.memory_space<hbm>> -> memref<25x144xf32, #tpu.memory_space<hbm>>
        %dma_wait3A_47 = arith.constant 0 : i32
        %dma_wait3A_48 = tpu.memref_slice %arg6[%add3A_37, %dma_wait3A_47] : memref<10000x144xf32, #tpu.memory_space<vmem_shared>> -> memref<25x144xf32, #tpu.memory_space<vmem_shared>>
        tpu.wait_dma2 semaphore(%run_scoped3A : memref<!tpu.dma_semaphore, #tpu.memory_space<semaphore_mem>>) src(%dma_wait3A_48 : memref<25x144xf32, #tpu.memory_space<vmem_shared>>) dst(%dma_wait3A_46 : memref<25x144xf32, #tpu.memory_space<hbm>>)
        tpu.yield
      }) : () -> ()
    }
    %scan3A_29 = arith.constant 25 : i32
    return
  }
}

module attributes {stable_mosaic.version = 14 : i64} {
  func.func @_prep_body(%arg0: i32, %arg1: memref<400x128xf32, #tpu.memory_space<vmem>>, %arg2: memref<128x16xf32, #tpu.memory_space<vmem>>, %arg3: memref<400x16xf32, #tpu.memory_space<vmem>>) attributes {dimension_semantics = [#tpu.dimension_semantics<arbitrary>], iteration_bounds = array<i64: 25>, scalar_prefetch = 0 : i64, scratch_operands = 0 : i64, tpu.core_type = #tpu.core_type<tc>, window_params = [{transform_indices = @transform_0, window_bounds = array<i64: 400, 128>}, {pipeline_mode = #tpu.pipeline_mode<synchronous>, transform_indices = @transform_1, window_bounds = array<i64: 128, 16>}, {transform_indices = @transform_2, window_bounds = array<i64: 400, 16>}]} {
    %get3A = arith.constant 0 : index
    %get3A_0 = arith.constant 0 : index
    %get3A_1 = vector.load %arg1[%get3A, %get3A_0] : memref<400x128xf32, #tpu.memory_space<vmem>>, vector<400x128xf32>
    %get3A_2 = arith.constant 0 : index
    %get3A_3 = arith.constant 0 : index
    %get3A_4 = vector.load %arg2[%get3A_2, %get3A_3] : memref<128x16xf32, #tpu.memory_space<vmem>>, vector<128x16xf32>
    %dot_general3A = arith.constant dense<0.000000e+00> : vector<400x16xf32>
    %dot_general3A_5 = tpu.matmul %get3A_1, %get3A_4, %dot_general3A {dimension_numbers = #tpu.dot_dimension_numbers<[1], [0], [0], [1], [0, 0, 1, 1], [], []>, transpose_lhs_hint = false} : vector<400x128xf32>, vector<128x16xf32>, vector<400x16xf32> -> vector<400x16xf32>
    %swap3A = arith.constant 0 : index
    %swap3A_6 = arith.constant 0 : index
    %swap3A_7 = vector.load %arg3[%swap3A, %swap3A_6] : memref<400x16xf32, #tpu.memory_space<vmem>>, vector<400x16xf32>
    tpu.vector_store %arg3[%swap3A, %swap3A_6], %dot_general3A_5 {strides = array<i32>} : memref<400x16xf32, #tpu.memory_space<vmem>>, vector<400x16xf32>,
    return
  }
  func.func @transform_0(%arg0: i32) -> (i32, i32) {
    %c0_i32 = arith.constant 0 : i32
    %c0_i32_0 = arith.constant 0 : i32
    return %arg0, %c0_i32 : i32, i32
  }
  func.func @transform_1(%arg0: i32) -> (i32, i32) {
    %c0_i32 = arith.constant 0 : i32
    %c0_i32_0 = arith.constant 0 : i32
    %c0_i32_1 = arith.constant 0 : i32
    return %c0_i32, %c0_i32_0 : i32, i32
  }
  func.func @transform_2(%arg0: i32) -> (i32, i32) {
    %c0_i32 = arith.constant 0 : i32
    %c0_i32_0 = arith.constant 0 : i32
    return %arg0, %c0_i32 : i32, i32
  }
}

module attributes {stable_mosaic.version = 14 : i64} {
  func.func @_prep_body(%arg0: i32, %arg1: memref<400x128xf32, #tpu.memory_space<vmem>>, %arg2: memref<128x144xf32, #tpu.memory_space<vmem>>, %arg3: memref<400x144xf32, #tpu.memory_space<vmem>>) attributes {dimension_semantics = [#tpu.dimension_semantics<arbitrary>], iteration_bounds = array<i64: 25>, scalar_prefetch = 0 : i64, scratch_operands = 0 : i64, tpu.core_type = #tpu.core_type<tc>, window_params = [{transform_indices = @transform_0, window_bounds = array<i64: 400, 128>}, {pipeline_mode = #tpu.pipeline_mode<synchronous>, transform_indices = @transform_1, window_bounds = array<i64: 128, 144>}, {transform_indices = @transform_2, window_bounds = array<i64: 400, 144>}]} {
    %get3A = arith.constant 0 : index
    %get3A_0 = arith.constant 0 : index
    %get3A_1 = vector.load %arg1[%get3A, %get3A_0] : memref<400x128xf32, #tpu.memory_space<vmem>>, vector<400x128xf32>
    %get3A_2 = arith.constant 0 : index
    %get3A_3 = arith.constant 0 : index
    %get3A_4 = vector.load %arg2[%get3A_2, %get3A_3] : memref<128x144xf32, #tpu.memory_space<vmem>>, vector<128x144xf32>
    %dot_general3A = arith.constant dense<0.000000e+00> : vector<400x144xf32>
    %dot_general3A_5 = tpu.matmul %get3A_1, %get3A_4, %dot_general3A {dimension_numbers = #tpu.dot_dimension_numbers<[1], [0], [0], [1], [0, 0, 1, 1], [], []>, transpose_lhs_hint = false} : vector<400x128xf32>, vector<128x144xf32>, vector<400x144xf32> -> vector<400x144xf32>
    %swap3A = arith.constant 0 : index
    %swap3A_6 = arith.constant 0 : index
    %swap3A_7 = vector.load %arg3[%swap3A, %swap3A_6] : memref<400x144xf32, #tpu.memory_space<vmem>>, vector<400x144xf32>
    tpu.vector_store %arg3[%swap3A, %swap3A_6], %dot_general3A_5 {strides = array<i32>} : memref<400x144xf32, #tpu.memory_space<vmem>>, vector<400x144xf32>,
    return
  }
  func.func @transform_0(%arg0: i32) -> (i32, i32) {
    %c0_i32 = arith.constant 0 : i32
    %c0_i32_0 = arith.constant 0 : i32
    return %arg0, %c0_i32 : i32, i32
  }
  func.func @transform_1(%arg0: i32) -> (i32, i32) {
    %c0_i32 = arith.constant 0 : i32
    %c0_i32_0 = arith.constant 0 : i32
    %c0_i32_1 = arith.constant 0 : i32
    return %c0_i32, %c0_i32_0 : i32, i32
  }
  func.func @transform_2(%arg0: i32) -> (i32, i32) {
    %c0_i32 = arith.constant 0 : i32
    %c0_i32_0 = arith.constant 0 : i32
    return %arg0, %c0_i32 : i32, i32
  }
}

module attributes {stable_mosaic.version = 14 : i64} {
  func.func @_fin_body(%arg0: i32, %arg1: memref<400x144xf32, #tpu.memory_space<vmem>>, %arg2: memref<400x144xf32, #tpu.memory_space<vmem>>, %arg3: memref<1x128xf32, #tpu.memory_space<vmem>>, %arg4: memref<128x144xf32, #tpu.memory_space<vmem>>, %arg5: memref<1x144xf32, #tpu.memory_space<vmem>>, %arg6: memref<400x144xf32, #tpu.memory_space<vmem>>) attributes {dimension_semantics = [#tpu.dimension_semantics<arbitrary>], iteration_bounds = array<i64: 25>, scalar_prefetch = 0 : i64, scratch_operands = 0 : i64, tpu.core_type = #tpu.core_type<tc>, window_params = [{transform_indices = @transform_0, window_bounds = array<i64: 400, 144>}, {transform_indices = @transform_1, window_bounds = array<i64: 400, 144>}, {pipeline_mode = #tpu.pipeline_mode<synchronous>, transform_indices = @transform_2, window_bounds = array<i64: 1, 128>}, {pipeline_mode = #tpu.pipeline_mode<synchronous>, transform_indices = @transform_3, window_bounds = array<i64: 128, 144>}, {pipeline_mode = #tpu.pipeline_mode<synchronous>, transform_indices = @transform_4, window_bounds = array<i64: 1, 144>}, {transform_indices = @transform_5, window_bounds = array<i64: 400, 144>}]} {
    %get3A = arith.constant 0 : index
    %get3A_0 = arith.constant 0 : index
    %get3A_1 = vector.load %arg1[%get3A, %get3A_0] : memref<400x144xf32, #tpu.memory_space<vmem>>, vector<400x144xf32>
    %get3A_2 = arith.constant 0 : index
    %get3A_3 = arith.constant 0 : index
    %get3A_4 = vector.load %arg2[%get3A_2, %get3A_3] : memref<400x144xf32, #tpu.memory_space<vmem>>, vector<400x144xf32>
    %add3A = arith.addf %get3A_1, %get3A_4 : vector<400x144xf32>
    %slice3A = vector.extract_strided_slice %add3A {offsets = [0, 0], sizes = [400, 128], strides = [1, 1]} : vector<400x144xf32> to vector<400x128xf32>
    %slice3A_5 = vector.extract_strided_slice %add3A {offsets = [0, 128], sizes = [400, 1], strides = [1, 1]} : vector<400x144xf32> to vector<400x1xf32>
    %add3A_6 = arith.constant 1.000000e-16 : f32
    %add3A_7 = vector.broadcast %add3A_6 : f32 to vector<400x1xf32>
    %add3A_8 = arith.addf %slice3A_5, %add3A_7 : vector<400x1xf32>
    %slice3A_9 = vector.extract_strided_slice %add3A {offsets = [0, 129], sizes = [400, 1], strides = [1, 1]} : vector<400x144xf32> to vector<400x1xf32>
    %add3A_10 = arith.constant 1.000000e-16 : f32
    %add3A_11 = vector.broadcast %add3A_10 : f32 to vector<400x1xf32>
    %add3A_12 = arith.addf %slice3A_9, %add3A_11 : vector<400x1xf32>
    %broadcast_in_dim3A = vector.shape_cast %add3A_8 : vector<400x1xf32> to vector<400x1xf32>
    %broadcast_in_dim3A_13 = vector.broadcast %broadcast_in_dim3A : vector<400x1xf32> to vector<400x64xf32>
    %broadcast_in_dim3A_14 = vector.shape_cast %add3A_12 : vector<400x1xf32> to vector<400x1xf32>
    %broadcast_in_dim3A_15 = vector.broadcast %broadcast_in_dim3A_14 : vector<400x1xf32> to vector<400x64xf32>
    %concatenate3A = tpu.concatenate %broadcast_in_dim3A_13, %broadcast_in_dim3A_15 in 1 : vector<400x64xf32>, vector<400x64xf32> -> vector<400x128xf32>
    %div3A = arith.divf %slice3A, %concatenate3A : vector<400x128xf32>
    %get3A_16 = arith.constant 0 : index
    %get3A_17 = arith.constant 0 : index
    %get3A_18 = vector.load %arg3[%get3A_16, %get3A_17] : memref<1x128xf32, #tpu.memory_space<vmem>>, vector<1x128xf32>
    %add3A_19 = vector.broadcast %get3A_18 : vector<1x128xf32> to vector<400x128xf32>
    %add3A_20 = arith.addf %div3A, %add3A_19 : vector<400x128xf32>
    %max3A = arith.constant 0.000000e+00 : f32
    %max3A_21 = vector.broadcast %max3A : f32 to vector<400x128xf32>
    %max3A_22 = arith.maximumf %add3A_20, %max3A_21 : vector<400x128xf32>
    %get3A_23 = arith.constant 0 : index
    %get3A_24 = arith.constant 0 : index
    %get3A_25 = vector.load %arg4[%get3A_23, %get3A_24] : memref<128x144xf32, #tpu.memory_space<vmem>>, vector<128x144xf32>
    %dot_general3A = arith.constant dense<0.000000e+00> : vector<400x144xf32>
    %dot_general3A_26 = tpu.matmul %max3A_22, %get3A_25, %dot_general3A {dimension_numbers = #tpu.dot_dimension_numbers<[1], [0], [0], [1], [0, 0, 1, 1], [], []>, transpose_lhs_hint = false} : vector<400x128xf32>, vector<128x144xf32>, vector<400x144xf32> -> vector<400x144xf32>
    %get3A_27 = arith.constant 0 : index
    %get3A_28 = arith.constant 0 : index
    %get3A_29 = vector.load %arg5[%get3A_27, %get3A_28] : memref<1x144xf32, #tpu.memory_space<vmem>>, vector<1x144xf32>
    %add3A_30 = vector.broadcast %get3A_29 : vector<1x144xf32> to vector<400x144xf32>
    %add3A_31 = arith.addf %dot_general3A_26, %add3A_30 : vector<400x144xf32>
    %swap3A = arith.constant 0 : index
    %swap3A_32 = arith.constant 0 : index
    %swap3A_33 = vector.load %arg6[%swap3A, %swap3A_32] : memref<400x144xf32, #tpu.memory_space<vmem>>, vector<400x144xf32>
    tpu.vector_store %arg6[%swap3A, %swap3A_32], %add3A_31 {strides = array<i32>} : memref<400x144xf32, #tpu.memory_space<vmem>>, vector<400x144xf32>,
    return
  }
  func.func @transform_0(%arg0: i32) -> (i32, i32) {
    %c0_i32 = arith.constant 0 : i32
    %c0_i32_0 = arith.constant 0 : i32
    return %arg0, %c0_i32 : i32, i32
  }
  func.func @transform_1(%arg0: i32) -> (i32, i32) {
    %c0_i32 = arith.constant 0 : i32
    %c0_i32_0 = arith.constant 0 : i32
    return %arg0, %c0_i32 : i32, i32
  }
  func.func @transform_2(%arg0: i32) -> (i32, i32) {
    %c0_i32 = arith.constant 0 : i32
    %c0_i32_0 = arith.constant 0 : i32
    %c0_i32_1 = arith.constant 0 : i32
    return %c0_i32, %c0_i32_0 : i32, i32
  }
  func.func @transform_3(%arg0: i32) -> (i32, i32) {
    %c0_i32 = arith.constant 0 : i32
    %c0_i32_0 = arith.constant 0 : i32
    %c0_i32_1 = arith.constant 0 : i32
    return %c0_i32, %c0_i32_0 : i32, i32
  }
  func.func @transform_4(%arg0: i32) -> (i32, i32) {
    %c0_i32 = arith.constant 0 : i32
    %c0_i32_0 = arith.constant 0 : i32
    %c0_i32_1 = arith.constant 0 : i32
    return %c0_i32, %c0_i32_0 : i32, i32
  }
  func.func @transform_5(%arg0: i32) -> (i32, i32) {
    %c0_i32 = arith.constant 0 : i32
    %c0_i32_0 = arith.constant 0 : i32
    return %arg0, %c0_i32 : i32, i32
  }
}

module attributes {stable_mosaic.version = 14 : i64} {
  func.func @_fin_body(%arg0: i32, %arg1: memref<400x144xf32, #tpu.memory_space<vmem>>, %arg2: memref<400x144xf32, #tpu.memory_space<vmem>>, %arg3: memref<1x128xf32, #tpu.memory_space<vmem>>, %arg4: memref<128x16xf32, #tpu.memory_space<vmem>>, %arg5: memref<1x16xf32, #tpu.memory_space<vmem>>, %arg6: memref<400x16xf32, #tpu.memory_space<vmem>>) attributes {dimension_semantics = [#tpu.dimension_semantics<arbitrary>], iteration_bounds = array<i64: 25>, scalar_prefetch = 0 : i64, scratch_operands = 0 : i64, tpu.core_type = #tpu.core_type<tc>, window_params = [{transform_indices = @transform_0, window_bounds = array<i64: 400, 144>}, {transform_indices = @transform_1, window_bounds = array<i64: 400, 144>}, {pipeline_mode = #tpu.pipeline_mode<synchronous>, transform_indices = @transform_2, window_bounds = array<i64: 1, 128>}, {pipeline_mode = #tpu.pipeline_mode<synchronous>, transform_indices = @transform_3, window_bounds = array<i64: 128, 16>}, {pipeline_mode = #tpu.pipeline_mode<synchronous>, transform_indices = @transform_4, window_bounds = array<i64: 1, 16>}, {transform_indices = @transform_5, window_bounds = array<i64: 400, 16>}]} {
    %get3A = arith.constant 0 : index
    %get3A_0 = arith.constant 0 : index
    %get3A_1 = vector.load %arg1[%get3A, %get3A_0] : memref<400x144xf32, #tpu.memory_space<vmem>>, vector<400x144xf32>
    %get3A_2 = arith.constant 0 : index
    %get3A_3 = arith.constant 0 : index
    %get3A_4 = vector.load %arg2[%get3A_2, %get3A_3] : memref<400x144xf32, #tpu.memory_space<vmem>>, vector<400x144xf32>
    %add3A = arith.addf %get3A_1, %get3A_4 : vector<400x144xf32>
    %slice3A = vector.extract_strided_slice %add3A {offsets = [0, 0], sizes = [400, 128], strides = [1, 1]} : vector<400x144xf32> to vector<400x128xf32>
    %slice3A_5 = vector.extract_strided_slice %add3A {offsets = [0, 128], sizes = [400, 1], strides = [1, 1]} : vector<400x144xf32> to vector<400x1xf32>
    %add3A_6 = arith.constant 1.000000e-16 : f32
    %add3A_7 = vector.broadcast %add3A_6 : f32 to vector<400x1xf32>
    %add3A_8 = arith.addf %slice3A_5, %add3A_7 : vector<400x1xf32>
    %slice3A_9 = vector.extract_strided_slice %add3A {offsets = [0, 129], sizes = [400, 1], strides = [1, 1]} : vector<400x144xf32> to vector<400x1xf32>
    %add3A_10 = arith.constant 1.000000e-16 : f32
    %add3A_11 = vector.broadcast %add3A_10 : f32 to vector<400x1xf32>
    %add3A_12 = arith.addf %slice3A_9, %add3A_11 : vector<400x1xf32>
    %broadcast_in_dim3A = vector.shape_cast %add3A_8 : vector<400x1xf32> to vector<400x1xf32>
    %broadcast_in_dim3A_13 = vector.broadcast %broadcast_in_dim3A : vector<400x1xf32> to vector<400x64xf32>
    %broadcast_in_dim3A_14 = vector.shape_cast %add3A_12 : vector<400x1xf32> to vector<400x1xf32>
    %broadcast_in_dim3A_15 = vector.broadcast %broadcast_in_dim3A_14 : vector<400x1xf32> to vector<400x64xf32>
    %concatenate3A = tpu.concatenate %broadcast_in_dim3A_13, %broadcast_in_dim3A_15 in 1 : vector<400x64xf32>, vector<400x64xf32> -> vector<400x128xf32>
    %div3A = arith.divf %slice3A, %concatenate3A : vector<400x128xf32>
    %get3A_16 = arith.constant 0 : index
    %get3A_17 = arith.constant 0 : index
    %get3A_18 = vector.load %arg3[%get3A_16, %get3A_17] : memref<1x128xf32, #tpu.memory_space<vmem>>, vector<1x128xf32>
    %add3A_19 = vector.broadcast %get3A_18 : vector<1x128xf32> to vector<400x128xf32>
    %add3A_20 = arith.addf %div3A, %add3A_19 : vector<400x128xf32>
    %max3A = arith.constant 0.000000e+00 : f32
    %max3A_21 = vector.broadcast %max3A : f32 to vector<400x128xf32>
    %max3A_22 = arith.maximumf %add3A_20, %max3A_21 : vector<400x128xf32>
    %get3A_23 = arith.constant 0 : index
    %get3A_24 = arith.constant 0 : index
    %get3A_25 = vector.load %arg4[%get3A_23, %get3A_24] : memref<128x16xf32, #tpu.memory_space<vmem>>, vector<128x16xf32>
    %dot_general3A = arith.constant dense<0.000000e+00> : vector<400x16xf32>
    %dot_general3A_26 = tpu.matmul %max3A_22, %get3A_25, %dot_general3A {dimension_numbers = #tpu.dot_dimension_numbers<[1], [0], [0], [1], [0, 0, 1, 1], [], []>, transpose_lhs_hint = false} : vector<400x128xf32>, vector<128x16xf32>, vector<400x16xf32> -> vector<400x16xf32>
    %get3A_27 = arith.constant 0 : index
    %get3A_28 = arith.constant 0 : index
    %get3A_29 = vector.load %arg5[%get3A_27, %get3A_28] : memref<1x16xf32, #tpu.memory_space<vmem>>, vector<1x16xf32>
    %add3A_30 = vector.broadcast %get3A_29 : vector<1x16xf32> to vector<400x16xf32>
    %add3A_31 = arith.addf %dot_general3A_26, %add3A_30 : vector<400x16xf32>
    %swap3A = arith.constant 0 : index
    %swap3A_32 = arith.constant 0 : index
    %swap3A_33 = vector.load %arg6[%swap3A, %swap3A_32] : memref<400x16xf32, #tpu.memory_space<vmem>>, vector<400x16xf32>
    tpu.vector_store %arg6[%swap3A, %swap3A_32], %add3A_31 {strides = array<i32>} : memref<400x16xf32, #tpu.memory_space<vmem>>, vector<400x16xf32>,
    return
  }
  func.func @transform_0(%arg0: i32) -> (i32, i32) {
    %c0_i32 = arith.constant 0 : i32
    %c0_i32_0 = arith.constant 0 : i32
    return %arg0, %c0_i32 : i32, i32
  }
  func.func @transform_1(%arg0: i32) -> (i32, i32) {
    %c0_i32 = arith.constant 0 : i32
    %c0_i32_0 = arith.constant 0 : i32
    return %arg0, %c0_i32 : i32, i32
  }
  func.func @transform_2(%arg0: i32) -> (i32, i32) {
    %c0_i32 = arith.constant 0 : i32
    %c0_i32_0 = arith.constant 0 : i32
    %c0_i32_1 = arith.constant 0 : i32
    return %c0_i32, %c0_i32_0 : i32, i32
  }
  func.func @transform_3(%arg0: i32) -> (i32, i32) {
    %c0_i32 = arith.constant 0 : i32
    %c0_i32_0 = arith.constant 0 : i32
    %c0_i32_1 = arith.constant 0 : i32
    return %c0_i32, %c0_i32_0 : i32, i32
  }
  func.func @transform_4(%arg0: i32) -> (i32, i32) {
    %c0_i32 = arith.constant 0 : i32
    %c0_i32_0 = arith.constant 0 : i32
    %c0_i32_1 = arith.constant 0 : i32
    return %c0_i32, %c0_i32_0 : i32, i32
  }
  func.func @transform_5(%arg0: i32) -> (i32, i32) {
    %c0_i32 = arith.constant 0 : i32
    %c0_i32_0 = arith.constant 0 : i32
    return %arg0, %c0_i32 : i32, i32
  }
}

module attributes {stable_mosaic.version = 14 : i64} {
  func.func @_fin_body(%arg0: i32, %arg1: memref<400x144xf32, #tpu.memory_space<vmem>>, %arg2: memref<400x144xf32, #tpu.memory_space<vmem>>, %arg3: memref<1x128xf32, #tpu.memory_space<vmem>>, %arg4: memref<128x128xf32, #tpu.memory_space<vmem>>, %arg5: memref<1x128xf32, #tpu.memory_space<vmem>>, %arg6: memref<400x128xf32, #tpu.memory_space<vmem>>) attributes {dimension_semantics = [#tpu.dimension_semantics<arbitrary>], iteration_bounds = array<i64: 25>, scalar_prefetch = 0 : i64, scratch_operands = 0 : i64, tpu.core_type = #tpu.core_type<tc>, window_params = [{transform_indices = @transform_0, window_bounds = array<i64: 400, 144>}, {transform_indices = @transform_1, window_bounds = array<i64: 400, 144>}, {pipeline_mode = #tpu.pipeline_mode<synchronous>, transform_indices = @transform_2, window_bounds = array<i64: 1, 128>}, {pipeline_mode = #tpu.pipeline_mode<synchronous>, transform_indices = @transform_3, window_bounds = array<i64: 128, 128>}, {pipeline_mode = #tpu.pipeline_mode<synchronous>, transform_indices = @transform_4, window_bounds = array<i64: 1, 128>}, {transform_indices = @transform_5, window_bounds = array<i64: 400, 128>}]} {
    %get3A = arith.constant 0 : index
    %get3A_0 = arith.constant 0 : index
    %get3A_1 = vector.load %arg1[%get3A, %get3A_0] : memref<400x144xf32, #tpu.memory_space<vmem>>, vector<400x144xf32>
    %get3A_2 = arith.constant 0 : index
    %get3A_3 = arith.constant 0 : index
    %get3A_4 = vector.load %arg2[%get3A_2, %get3A_3] : memref<400x144xf32, #tpu.memory_space<vmem>>, vector<400x144xf32>
    %add3A = arith.addf %get3A_1, %get3A_4 : vector<400x144xf32>
    %slice3A = vector.extract_strided_slice %add3A {offsets = [0, 0], sizes = [400, 128], strides = [1, 1]} : vector<400x144xf32> to vector<400x128xf32>
    %slice3A_5 = vector.extract_strided_slice %add3A {offsets = [0, 128], sizes = [400, 1], strides = [1, 1]} : vector<400x144xf32> to vector<400x1xf32>
    %add3A_6 = arith.constant 1.000000e-16 : f32
    %add3A_7 = vector.broadcast %add3A_6 : f32 to vector<400x1xf32>
    %add3A_8 = arith.addf %slice3A_5, %add3A_7 : vector<400x1xf32>
    %slice3A_9 = vector.extract_strided_slice %add3A {offsets = [0, 129], sizes = [400, 1], strides = [1, 1]} : vector<400x144xf32> to vector<400x1xf32>
    %add3A_10 = arith.constant 1.000000e-16 : f32
    %add3A_11 = vector.broadcast %add3A_10 : f32 to vector<400x1xf32>
    %add3A_12 = arith.addf %slice3A_9, %add3A_11 : vector<400x1xf32>
    %broadcast_in_dim3A = vector.shape_cast %add3A_8 : vector<400x1xf32> to vector<400x1xf32>
    %broadcast_in_dim3A_13 = vector.broadcast %broadcast_in_dim3A : vector<400x1xf32> to vector<400x64xf32>
    %broadcast_in_dim3A_14 = vector.shape_cast %add3A_12 : vector<400x1xf32> to vector<400x1xf32>
    %broadcast_in_dim3A_15 = vector.broadcast %broadcast_in_dim3A_14 : vector<400x1xf32> to vector<400x64xf32>
    %concatenate3A = tpu.concatenate %broadcast_in_dim3A_13, %broadcast_in_dim3A_15 in 1 : vector<400x64xf32>, vector<400x64xf32> -> vector<400x128xf32>
    %div3A = arith.divf %slice3A, %concatenate3A : vector<400x128xf32>
    %get3A_16 = arith.constant 0 : index
    %get3A_17 = arith.constant 0 : index
    %get3A_18 = vector.load %arg3[%get3A_16, %get3A_17] : memref<1x128xf32, #tpu.memory_space<vmem>>, vector<1x128xf32>
    %add3A_19 = vector.broadcast %get3A_18 : vector<1x128xf32> to vector<400x128xf32>
    %add3A_20 = arith.addf %div3A, %add3A_19 : vector<400x128xf32>
    %max3A = arith.constant 0.000000e+00 : f32
    %max3A_21 = vector.broadcast %max3A : f32 to vector<400x128xf32>
    %max3A_22 = arith.maximumf %add3A_20, %max3A_21 : vector<400x128xf32>
    %get3A_23 = arith.constant 0 : index
    %get3A_24 = arith.constant 0 : index
    %get3A_25 = vector.load %arg4[%get3A_23, %get3A_24] : memref<128x128xf32, #tpu.memory_space<vmem>>, vector<128x128xf32>
    %dot_general3A = arith.constant dense<0.000000e+00> : vector<400x128xf32>
    %dot_general3A_26 = tpu.matmul %max3A_22, %get3A_25, %dot_general3A {dimension_numbers = #tpu.dot_dimension_numbers<[1], [0], [0], [1], [0, 0, 1, 1], [], []>, transpose_lhs_hint = false} : vector<400x128xf32>, vector<128x128xf32>, vector<400x128xf32> -> vector<400x128xf32>
    %get3A_27 = arith.constant 0 : index
    %get3A_28 = arith.constant 0 : index
    %get3A_29 = vector.load %arg5[%get3A_27, %get3A_28] : memref<1x128xf32, #tpu.memory_space<vmem>>, vector<1x128xf32>
    %add3A_30 = vector.broadcast %get3A_29 : vector<1x128xf32> to vector<400x128xf32>
    %add3A_31 = arith.addf %dot_general3A_26, %add3A_30 : vector<400x128xf32>
    %swap3A = arith.constant 0 : index
    %swap3A_32 = arith.constant 0 : index
    %swap3A_33 = vector.load %arg6[%swap3A, %swap3A_32] : memref<400x128xf32, #tpu.memory_space<vmem>>, vector<400x128xf32>
    tpu.vector_store %arg6[%swap3A, %swap3A_32], %add3A_31 {strides = array<i32>} : memref<400x128xf32, #tpu.memory_space<vmem>>, vector<400x128xf32>,
    return
  }
  func.func @transform_0(%arg0: i32) -> (i32, i32) {
    %c0_i32 = arith.constant 0 : i32
    %c0_i32_0 = arith.constant 0 : i32
    return %arg0, %c0_i32 : i32, i32
  }
  func.func @transform_1(%arg0: i32) -> (i32, i32) {
    %c0_i32 = arith.constant 0 : i32
    %c0_i32_0 = arith.constant 0 : i32
    return %arg0, %c0_i32 : i32, i32
  }
  func.func @transform_2(%arg0: i32) -> (i32, i32) {
    %c0_i32 = arith.constant 0 : i32
    %c0_i32_0 = arith.constant 0 : i32
    %c0_i32_1 = arith.constant 0 : i32
    return %c0_i32, %c0_i32_0 : i32, i32
  }
  func.func @transform_3(%arg0: i32) -> (i32, i32) {
    %c0_i32 = arith.constant 0 : i32
    %c0_i32_0 = arith.constant 0 : i32
    %c0_i32_1 = arith.constant 0 : i32
    return %c0_i32, %c0_i32_0 : i32, i32
  }
  func.func @transform_4(%arg0: i32) -> (i32, i32) {
    %c0_i32 = arith.constant 0 : i32
    %c0_i32_0 = arith.constant 0 : i32
    %c0_i32_1 = arith.constant 0 : i32
    return %c0_i32, %c0_i32_0 : i32, i32
  }
  func.func @transform_5(%arg0: i32) -> (i32, i32) {
    %c0_i32 = arith.constant 0 : i32
    %c0_i32_0 = arith.constant 0 : i32
    return %arg0, %c0_i32 : i32, i32
  }
}

</mosaic_0001>

<sc_bundles>
// kernel: kernel.12.cloned.1.call-start
scs
__scs_entry_jumppad:
0x0: {  	(pc) =	sbr.rel $0x88, $3  }
0x1: {  	(tag) =	ssettag $0x0;
	lr =	simm.s32 $0x1  }
0x2: {  	[smem:$0x3F8C] =	sst lr;
	_ =	strace $0xD0000000  }
0x3: {  	_ = 	snop  }
0x4: {  	_ = 	snop  }
0x5: {  	_ = 	snop  }
0x6: {  	_ = 	snop  }
0x7: {  	_ = 	snop  }
__scs_overlays_trampoline_lowered:
0x8: {  	[smem:$0x3F9B] =	sst s0  }
0x9: {  	[smem:$0x3F9C] =	sst s1  }
0xa: {  	[smem:$0x3F9D] =	sst s2  }
0xb: {  	[smem:$0x3F9E] =	sst s3  }
0xc: {  	[smem:$0x3F9F] =	sst s4  }
0xd: {  	[smem:$0x3FA0] =	sst s5  }
0xe: {  	[smem:$0x3FA1] =	sst s6  }
0xf: {  	[smem:$0x3FA2] =	sst s7  }
0x10: {  	[smem:$0x3FA3] =	sst s8  }
0x11: {  	[smem:$0x3FA4] =	sst s9;
	s0 =	simm.s32 @!p0 $0x0  }
0x12: {  	s1 =	sld [smem:$0x3F8A];
	s0 =	simm.s32 @p0 $0x1  }
0x13: {  	[smem:$0x3FA5] =	sst s0;
	s0 =	simm.s32 @!p1 $0x0  }
0x14: {  	s2 =	sld [smem:$0x3F89];
	s0 =	simm.s32 @p1 $0x1  }
0x15: {  	[smem:$0x3FA6] =	sst s0;
	s0 =	simm.s32 @!p2 $0x0  }
0x16: {  	s3 =	sld [smem:$0x3FDB];
	s0 =	simm.s32 @p2 $0x1  }
0x17: {  	s4 =	simm.s32 $0x1BF5;
	[smem:$0x3FA8] =	sst s0  }
0x18: {  	s0 =	sld [smem:$0x3F8B];
	_ =	swait.ge [sflag:s4], $0x0  }
0x19: {  	s7 =	sld [smem:$0x3F8C]  }
0x1a: {  	s8 =	sadd.s32 $0xFFFFE003, lr  }
0x1b: {  	s9 =	sadd.s32 $0xFFFFFEF7, lr;
	s5 =	simm.s32 $0xFFFFFFFF;
	p2 =	slt.u32 s8, $0xFFFFF086  }
0x1c: {  	p1 =	slt.u32 s9, $0xF7A;
	s5 =	simm.s32 @!p2 $0x0  }
0x1d: {  	s5 =	simm.s32 @p1 $0x1;
	p0 =	seq.s32 s7, s2  }
0x1e: {  	s7 =	smul.u32 @!p0 $0xF7A, s2;
	p2 =	seq.s32 @!p0 s5, $0x0  }
0x1f: {  	s9 =	smul.u32 $0xF7A, s1;
	s8 =	simm.s32 @!p0 $0x1BF5;
	p2 =	por !p2, p0  }
0x20: {  	[sflag:s8] =	ssyncset.s32 @!p0 $0xFFFFF086;
	s6 =	sadd.s32 @!p0 s3, s7;
	s7 =	simm.s32 @!p0 $0x108  }
0x21: {  	s3 =	sadd.s32 s3, s9;
	s6 =	sadd.s32 @!p0 $0x88, s6;
	s7 =	simm.s32 @p2 $0x1082  }
0x22: {  	[simem:s7], [sflag:s8] =	dma.local @!p0 [hbm:s6], $0xF7A  }
0x23: {  	s9 =	sor.u32 $0xD0000000, s2;
	s6 =	simm.s32 $0x108;
	_ =	swait.ge @!p0 [sflag:s8], $0x0  }
0x24: {  	s3 =	sadd.s32 $0x88, s3;
	s6 =	simm.s32 @!p1 $0x1082;
	[sflag:s4] =	ssyncset.s32 $0xFFFFF086  }
0x25: {  	[simem:s6], [sflag:s4] =	dma.local [hbm:s3], $0xF7A  }
0x26: {  	[smem:$0x3F8C] =	sst s1;
	(tag) =	ssettag s2;
	_ =	strace s9  }
0x27: {  	s1 =	sld [smem:$0x3F9C]  }
0x28: {  	s2 =	sld [smem:$0x3F9D]  }
0x29: {  	s4 =	sld [smem:$0x3F9F]  }
0x2a: {  	p0 =	seq.s32 s5, $0x0;
	s5 =	sld [smem:$0x3FA0]  }
0x2b: {  	s6 =	sld [smem:$0x3FA1]  }
0x2c: {  	s7 =	sld [smem:$0x3FA2]  }
0x2d: {  	s3 =	simm.s32 $0x108;
	s8 =	sld [smem:$0x3FA3]  }
0x2e: {  	s3 =	simm.s32 @!p0 $0x1082;
	s9 =	sld [smem:$0x3FA4]  }
0x2f: {  	lr =	sadd.s32 s0, s3;
	s0 =	sld [smem:$0x3F9B]  }
0x30: {  	s3 =	sld [smem:$0x3F9E]  }
0x31: {  	[smem:$0x3FA7] =	sst s10  }
0x32: {  	s10 =	sld [smem:$0x3FA5];
	_ =	sdelay $0x3  }
0x33: {  	p0 =	seq.s32 s10, $0x1;
	s10 =	sld [smem:$0x3FA7];
	_ =	sdelay $0x3  }
0x34: {  	[smem:$0x3FA7] =	sst s10  }
0x35: {  	s10 =	sld [smem:$0x3FA6];
	_ =	sdelay $0x3  }
0x36: {  	p1 =	seq.s32 s10, $0x1;
	s10 =	sld [smem:$0x3FA7];
	_ =	sdelay $0x3  }
0x37: {  	[smem:$0x3FA7] =	sst s10  }
0x38: {  	s10 =	sld [smem:$0x3FA8]  }
0x39: {  	_ = 	snop;
	(pc) =	sbr.ind lr, $3  }
0x3a: {  	_ = 	snop  }
0x3b: {  	_ = 	snop  }
0x3c: {  	p2 =	seq.s32 s10, $0x1;
	s10 =	sld [smem:$0x3FA7]  }
0x3d: {  	_ =	shalt  }
0x3e: {  	_ =	shalt  }
0x3f: {  	_ =	shalt  }
0x40: {  	_ =	shalt  }
0x41: {  	_ =	shalt  }
0x42: {  	_ =	shalt  }
0x43: {  	_ =	shalt  }
0x44: {  	_ =	shalt  }
0x45: {  	_ =	shalt  }
0x46: {  	_ =	shalt  }
0x47: {  	_ =	shalt  }
0x48: {  	_ =	shalt  }
0x49: {  	_ =	shalt  }
0x4a: {  	_ =	shalt  }
0x4b: {  	_ =	shalt  }
0x4c: {  	_ =	shalt  }
0x4d: {  	_ =	shalt  }
0x4e: {  	_ =	shalt  }
0x4f: {  	_ =	shalt  }
0x50: {  	_ =	shalt  }
0x51: {  	_ =	shalt  }
0x52: {  	_ =	shalt  }
0x53: {  	_ =	shalt  }
0x54: {  	_ =	shalt  }
0x55: {  	_ =	shalt  }
0x56: {  	_ =	shalt  }
0x57: {  	_ =	shalt  }
0x58: {  	_ =	shalt  }
0x59: {  	_ =	shalt  }
0x5a: {  	_ =	shalt  }
0x5b: {  	_ =	shalt  }
0x5c: {  	_ =	shalt  }
0x5d: {  	_ =	shalt  }
0x5e: {  	_ =	shalt  }
0x5f: {  	_ =	shalt  }
0x60: {  	_ =	shalt  }
0x61: {  	_ =	shalt  }
0x62: {  	_ =	shalt  }
0x63: {  	_ =	shalt  }
0x64: {  	_ =	shalt  }
0x65: {  	_ =	shalt  }
0x66: {  	_ =	shalt  }
0x67: {  	_ =	shalt  }
0x68: {  	_ =	shalt  }
0x69: {  	_ =	shalt  }
0x6a: {  	_ =	shalt  }
0x6b: {  	_ =	shalt  }
0x6c: {  	_ =	shalt  }
0x6d: {  	_ =	shalt  }
0x6e: {  	_ =	shalt  }
0x6f: {  	_ =	shalt  }
0x70: {  	_ =	shalt  }
0x71: {  	_ =	shalt  }
0x72: {  	_ =	shalt  }
0x73: {  	_ =	shalt  }
0x74: {  	_ =	shalt  }
0x75: {  	_ =	shalt  }
0x76: {  	_ =	shalt  }
0x77: {  	_ =	shalt  }
0x78: {  	_ =	shalt  }
0x79: {  	_ =	shalt  }
0x7a: {  	_ =	shalt  }
0x7b: {  	_ =	shalt  }
0x7c: {  	_ =	shalt  }
0x7d: {  	_ =	shalt  }
0x7e: {  	_ =	shalt  }
0x7f: {  	_ =	shalt  }
0x80: {  	_ =	shalt  }
0x81: {  	_ =	shalt  }
0x82: {  	_ =	shalt  }
0x83: {  	_ =	shalt  }
0x84: {  	_ =	shalt  }
0x85: {  	_ =	shalt  }
0x86: {  	_ =	shalt  }
0x87: {  	_ =	shalt  }
.Lfunc_end0:
.L_simem_size_0:
called_computation_lowered:
.L_overlay_start_0:
0x88: {  	s2 =	sld [smem:$0x3FD9]  }
0x89: {  	s3 =	sld [smem:$0x3FFE];
	_ =	sdelay $0x1  }
0x8a: {  	s1 =	srdreg.scid  }
0x8b: {  	s0 =	sand.u32 $0x1, s1  }
0x8c: {  	s16 =	sshll.u32 s0, $0xA;
	s2 =	sadd.s32 s3, s2  }
0x8d: {  	s2 =	sadd.s32 s2, s16  }
0x8e: {  	[smem:$0x3FB3] =	sst s2  }
0x8f: {  	_ = 	snop  }
0x90: {  	(tm) =	ssettm $0x1  }
0x91: {  	s17 =	sld [smem:$0x3FFB];
	_ =	sdelay $0x3  }
0x92: {  	_ =	strace s17  }
0x93: {  	s2 =	sld [smem:$0x3FFC];
	_ =	sdelay $0x3  }
0x94: {  	_ =	strace s2  }
0x95: {  	s2 =	sld [smem:$0x3FFD];
	_ =	sdelay $0x3  }
0x96: {  	_ =	strace s2  }
0x97: {  	_ =	strace $0x8FFFFFFF  }
0x98: {  	s18 =	sld [smem:$0x3FDB];
	_ =	sdelay $0x1  }
0x99: {  	s19 =	simm.s32 $_scs_section_size  }
0x9a: {  	s4 =	simm.s32 $_size__tile_overlayer_lowered;
	s5 =	simm.s32 $_tile_overlayer_lowered  }
0x9b: {  	s22 =	simm.s32 $0x1BFF;
	s21 =	sshll.u32 s5, $0x1;
	s2 =	sadd.s32 s19, s18  }
0x9c: {  	s6 =	simm.s32 $0x0;
	s20 =	sshll.u32 s4, $0x1;
	s4 =	sadd.s32 s21, s2  }
0x9d: {  	[timem:s6], [sflag:s22] =	dma.local [hbm:s4], s20  }
0x9e: {  	_ =	swait.ge [sflag:s22], s20  }
0x9f: {  	s3 =	ssub.s32 $0x0, s20;
	[sflag:s22] =	ssyncset.done $0x0  }
0xa0: {  	[sflag:s22] =	ssyncadd.s32 s3;
	_ =	sdelay $0x1  }
0xa1: {  	s23 =	simm.s32 $0x1B8B  }
0xa2: {  	_ =	swait.ge [sflag:s23], $0x1  }
0xa3: {  	[sflag:s23] =	ssyncset.done $0x0  }
0xa4: {  	s25 =	simm.s32 $0x1B8E;
	s24 =	sld [smem:$0x3FFE];
	[sflag:s23] =	ssyncadd.s32 $0xFFFFFFFF  }
0xa5: {  	s26 =	simm.s32 $execute0_lowered;
	[smem:$0x3FD2] =	sst s25  }
0xa6: {  	s4 =	sshll.u32 s26, $0x1;
	_ =	strace $0x80000046;
	[dreg:$0x1] =	wrdreg $0xFFFFFFFF  }
0xa7: {  	s28 =	simm.s32 $_size_execute0_lowered;
	s2 =	sadd.s32 s2, s4;
	[dreg:$0x0] =	wrdreg $0x0  }
0xa8: {  	s4 =	sshll.u32 s28, $0x1;
	[dreg:$0x2] =	wrdreg s2  }
0xa9: {  	[dreg:$0x3] =	wrdreg s4  }
0xaa: {  	[dreg:$0x4] =	wrdreg $0xC0  }
0xab: {  	_ =	task [dreg:s6], $0x5FFFF  }
0xac: {  	[dreg:$0x1] =	wrdreg $0xFFFFFFFF  }
0xad: {  	[dreg:$0x0] =	wrdreg $0x60  }
0xae: {  	[dreg:$0x2] =	wrdreg s24  }
0xaf: {  	[dreg:$0x3] =	wrdreg $0x0  }
0xb0: {  	[dreg:$0x4] =	wrdreg $0x9  }
0xb1: {  	_ =	task.clear_ibuf [dreg:s6], $0x5FFFF;
	_ =	strace $0x90000046  }
0xb2: {  	s29 =	simm.s32 $0x9;
	_ =	strace $0x80000048  }
0xb3: {  	_ =	swait.ge [sflag:s29], $0x1  }
0xb4: {  	[sflag:s29] =	ssyncadd.s32 $0xFFFFFFFF  }
0xb5: {  	_ =	strace $0x90000048  }
0xb6: {  	_ =	sfence  }
0xb7: {  	s30 =	sld [smem:$0x0];
	_ =	sdelay $0x2  }
0xb8: {  	s31 =	sshll.u32 s1, $0xD;
	s1 =	sshrl.u32 s1, $0x2  }
0xb9: {  	s3 =	sand.u32 $0x4000, s31;
	s1 =	sadd.s32 s1, s30  }
0xba: {  	s0 =	sor.u32 s3, s0;
	s1 =	sshll.u32 s1, $0x11  }
0xbb: {  	s0 =	sor.u32 s1, s0  }
0xbc: {  	s0 =	sadd.s32 $0x8F2B, s0  }
0xbd: {  	[sflag:s0] =	ssyncadd.remote.s32 $0x1  }
0xbe: {  	_ =	sfence.sel $0xFFFF  }
0xbf: {  	[dreg:$0x0] =	wrdreg $0xFFFFFFFF;
	(pc) =	sbr.abs _section_cstart, $3  }
0xc0: {  	[dreg:$0x1] =	wrdreg $0xFFFFFFFF  }
0xc1: {  	_ =	task.clear_ibuf [dreg:s6], $0x2FFFF;
	_ =	strace $0x9FFFFFFF  }
0xc2: {  	(tm) =	ssettm $0x7FFFFFFF  }
0xc3: {  	_ =	shalt  }
tec
execute0_lowered:
.L_overlay_start_1:
0x0: {  	(tag) =	ssettag $0x1  }
0x1: {  	s7 =	rddreg [dreg:$0x0];
	s0 =	srdreg.scid  }
0x2: {  	s2 =	rddreg [dreg:$0x1];
	s1 =	stileid.u32  }
0x3: {  	s3 =	simm.s32 $0x0;
	s14 =	simm.s32 $0x164E0;
	s15 =	simm.s32 $0x50  }
0x4: {  	s16 =	simm.s32 $0x16530;
	s17 =	simm.s32 $0x15F90;
	s18 =	simm.s32 $0x1A040  }
0x5: {  	s8 =	sand.u32 $0x1, s0;
	s0 =	rddreg [dreg:$0x2];
	s6 =	smul.u32 $0x15F90, s1  }
0x6: {  	s19 =	simm.s32 $0x1A090;
	[smem:$0x7FF] =	sst s3;
	s12 =	smul.u32 $0x57E40, s1  }
0x7: {  	s4 =	sadd.s32 $0x1C600, s7;
	s11 =	sshll.u32 s1, $0x1;
	s5 =	smul.u32 $0x15F900, s8  }
0x8: {  	_ =	strace $0x80000047;
	s10 =	ssub.s32 $0x2, s8;
	s8 =	sor.u32 s8, s11  }
0x9: {  	s11 =	simm.s32 $0x19230;
	s29 =	sshrl.u32 s10, $0x1;
	s31 =	sshrl.u32 s12, $0x2  }
0xa: {  	s12 =	simm.s32 $0x1;
	s9 =	sadd.s32 s6, s5;
	s5 =	sadd.s32 $0x17600, s7  }
0xb: {  	s6 =	sadd.s32 $0x3C00, s7;
	s30 =	ssub.s32 s10, s29;
	s9 =	sshrl.u32 s9, $0x3  }
0xc: {  	s13 =	sadd.s32 s9, s7;
	s7 =	smul.u32 $0x2710, s8;
	s8 =	smax.u32 s30, $0x1  }
0xd: {  	v0 =	vimm.f32 $0.0e+00;
	v1 =	vlaneseq.u32;
	s9 =	sadd.s32 s31, s2;
	s10 =	sadd.s32 $0x48600, s13;
	s13 =	simm.s32 $0x16490  }
.LBB2_1:
0xe: {  	s20 =	simm.s32 $0x80;
	s21 =	simm.s32 $0x440  }
.LBB2_2:
0xf: {  	p0 =	sne.s32 s21, $0x3800;
	[tilespmem:s20+$0x19230] =	vst v0  }
0x10: {  	[tilespmem:s20+$0x191B0] =	vst v0  }
0x11: {  	[tilespmem:s20+$0x191C0] =	vst v0  }
0x12: {  	[tilespmem:s20+$0x191D0] =	vst v0  }
.Ltmp0:
0x13: {  	[tilespmem:s20+$0x191E0] =	vst v0;
	(pc) =	sbr.rel @p0 .LBB2_2-.Ltmp0, $4  }
0x14: {  	[tilespmem:s20+$0x191F0] =	vst v0  }
0x15: {  	[tilespmem:s20+$0x19200] =	vst v0  }
0x16: {  	[tilespmem:s20+$0x19210] =	vst v0  }
0x17: {  	[tilespmem:s20+$0x19220] =	vst v0;
	s20 =	sshra.s32 s21, $0x2;
	s21 =	sadd.s32 $0x240, s21  }
0x18: {  	[tilespmem:s20+$0x19230] =	vst v0  }
0x19: {  	[tilespmem:s20+$0x191B0] =	vst v0  }
0x1a: {  	[tilespmem:s20+$0x191C0] =	vst v0  }
0x1b: {  	[tilespmem:s20+$0x191D0] =	vst v0  }
0x1c: {  	[tilespmem:s20+$0x191E0] =	vst v0  }
0x1d: {  	[tilespmem:s20+$0x191F0] =	vst v0  }
0x1e: {  	[tilespmem:s20+$0x19200] =	vst v0  }
0x1f: {  	[tilespmem:s20+$0x19210] =	vst v0  }
0x20: {  	[tilespmem:s20+$0x19220] =	vst v0;
	s31 =	sadd.s32 $0x0, s9  }
0x21: {  	[spmem:s31] =	stream.linear.scatter [tilespmem:s11], [sflag:$0x1], $0xE10, $0x38;
	[tilespmem:$0x1A0E0] =	vst v63  }
0x22: {  	s20 =	simm.s32 $0x3840;
	_ =	swait.ge [sflag:s12], $0xE10  }
.LBB2_4:
0x23: {  	s21 =	sshra.s32 s20, $0x2;
	[sflag:s12] =	ssyncset.done $0x0;
	p0 =	sne.s32 s20, $0x54600  }
.Ltmp1:
0x24: {  	s21 =	sadd.s32 s21, s9;
	[sflag:s12] =	ssyncadd.s32 $0xFFFFF1F0;
	(pc) =	sbr.rel @p0 .LBB2_4-.Ltmp1, $3  }
0x25: {  	[spmem:s21] =	stream.linear.scatter [tilespmem:s11], [sflag:$0x1], $0xE10, $0x38;
	[tilespmem:$0x1A0E0] =	vst v63  }
0x26: {  	s20 =	sadd.s32 $0x3840, s20;
	_ =	sdelay $0x1  }
0x27: {  	_ =	swait.ge [sflag:s12], $0xE10  }
0x28: {  	[sflag:s12] =	ssyncset.done $0x0  }
0x29: {  	[sflag:s12] =	ssyncadd.s32 $0xFFFFF1F0  }
0x2a: {  	s20 =	simm.s32 $0x0;
	s21 =	simm.s32 $0x0;
	[bflag:$0x0] =	sbarrier.arrive $0xFFFF  }
.LBB2_6:
0x2b: {  	s22 =	smul.u32 $0x50, s21;
	_ =	sdelay $0x1  }
0x2c: {  	s22 =	sadd.s32 s7, s22  }
0x2d: {  	s22 =	sshrl.u32 s22, $0x3  }
0x2e: {  	s22 =	sadd.s32 s6, s22  }
0x2f: {  	[tilespmem:s13], [sflag:$0x1] =	stream.linear.gather [hbm4b:s22+s20], $0x50, $0x38;
	[tilespmem:$0x1A0E0] =	vst v63  }
0x30: {  	_ =	swait.ge [sflag:s12], $0x50  }
0x31: {  	[sflag:s12] =	ssyncset.done $0x0  }
0x32: {  	s22 =	sadd.s32 $0x9C40, s22;
	[sflag:s12] =	ssyncadd.s32 $0xFFFFFFB0  }
0x33: {  	[tilespmem:s14], [sflag:$0x1] =	stream.linear.gather [hbm4b:s22+s20], $0x50, $0x38;
	[tilespmem:$0x1A0E0] =	vst v63  }
0x34: {  	_ =	swait.ge [sflag:s12], $0x50  }
0x35: {  	[sflag:s12] =	ssyncset.done $0x0  }
0x36: {  	[sflag:s12] =	ssyncadd.s32 $0xFFFFFFB0  }
0x37: {  	v2 =	vor.u32 s20, v1;
	[tilespmem:s16], [sflag:$0x1] =	stream.indirect.gather [hbm4b:s4+s15], $0x90, s13, s15, $0xb8;
	[tilespmem:$0x1A0E0] =	vst v63  }
0x38: {  	v3 =	vmul.u32 $0x90, v2;
	_ =	swait.ge [sflag:s12], $0x2D00  }
0x39: {  	[sflag:s12] =	ssyncset.done $0x0  }
0x3a: {  	v2 =	vshll.u32 v2, $0x4;
	v4 =	vadd.s32 $0x80, v3;
	[sflag:s12] =	ssyncadd.s32 $0xFFFFD300  }
0x3b: {  	v5 =	vor.u32 $0x1, v2;
	[tilespmem:s17], [sflag:$0x1] =	stream.indirect.gather [hbm4b:s5+s15], $0x10, s14, s15, $0xb8;
	[tilespmem:$0x1A0E0] =	vst v63  }
0x3c: {  	_ =	swait.ge [sflag:s12], $0x500  }
0x3d: {  	v3 =	vadd.s32 $0x81, v3;
	[sflag:s12] =	ssyncset.done $0x0  }
0x3e: {  	[sflag:s12] =	ssyncadd.s32 $0xFFFFFB00  }
0x3f: {  	v6 =	vld.idx.msk [tilespmem:v4+s16+$0x0], $0xffff  }
0x40: {  	v5 =	vld.idx.msk [tilespmem:v5+s17+$0x0], $0xffff  }
0x41: {  	v2 =	vld.idx.msk [tilespmem:v2+s17+$0x0], $0xffff  }
0x42: {  	v7 =	vld.idx.msk [tilespmem:v3+s16+$0x0], $0xffff;
	_ =	sdelay $0x3  }
0x43: {  	v2 =	vadd.f32 v2, v6  }
0x44: {  	v5 =	vadd.f32 v5, v7  }
0x45: {  	v6 =	vmul.f32 $2.000000030e-01, v2  }
0x46: {  	v7 =	vmul.f32 $2.000000030e-01, v5  }
0x47: {  	v2 =	vmax.f32 v2, v6  }
0x48: {  	v5 =	vmax.f32 v5, v7;
	v2 =	vmul.f32 $1.442695020e+00, v2  }
0x49: {  	v5 =	vmul.f32 $1.442695020e+00, v5  }
0x4a: {  	(erf) = vpow2.f32 v2  }
0x4b: {  	(erf) = vpow2.f32 v5;
	_ =	sdelay $0x3  }
0x4c: {  	s30 =	simm.s32 $0x10  }
0x4d: {  	v2 =	vor.u32 s30, v1  }
0x4e: {  	v5 =	vmul.u32 $0x90, v2;
	_ =	sdelay $0x1  }
0x4f: {  	v2 =	vshll.u32 v2, $0x4;
	v6 =	vadd.s32 $0x80, v5;
	v7 =	vpop (erf)  }
0x50: {  	v8 =	vor.u32 $0x1, v2;
	[tilespmem:v4+s16+$0x0] =	vst.idx.msk $0xffff, v7;
	v4 =	vpop (erf)  }
0x51: {  	s23 =	simm.s32 $0x1A040;
	[tilespmem:v3+s16+$0x0] =	vst.idx.msk $0xffff, v4  }
0x52: {  	s22 =	simm.s32 $0x1A090;
	v9 =	vadd.s32 $0x81, v5;
	[tilespmem:s23+$0x0] =	vst v7  }
0x53: {  	[tilespmem:s22+$0x0] =	vst v4  }
0x54: {  	v3 =	vld.idx.msk [tilespmem:v6+s16+$0x0], $0xffff  }
0x55: {  	v4 =	vld.idx.msk [tilespmem:v8+s17+$0x0], $0xffff  }
0x56: {  	v2 =	vld.idx.msk [tilespmem:v2+s17+$0x0], $0xffff  }
0x57: {  	v5 =	vld.idx.msk [tilespmem:v9+s16+$0x0], $0xffff;
	_ =	sdelay $0x3  }
0x58: {  	v2 =	vadd.f32 v2, v3  }
0x59: {  	v3 =	vadd.f32 v4, v5  }
0x5a: {  	v4 =	vmul.f32 $2.000000030e-01, v2  }
0x5b: {  	v5 =	vmul.f32 $2.000000030e-01, v3  }
0x5c: {  	v2 =	vmax.f32 v2, v4  }
0x5d: {  	v3 =	vmax.f32 v3, v5;
	v2 =	vmul.f32 $1.442695020e+00, v2  }
0x5e: {  	v3 =	vmul.f32 $1.442695020e+00, v3  }
0x5f: {  	(erf) = vpow2.f32 v2  }
0x60: {  	(erf) = vpow2.f32 v3;
	_ =	sdelay $0x3  }
0x61: {  	s31 =	simm.s32 $0x20  }
0x62: {  	v2 =	vor.u32 s31, v1  }
0x63: {  	v5 =	vmul.u32 $0x90, v2;
	_ =	sdelay $0x1  }
0x64: {  	v3 =	vshll.u32 v2, $0x4;
	v4 =	vadd.s32 $0x80, v5;
	v7 =	vpop (erf)  }
0x65: {  	[tilespmem:v6+s16+$0x0] =	vst.idx.msk $0xffff, v7;
	v8 =	vpop (erf);
	v6 =	vor.u32 $0x1, v3  }
0x66: {  	s24 =	simm.s32 $0x30;
	s23 =	simm.s32 $0x1A050;
	v2 =	vmov v4;
	[tilespmem:v9+s16+$0x0] =	vst.idx.msk $0xffff, v8  }
.LBB2_7:
0x67: {  	p0 =	sne.s32 s24, $0x40;
	v9 =	vadd.s32 $0x81, v5;
	[tilespmem:s23+$0x0] =	vst v7;
	s22 =	sadd.s32 $0x10, s22  }
0x68: {  	[tilespmem:s22+$0x0] =	vst v8  }
0x69: {  	v4 =	vld.idx.msk [tilespmem:v4+s16+$0x0], $0xffff  }
0x6a: {  	v5 =	vld.idx.msk [tilespmem:v6+s17+$0x0], $0xffff  }
0x6b: {  	v3 =	vld.idx.msk [tilespmem:v3+s17+$0x0], $0xffff  }
0x6c: {  	v6 =	vld.idx.msk [tilespmem:v9+s16+$0x0], $0xffff;
	_ =	sdelay $0x4  }
0x6d: {  	v3 =	vadd.f32 v3, v4  }
0x6e: {  	v4 =	vadd.f32 v5, v6  }
0x6f: {  	v5 =	vmul.f32 $2.000000030e-01, v3  }
0x70: {  	v6 =	vmul.f32 $2.000000030e-01, v4  }
0x71: {  	v3 =	vmax.f32 v3, v5  }
0x72: {  	v3 =	vmul.f32 $1.442695020e+00, v3;
	v4 =	vmax.f32 v4, v6  }
0x73: {  	v4 =	vmul.f32 $1.442695020e+00, v4  }
0x74: {  	(erf) = vpow2.f32 v3  }
0x75: {  	(erf) = vpow2.f32 v4;
	_ =	sdelay $0x4  }
0x76: {  	v3 =	vor.u32 s24, v1  }
.Ltmp2:
0x77: {  	v5 =	vmul.u32 $0x90, v3;
	(pc) =	sbr.rel @p0 .LBB2_7-.Ltmp2, $4  }
0x78: {  	_ = 	snop  }
0x79: {  	v3 =	vshll.u32 v3, $0x4;
	v4 =	vadd.s32 $0x80, v5;
	v7 =	vpop (erf)  }
0x7a: {  	v6 =	vor.u32 $0x1, v3;
	[tilespmem:v2+s16+$0x0] =	vst.idx.msk $0xffff, v7;
	v8 =	vpop (erf);
	v2 =	vmov v4  }
0x7b: {  	s23 =	sadd.s32 $0x10, s23;
	s24 =	sadd.s32 $0x10, s24;
	[tilespmem:v9+s16+$0x0] =	vst.idx.msk $0xffff, v8  }
0x7c: {  	_ =	sdelay $0x1  }
0x7d: {  	v5 =	vadd.s32 $0x81, v5;
	[tilespmem:s23+$0x0] =	vst v7;
	s22 =	sadd.s32 $0x10, s22  }
0x7e: {  	[tilespmem:s22+$0x0] =	vst v8  }
0x7f: {  	v4 =	vld.idx.msk [tilespmem:v4+s16+$0x0], $0xffff  }
0x80: {  	v6 =	vld.idx.msk [tilespmem:v6+s17+$0x0], $0xffff  }
0x81: {  	v3 =	vld.idx.msk [tilespmem:v3+s17+$0x0], $0xffff  }
0x82: {  	v7 =	vld.idx.msk [tilespmem:v5+s16+$0x0], $0xffff;
	_ =	sdelay $0x3  }
0x83: {  	v3 =	vadd.f32 v3, v4  }
0x84: {  	v4 =	vadd.f32 v6, v7  }
0x85: {  	v6 =	vmul.f32 $2.000000030e-01, v3  }
0x86: {  	v7 =	vmul.f32 $2.000000030e-01, v4  }
0x87: {  	v3 =	vmax.f32 v3, v6  }
0x88: {  	v3 =	vmul.f32 $1.442695020e+00, v3;
	v4 =	vmax.f32 v4, v7  }
0x89: {  	v4 =	vmul.f32 $1.442695020e+00, v4  }
0x8a: {  	(erf) = vpow2.f32 v3  }
0x8b: {  	(erf) = vpow2.f32 v4;
	_ =	sdelay $0x7  }
0x8c: {  	v3 =	vpop (erf)  }
0x8d: {  	[tilespmem:v2+s16+$0x0] =	vst.idx.msk $0xffff, v3;
	v2 =	vpop (erf)  }
0x8e: {  	s31 =	sadd.s32 $0x10, s23;
	[tilespmem:v5+s16+$0x0] =	vst.idx.msk $0xffff, v2  }
0x8f: {  	s24 =	simm.s32 $0x0;
	s22 =	sadd.s32 $0x10, s22;
	[tilespmem:s31+$0x0] =	vst v3  }
0x90: {  	v3 =	vmov s24;
	[tilespmem:s22+$0x0] =	vst v2;
	s22 =	simm.s32 $0x16570  }
0x91: {  	v9 =	vld [tilespmem:s22+$0xFFFFFFF0]  }
0x92: {  	v7 =	vld [tilespmem:s22+$0xFFFFFFC0]  }
0x93: {  	v8 =	vld [tilespmem:s22+$0xFFFFFFD0]  }
0x94: {  	v12 =	vld [tilespmem:s22+$0x0]  }
0x95: {  	v5 =	vld.idx.msk [tilespmem:v3+s18+$0x0], $0xffff  }
0x96: {  	v4 =	vld [tilespmem:s22+$0xFFFFFFE0]  }
0x97: {  	v3 =	vld.idx.msk [tilespmem:v3+s19+$0x0], $0xffff  }
0x98: {  	v2 =	vld [tilespmem:s22+$0x30]  }
0x99: {  	v6 =	vld [tilespmem:s22+$0x20]  }
0x9a: {  	v11 =	vmul.f32 v7, v5;
	v7 =	vld [tilespmem:s22+$0x10]  }
0x9b: {  	v8 =	vmul.f32 v8, v5  }
0x9c: {  	s23 =	simm.s32 $0x1;
	s24 =	simm.s32 $0x16570;
	v10 =	vmul.f32 v9, v5;
	v9 =	vmul.f32 v12, v3  }
.LBB2_9:
0x9d: {  	p0 =	sne.s32 s23, $0x4F  }
0x9e: {  	[tilespmem:s22+$0xFFFFFFC0] =	vst v11;
	v4 =	vmul.f32 v4, v5;
	v5 =	vmul.f32 v6, v3;
	s24 =	sadd.s32 $0x90, s24;
	s25 =	smov.u32 s23;
	s23 =	sadd.s32 $0x1, s23  }
0x9f: {  	v2 =	vmul.f32 v2, v3;
	[tilespmem:s22+$0xFFFFFFF0] =	vst v10;
	v6 =	vmul.f32 v7, v3  }
0xa0: {  	[tilespmem:s22+$0xFFFFFFD0] =	vst v8  }
0xa1: {  	v3 =	vmov s25;
	v10 =	vld [tilespmem:s24+$0xFFFFFFF0];
	[tilespmem:s22+$0x0] =	vst v9  }
0xa2: {  	v8 =	vld [tilespmem:s24+$0xFFFFFFC0];
	[tilespmem:s22+$0xFFFFFFE0] =	vst v4  }
0xa3: {  	v4 =	vld [tilespmem:s24+$0xFFFFFFE0];
	[tilespmem:s22+$0x30] =	vst v2  }
0xa4: {  	v2 =	vld [tilespmem:s24+$0x30];
	[tilespmem:s22+$0x10] =	vst v6  }
0xa5: {  	v9 =	vld [tilespmem:s24+$0xFFFFFFD0];
	[tilespmem:s22+$0x20] =	vst v5;
	s22 =	smov.u32 s24  }
0xa6: {  	v5 =	vld.idx.msk [tilespmem:v3+s18+$0x0], $0xffff  }
0xa7: {  	v3 =	vld.idx.msk [tilespmem:v3+s19+$0x0], $0xffff  }
0xa8: {  	v12 =	vld [tilespmem:s24+$0x0]  }
.Ltmp3:
0xa9: {  	v6 =	vld [tilespmem:s24+$0x20];
	(pc) =	sbr.rel @p0 .LBB2_9-.Ltmp3, $3  }
0xaa: {  	v7 =	vld [tilespmem:s24+$0x10];
	_ =	sdelay $0x1  }
0xab: {  	v11 =	vmul.f32 v8, v5;
	v8 =	vmul.f32 v9, v5  }
0xac: {  	v10 =	vmul.f32 v10, v5;
	v9 =	vmul.f32 v12, v3  }
0xad: {  	[tilespmem:s22+$0xFFFFFFC0] =	vst v11  }
0xae: {  	[tilespmem:s22+$0xFFFFFFD0] =	vst v8  }
0xaf: {  	v4 =	vmul.f32 v4, v5;
	[tilespmem:s22+$0xFFFFFFF0] =	vst v10  }
0xb0: {  	v2 =	vmul.f32 v2, v3;
	[tilespmem:s22+$0x0] =	vst v9  }
0xb1: {  	v63 =	vmul.f32 v7, v3;
	[tilespmem:s22+$0xFFFFFFE0] =	vst v4  }
0xb2: {  	s21 =	sadd.s32 $0x1, s21;
	v3 =	vmul.f32 v6, v3;
	[tilespmem:s22+$0x30] =	vst v2  }
0xb3: {  	p0 =	sne.s32 s21, $0x7D;
	[tilespmem:s22+$0x10] =	vst v63  }
.Ltmp4:
0xb4: {  	[tilespmem:s22+$0x20] =	vst v3;
	(pc) =	sbr.rel @p0 .LBB2_6-.Ltmp4, $4  }
0xb5: {  	[spmem:s2] =	stream.indirect.scatter.add.f32 [tilespmem:s16], [sflag:$0x1], $0x90, s14, s15, $0xb8;
	[tilespmem:$0x1A0E0] =	vst v63  }
0xb6: {  	_ =	swait.ge [sflag:s12], $0x2D00  }
0xb7: {  	[sflag:s12] =	ssyncset.done $0x0  }
0xb8: {  	[sflag:s12] =	ssyncadd.s32 $0xFFFFD300  }
0xb9: {  	[bflag:$0x0] =	sbarrier.arrive $0xFFFF;
	s20 =	sshll.u32 s1, $0x6  }
0xba: {  	s21 =	sadd.s32 $0x0, s10;
	s22 =	sshrl.u32 s9, $0x3;
	s20 =	sor.u32 $0x1C01, s20  }
0xbb: {  	[hbm:s21], [sflag:s20] =	dma.local [spmem:s22], $0x1C2  }
0xbc: {  	s21 =	simm.s32 $0x1C2;
	s22 =	sadd.s32 $0xE10, s9;
	_ =	swait.ge [sflag:s12], $0x1C2  }
.LBB2_12:
0xbd: {  	s23 =	sadd.s32 s21, s10;
	[sflag:s12] =	ssyncset.done $0x0;
	p0 =	sne.s32 s21, $0x2A30  }
.Ltmp5:
0xbe: {  	s24 =	sshrl.u32 s22, $0x3;
	[sflag:s12] =	ssyncadd.s32 $0xFFFFFE3E;
	(pc) =	sbr.rel @p0 .LBB2_12-.Ltmp5, $3  }
0xbf: {  	[hbm:s23], [sflag:s20] =	dma.local [spmem:s24], $0x1C2  }
0xc0: {  	s21 =	sadd.s32 $0x1C2, s21;
	_ =	sdelay $0x1  }
0xc1: {  	s22 =	sadd.s32 $0xE10, s22;
	_ =	swait.ge [sflag:s12], $0x1C2  }
0xc2: {  	s3 =	sadd.s32 $0x1, s3  }
0xc3: {  	p0 =	sne.s32 s3, s8  }
.Ltmp6:
0xc4: {  	_ = 	snop;
	(pc) =	sbr.rel @p0 .LBB2_1-.Ltmp6, $3  }
0xc5: {  	_ =	sdelay $0x1  }
0xc6: {  	[sflag:s12] =	ssyncset.done $0x0  }
0xc7: {  	[sflag:s12] =	ssyncadd.s32 $0xFFFFFE3E  }
0xc8: {  	_ =	sfence.sel $0x180000  }
0xc9: {  	[bflag:$0x0] =	sbarrier.arrive $0xFFFF  }
0xca: {  	p0 =	sne.s32 s1, $0x0;
	_ =	strace $0x90000047  }
0xcb: {  	s0 =	sadd.s32 @!p0 $0x100000, s0;
	[bflag:$0x2] =	sbarrier.arrive $0xFFFF  }
0xcc: {  	[sflag:s0] =	ssyncadd.tile.s32 @!p0 $0x1;
	_ =	shalt  }
.Lfunc_end2:
_tile_overlayer_lowered:
.L_overlay_start_2:
0xcd: {  	(tag) =	ssettag $0x2  }
0xce: {  	s0 =	rddreg [dreg:$0x0];
	s2 =	stileid.u32  }
0xcf: {  	s1 =	rddreg [dreg:$0x1];
	p0 =	sne.s32 s2, $0x0  }
0xd0: {  	s3 =	rddreg [dreg:$0x2];
	[bflag:$0x3] =	sbarrier.arrive $0xFFFF;
	s2 =	simm.s32 @!p0 $0x1C01  }
0xd1: {  	[timem:s3], [sflag:s2] =	dma.local @!p0 [hbm:s0], s1  }
0xd2: {  	s0 =	simm.s32 @!p0 $0x1  }
0xd3: {  	_ =	swait.ge @!p0 [sflag:s0], s1  }
0xd4: {  	s1 =	ssub.s32 @!p0 $0x0, s1;
	[sflag:s0] =	ssyncset.done @!p0 $0x0  }
0xd5: {  	[sflag:s0] =	ssyncadd.s32 @!p0 s1  }
0xd6: {  	[bflag:$0x3] =	sbarrier.arrive $0xFFFF  }
0xd7: {  	_ =	shalt  }

// kernel: kernel.15.cloned.1.call-start
scs
__scs_entry_jumppad:
0x0: {  	(pc) =	sbr.rel $0x88, $3  }
0x1: {  	(tag) =	ssettag $0x0;
	lr =	simm.s32 $0x1  }
0x2: {  	[smem:$0x3F8C] =	sst lr;
	_ =	strace $0xD0000000  }
0x3: {  	_ = 	snop  }
0x4: {  	_ = 	snop  }
0x5: {  	_ = 	snop  }
0x6: {  	_ = 	snop  }
0x7: {  	_ = 	snop  }
__scs_overlays_trampoline_lowered:
0x8: {  	[smem:$0x3F9B] =	sst s0  }
0x9: {  	[smem:$0x3F9C] =	sst s1  }
0xa: {  	[smem:$0x3F9D] =	sst s2  }
0xb: {  	[smem:$0x3F9E] =	sst s3  }
0xc: {  	[smem:$0x3F9F] =	sst s4  }
0xd: {  	[smem:$0x3FA0] =	sst s5  }
0xe: {  	[smem:$0x3FA1] =	sst s6  }
0xf: {  	[smem:$0x3FA2] =	sst s7  }
0x10: {  	[smem:$0x3FA3] =	sst s8  }
0x11: {  	[smem:$0x3FA4] =	sst s9;
	s0 =	simm.s32 @!p0 $0x0  }
0x12: {  	s1 =	sld [smem:$0x3F8A];
	s0 =	simm.s32 @p0 $0x1  }
0x13: {  	[smem:$0x3FA5] =	sst s0;
	s0 =	simm.s32 @!p1 $0x0  }
0x14: {  	s2 =	sld [smem:$0x3F89];
	s0 =	simm.s32 @p1 $0x1  }
0x15: {  	[smem:$0x3FA6] =	sst s0;
	s0 =	simm.s32 @!p2 $0x0  }
0x16: {  	s3 =	sld [smem:$0x3FDB];
	s0 =	simm.s32 @p2 $0x1  }
0x17: {  	s4 =	simm.s32 $0x1BF5;
	[smem:$0x3FA8] =	sst s0  }
0x18: {  	s0 =	sld [smem:$0x3F8B];
	_ =	swait.ge [sflag:s4], $0x0  }
0x19: {  	s7 =	sld [smem:$0x3F8C]  }
0x1a: {  	s8 =	sadd.s32 $0xFFFFE003, lr  }
0x1b: {  	s9 =	sadd.s32 $0xFFFFFEF7, lr;
	s5 =	simm.s32 $0xFFFFFFFF;
	p2 =	slt.u32 s8, $0xFFFFF086  }
0x1c: {  	p1 =	slt.u32 s9, $0xF7A;
	s5 =	simm.s32 @!p2 $0x0  }
0x1d: {  	s5 =	simm.s32 @p1 $0x1;
	p0 =	seq.s32 s7, s2  }
0x1e: {  	s7 =	smul.u32 @!p0 $0xF7A, s2;
	p2 =	seq.s32 @!p0 s5, $0x0  }
0x1f: {  	s9 =	smul.u32 $0xF7A, s1;
	s8 =	simm.s32 @!p0 $0x1BF5;
	p2 =	por !p2, p0  }
0x20: {  	[sflag:s8] =	ssyncset.s32 @!p0 $0xFFFFF086;
	s6 =	sadd.s32 @!p0 s3, s7;
	s7 =	simm.s32 @!p0 $0x108  }
0x21: {  	s3 =	sadd.s32 s3, s9;
	s6 =	sadd.s32 @!p0 $0x88, s6;
	s7 =	simm.s32 @p2 $0x1082  }
0x22: {  	[simem:s7], [sflag:s8] =	dma.local @!p0 [hbm:s6], $0xF7A  }
0x23: {  	s9 =	sor.u32 $0xD0000000, s2;
	s6 =	simm.s32 $0x108;
	_ =	swait.ge @!p0 [sflag:s8], $0x0  }
0x24: {  	s3 =	sadd.s32 $0x88, s3;
	s6 =	simm.s32 @!p1 $0x1082;
	[sflag:s4] =	ssyncset.s32 $0xFFFFF086  }
0x25: {  	[simem:s6], [sflag:s4] =	dma.local [hbm:s3], $0xF7A  }
0x26: {  	[smem:$0x3F8C] =	sst s1;
	(tag) =	ssettag s2;
	_ =	strace s9  }
0x27: {  	s1 =	sld [smem:$0x3F9C]  }
0x28: {  	s2 =	sld [smem:$0x3F9D]  }
0x29: {  	s4 =	sld [smem:$0x3F9F]  }
0x2a: {  	p0 =	seq.s32 s5, $0x0;
	s5 =	sld [smem:$0x3FA0]  }
0x2b: {  	s6 =	sld [smem:$0x3FA1]  }
0x2c: {  	s7 =	sld [smem:$0x3FA2]  }
0x2d: {  	s3 =	simm.s32 $0x108;
	s8 =	sld [smem:$0x3FA3]  }
0x2e: {  	s3 =	simm.s32 @!p0 $0x1082;
	s9 =	sld [smem:$0x3FA4]  }
0x2f: {  	lr =	sadd.s32 s0, s3;
	s0 =	sld [smem:$0x3F9B]  }
0x30: {  	s3 =	sld [smem:$0x3F9E]  }
0x31: {  	[smem:$0x3FA7] =	sst s10  }
0x32: {  	s10 =	sld [smem:$0x3FA5];
	_ =	sdelay $0x3  }
0x33: {  	p0 =	seq.s32 s10, $0x1;
	s10 =	sld [smem:$0x3FA7];
	_ =	sdelay $0x3  }
0x34: {  	[smem:$0x3FA7] =	sst s10  }
0x35: {  	s10 =	sld [smem:$0x3FA6];
	_ =	sdelay $0x3  }
0x36: {  	p1 =	seq.s32 s10, $0x1;
	s10 =	sld [smem:$0x3FA7];
	_ =	sdelay $0x3  }
0x37: {  	[smem:$0x3FA7] =	sst s10  }
0x38: {  	s10 =	sld [smem:$0x3FA8]  }
0x39: {  	_ = 	snop;
	(pc) =	sbr.ind lr, $3  }
0x3a: {  	_ = 	snop  }
0x3b: {  	_ = 	snop  }
0x3c: {  	p2 =	seq.s32 s10, $0x1;
	s10 =	sld [smem:$0x3FA7]  }
0x3d: {  	_ =	shalt  }
0x3e: {  	_ =	shalt  }
0x3f: {  	_ =	shalt  }
0x40: {  	_ =	shalt  }
0x41: {  	_ =	shalt  }
0x42: {  	_ =	shalt  }
0x43: {  	_ =	shalt  }
0x44: {  	_ =	shalt  }
0x45: {  	_ =	shalt  }
0x46: {  	_ =	shalt  }
0x47: {  	_ =	shalt  }
0x48: {  	_ =	shalt  }
0x49: {  	_ =	shalt  }
0x4a: {  	_ =	shalt  }
0x4b: {  	_ =	shalt  }
0x4c: {  	_ =	shalt  }
0x4d: {  	_ =	shalt  }
0x4e: {  	_ =	shalt  }
0x4f: {  	_ =	shalt  }
0x50: {  	_ =	shalt  }
0x51: {  	_ =	shalt  }
0x52: {  	_ =	shalt  }
0x53: {  	_ =	shalt  }
0x54: {  	_ =	shalt  }
0x55: {  	_ =	shalt  }
0x56: {  	_ =	shalt  }
0x57: {  	_ =	shalt  }
0x58: {  	_ =	shalt  }
0x59: {  	_ =	shalt  }
0x5a: {  	_ =	shalt  }
0x5b: {  	_ =	shalt  }
0x5c: {  	_ =	shalt  }
0x5d: {  	_ =	shalt  }
0x5e: {  	_ =	shalt  }
0x5f: {  	_ =	shalt  }
0x60: {  	_ =	shalt  }
0x61: {  	_ =	shalt  }
0x62: {  	_ =	shalt  }
0x63: {  	_ =	shalt  }
0x64: {  	_ =	shalt  }
0x65: {  	_ =	shalt  }
0x66: {  	_ =	shalt  }
0x67: {  	_ =	shalt  }
0x68: {  	_ =	shalt  }
0x69: {  	_ =	shalt  }
0x6a: {  	_ =	shalt  }
0x6b: {  	_ =	shalt  }
0x6c: {  	_ =	shalt  }
0x6d: {  	_ =	shalt  }
0x6e: {  	_ =	shalt  }
0x6f: {  	_ =	shalt  }
0x70: {  	_ =	shalt  }
0x71: {  	_ =	shalt  }
0x72: {  	_ =	shalt  }
0x73: {  	_ =	shalt  }
0x74: {  	_ =	shalt  }
0x75: {  	_ =	shalt  }
0x76: {  	_ =	shalt  }
0x77: {  	_ =	shalt  }
0x78: {  	_ =	shalt  }
0x79: {  	_ =	shalt  }
0x7a: {  	_ =	shalt  }
0x7b: {  	_ =	shalt  }
0x7c: {  	_ =	shalt  }
0x7d: {  	_ =	shalt  }
0x7e: {  	_ =	shalt  }
0x7f: {  	_ =	shalt  }
0x80: {  	_ =	shalt  }
0x81: {  	_ =	shalt  }
0x82: {  	_ =	shalt  }
0x83: {  	_ =	shalt  }
0x84: {  	_ =	shalt  }
0x85: {  	_ =	shalt  }
0x86: {  	_ =	shalt  }
0x87: {  	_ =	shalt  }
.Lfunc_end0:
.L_simem_size_0:
called_computation.1_lowered:
.L_overlay_start_0:
0x88: {  	s2 =	sld [smem:$0x3FD9]  }
0x89: {  	s3 =	sld [smem:$0x3FFE];
	_ =	sdelay $0x1  }
0x8a: {  	s1 =	srdreg.scid  }
0x8b: {  	s0 =	sand.u32 $0x1, s1  }
0x8c: {  	s17 =	sshll.u32 s0, $0xA;
	s2 =	sadd.s32 s3, s2  }
0x8d: {  	s2 =	sadd.s32 s2, s17  }
0x8e: {  	[smem:$0x3FB3] =	sst s2  }
0x8f: {  	_ = 	snop  }
0x90: {  	s18 =	sld [smem:$0x3FD0];
	(tm) =	ssettm $0x1  }
0x91: {  	s19 =	sld [smem:$0x3FFB];
	_ =	sdelay $0x3  }
0x92: {  	_ =	strace s19  }
0x93: {  	s2 =	sld [smem:$0x3FFC];
	_ =	sdelay $0x3  }
0x94: {  	_ =	strace s2  }
0x95: {  	s2 =	sld [smem:$0x3FFD];
	_ =	sdelay $0x3  }
0x96: {  	_ =	strace s2  }
0x97: {  	_ =	strace $0x8FFFFFFF  }
0x98: {  	s20 =	sld [smem:$0x3FDB];
	_ =	sdelay $0x1  }
0x99: {  	s4 =	simm.s32 $_scs_section_size  }
0x9a: {  	s5 =	simm.s32 $_size__tile_overlayer_lowered;
	s6 =	simm.s32 $_tile_overlayer_lowered  }
0x9b: {  	s7 =	simm.s32 $0x1BFF;
	s21 =	sshll.u32 s6, $0x1;
	s4 =	sadd.s32 s4, s20  }
0x9c: {  	s22 =	simm.s32 $0x0;
	s5 =	sshll.u32 s5, $0x1;
	s6 =	sadd.s32 s21, s4  }
0x9d: {  	[timem:s22], [sflag:s7] =	dma.local [hbm:s6], s5  }
0x9e: {  	_ =	swait.ge [sflag:s7], s5  }
0x9f: {  	s5 =	ssub.s32 $0x0, s5;
	[sflag:s7] =	ssyncset.done $0x0  }
0xa0: {  	[sflag:s7] =	ssyncadd.s32 s5;
	_ =	sdelay $0x1  }
0xa1: {  	s23 =	simm.s32 $0x1B8B  }
0xa2: {  	_ =	swait.ge [sflag:s23], $0x1  }
0xa3: {  	[sflag:s23] =	ssyncset.done $0x0  }
0xa4: {  	[sflag:s23] =	ssyncadd.s32 $0xFFFFFFFF  }
0xa5: {  	s5 =	sld [smem:$0x0]  }
0xa6: {  	s6 =	sand.u32 $0xFFFFFFFE, s1  }
0xa7: {  	p0 =	sne.s32 s1, s6  }
0xa8: {  	s6 =	sshll.u32 @p0 s6, $0xE  }
0xa9: {  	s6 =	sadd.s32 @p0 $0x11B8D, s6;
	s7 =	sshll.u32 @p0 s5, $0x11  }
0xaa: {  	s6 =	sor.u32 @p0 s7, s6  }
0xab: {  	[sflag:s6] =	ssyncadd.remote.s32 @p0 $0x1;
	_ =	sdelay $0x1  }
0xac: {  	s6 =	simm.s32 @p0 $0x1B8D  }
0xad: {  	_ =	swait.eq @p0 [sflag:s6], $0x1  }
0xae: {  	[sflag:s6] =	ssyncadd.s32 @p0 $0xFFFFFFFF  }
0xaf: {  	s7 =	sshll.u32 @!p0 s1, $0xE  }
0xb0: {  	s7 =	sor.u32 @!p0 $0x4000, s7;
	s6 =	simm.s32 @!p0 $0x1B8D  }
0xb1: {  	s5 =	sshll.u32 @!p0 s5, $0x11;
	s7 =	sadd.s32 @!p0 $0x11B8D, s7;
	_ =	swait.eq @!p0 [sflag:s6], $0x1  }
0xb2: {  	s5 =	sor.u32 @!p0 s5, s7;
	[sflag:s6] =	ssyncadd.s32 @!p0 $0xFFFFFFFF  }
0xb3: {  	s25 =	simm.s32 $0x1B8E;
	s24 =	sld [smem:$0x3FFE];
	[sflag:s5] =	ssyncadd.remote.s32 @!p0 $0x1  }
0xb4: {  	s26 =	simm.s32 $execute0_lowered;
	[smem:$0x3FD2] =	sst s25  }
0xb5: {  	s6 =	sshll.u32 s26, $0x1;
	_ =	strace $0x80000049;
	[dreg:$0x1] =	wrdreg $0xFFFFFFFF  }
0xb6: {  	s28 =	simm.s32 $_size_execute0_lowered;
	s4 =	sadd.s32 s4, s6;
	[dreg:$0x0] =	wrdreg $0x0  }
0xb7: {  	s6 =	sshll.u32 s28, $0x1;
	[dreg:$0x2] =	wrdreg s4  }
0xb8: {  	[dreg:$0x3] =	wrdreg s6  }
0xb9: {  	[dreg:$0x4] =	wrdreg $0xC0  }
0xba: {  	_ =	task [dreg:s22], $0x5FFFF  }
0xbb: {  	[dreg:$0x1] =	wrdreg $0xFFFFFFFF  }
0xbc: {  	[dreg:$0x0] =	wrdreg $0x60  }
0xbd: {  	[dreg:$0x2] =	wrdreg s24  }
0xbe: {  	[dreg:$0x3] =	wrdreg s18  }
0xbf: {  	[dreg:$0x4] =	wrdreg $0x0  }
0xc0: {  	[dreg:$0x5] =	wrdreg $0xA  }
0xc1: {  	_ =	task.clear_ibuf [dreg:s22], $0x6FFFF;
	_ =	strace $0x90000049  }
0xc2: {  	s29 =	simm.s32 $0xA;
	_ =	strace $0x8000004B  }
0xc3: {  	_ =	swait.ge [sflag:s29], $0x1  }
0xc4: {  	[sflag:s29] =	ssyncadd.s32 $0xFFFFFFFF  }
0xc5: {  	_ =	strace $0x9000004B  }
0xc6: {  	_ =	sfence  }
0xc7: {  	s30 =	sld [smem:$0x0];
	_ =	sdelay $0x2  }
0xc8: {  	s31 =	sshll.u32 s1, $0xD;
	s1 =	sshrl.u32 s1, $0x2  }
0xc9: {  	s4 =	sand.u32 $0x4000, s31;
	s1 =	sadd.s32 s1, s30  }
0xca: {  	s0 =	sor.u32 s4, s0;
	s1 =	sshll.u32 s1, $0x11  }
0xcb: {  	s0 =	sor.u32 s1, s0  }
0xcc: {  	s0 =	sadd.s32 $0x8F2B, s0  }
0xcd: {  	[sflag:s0] =	ssyncadd.remote.s32 $0x1  }
0xce: {  	_ =	sfence.sel $0xFFFF  }
0xcf: {  	[dreg:$0x0] =	wrdreg $0xFFFFFFFF;
	(pc) =	sbr.abs _section_cstart, $3  }
0xd0: {  	[dreg:$0x1] =	wrdreg $0xFFFFFFFF  }
0xd1: {  	_ =	task.clear_ibuf [dreg:s22], $0x2FFFF;
	_ =	strace $0x9FFFFFFF  }
0xd2: {  	(tm) =	ssettm $0x7FFFFFFF  }
0xd3: {  	_ =	shalt  }
tec
execute0_lowered:
.L_overlay_start_1:
0x0: {  	(tag) =	ssettag $0x1  }
0x1: {  	s7 =	rddreg [dreg:$0x0]  }
0x2: {  	s2 =	rddreg [dreg:$0x1]  }
0x3: {  	s0 =	srdreg.scid;
	s3 =	rddreg [dreg:$0x2]  }
0x4: {  	s1 =	stileid.u32;
	s4 =	simm.s32 $0x0;
	s14 =	simm.s32 $0x164E0  }
0x5: {  	s15 =	simm.s32 $0x50;
	s16 =	simm.s32 $0x16530;
	s17 =	simm.s32 $0x15F90  }
0x6: {  	s18 =	simm.s32 $0x1A040;
	s19 =	simm.s32 $0x1A090;
	s6 =	smul.u32 $0x15F90, s1  }
0x7: {  	s8 =	sand.u32 $0x1, s0;
	s0 =	rddreg [dreg:$0x3];
	s12 =	smul.u32 $0x57E40, s1  }
0x8: {  	[smem:$0x7FF] =	sst s4;
	s11 =	sshll.u32 s1, $0x1;
	s5 =	smul.u32 $0x15F900, s8  }
0x9: {  	_ =	strace $0x8000004A;
	s10 =	ssub.s32 $0x2, s8;
	s8 =	sor.u32 s8, s11  }
0xa: {  	s11 =	simm.s32 $0x19230;
	s29 =	sshrl.u32 s10, $0x1;
	s31 =	sshrl.u32 s12, $0x2  }
0xb: {  	s12 =	simm.s32 $0x1;
	s9 =	sadd.s32 s6, s5;
	s5 =	sadd.s32 $0xB4000, s7  }
0xc: {  	s6 =	sadd.s32 $0xA0600, s7;
	s30 =	ssub.s32 s10, s29;
	s9 =	sshrl.u32 s9, $0x3  }
0xd: {  	s13 =	sadd.s32 s9, s7;
	s7 =	smul.u32 $0x2710, s8;
	s8 =	smax.u32 s30, $0x1  }
0xe: {  	v0 =	vimm.f32 $0.0e+00;
	v1 =	vlaneseq.u32;
	s9 =	sadd.s32 s31, s3;
	s10 =	sadd.s32 $0xE0000, s13;
	s13 =	simm.s32 $0x16490  }
.LBB2_1:
0xf: {  	s20 =	simm.s32 $0x80;
	s21 =	simm.s32 $0x440  }
.LBB2_2:
0x10: {  	p0 =	sne.s32 s21, $0x3800;
	[tilespmem:s20+$0x19230] =	vst v0  }
0x11: {  	[tilespmem:s20+$0x191B0] =	vst v0  }
0x12: {  	[tilespmem:s20+$0x191C0] =	vst v0  }
0x13: {  	[tilespmem:s20+$0x191D0] =	vst v0  }
.Ltmp0:
0x14: {  	[tilespmem:s20+$0x191E0] =	vst v0;
	(pc) =	sbr.rel @p0 .LBB2_2-.Ltmp0, $4  }
0x15: {  	[tilespmem:s20+$0x191F0] =	vst v0  }
0x16: {  	[tilespmem:s20+$0x19200] =	vst v0  }
0x17: {  	[tilespmem:s20+$0x19210] =	vst v0  }
0x18: {  	[tilespmem:s20+$0x19220] =	vst v0;
	s20 =	sshra.s32 s21, $0x2;
	s21 =	sadd.s32 $0x240, s21  }
0x19: {  	[tilespmem:s20+$0x19230] =	vst v0  }
0x1a: {  	[tilespmem:s20+$0x191B0] =	vst v0  }
0x1b: {  	[tilespmem:s20+$0x191C0] =	vst v0  }
0x1c: {  	[tilespmem:s20+$0x191D0] =	vst v0  }
0x1d: {  	[tilespmem:s20+$0x191E0] =	vst v0  }
0x1e: {  	[tilespmem:s20+$0x191F0] =	vst v0  }
0x1f: {  	[tilespmem:s20+$0x19200] =	vst v0  }
0x20: {  	[tilespmem:s20+$0x19210] =	vst v0  }
0x21: {  	[tilespmem:s20+$0x19220] =	vst v0;
	s31 =	sadd.s32 $0x0, s9  }
0x22: {  	[spmem:s31] =	stream.linear.scatter [tilespmem:s11], [sflag:$0x1], $0xE10, $0x38;
	[tilespmem:$0x1A0E0] =	vst v63  }
0x23: {  	s20 =	simm.s32 $0x3840;
	_ =	swait.ge [sflag:s12], $0xE10  }
.LBB2_4:
0x24: {  	s21 =	sshra.s32 s20, $0x2;
	[sflag:s12] =	ssyncset.done $0x0;
	p0 =	sne.s32 s20, $0x54600  }
.Ltmp1:
0x25: {  	s21 =	sadd.s32 s21, s9;
	[sflag:s12] =	ssyncadd.s32 $0xFFFFF1F0;
	(pc) =	sbr.rel @p0 .LBB2_4-.Ltmp1, $3  }
0x26: {  	[spmem:s21] =	stream.linear.scatter [tilespmem:s11], [sflag:$0x1], $0xE10, $0x38;
	[tilespmem:$0x1A0E0] =	vst v63  }
0x27: {  	s20 =	sadd.s32 $0x3840, s20;
	_ =	sdelay $0x1  }
0x28: {  	_ =	swait.ge [sflag:s12], $0xE10  }
0x29: {  	[sflag:s12] =	ssyncset.done $0x0  }
0x2a: {  	[sflag:s12] =	ssyncadd.s32 $0xFFFFF1F0  }
0x2b: {  	s20 =	simm.s32 $0x0;
	s21 =	simm.s32 $0x0;
	[bflag:$0x0] =	sbarrier.arrive $0xFFFF  }
.LBB2_6:
0x2c: {  	s22 =	smul.u32 $0x50, s21;
	_ =	sdelay $0x1  }
0x2d: {  	s22 =	sadd.s32 s7, s22  }
0x2e: {  	s22 =	sshrl.u32 s22, $0x3  }
0x2f: {  	s22 =	sadd.s32 s6, s22  }
0x30: {  	[tilespmem:s13], [sflag:$0x1] =	stream.linear.gather [hbm4b:s22+s20], $0x50, $0x38;
	[tilespmem:$0x1A0E0] =	vst v63  }
0x31: {  	_ =	swait.ge [sflag:s12], $0x50  }
0x32: {  	[sflag:s12] =	ssyncset.done $0x0  }
0x33: {  	s22 =	sadd.s32 $0x9C40, s22;
	[sflag:s12] =	ssyncadd.s32 $0xFFFFFFB0  }
0x34: {  	[tilespmem:s14], [sflag:$0x1] =	stream.linear.gather [hbm4b:s22+s20], $0x50, $0x38;
	[tilespmem:$0x1A0E0] =	vst v63  }
0x35: {  	_ =	swait.ge [sflag:s12], $0x50  }
0x36: {  	[sflag:s12] =	ssyncset.done $0x0  }
0x37: {  	[sflag:s12] =	ssyncadd.s32 $0xFFFFFFB0  }
0x38: {  	v2 =	vor.u32 s20, v1;
	[tilespmem:s16], [sflag:$0x1] =	stream.indirect.gather [hbm4b:s5+s15], $0x90, s13, s15, $0xb8;
	[tilespmem:$0x1A0E0] =	vst v63  }
0x39: {  	v3 =	vmul.u32 $0x90, v2;
	_ =	swait.ge [sflag:s12], $0x2D00  }
0x3a: {  	[sflag:s12] =	ssyncset.done $0x0  }
0x3b: {  	v2 =	vshll.u32 v2, $0x4;
	v4 =	vadd.s32 $0x80, v3;
	[sflag:s12] =	ssyncadd.s32 $0xFFFFD300  }
0x3c: {  	v5 =	vor.u32 $0x1, v2;
	[tilespmem:s17], [sflag:$0x1] =	stream.indirect.gather [hbm4b:s2+s15], $0x10, s14, s15, $0xb8;
	[tilespmem:$0x1A0E0] =	vst v63  }
0x3d: {  	_ =	swait.ge [sflag:s12], $0x500  }
0x3e: {  	v3 =	vadd.s32 $0x81, v3;
	[sflag:s12] =	ssyncset.done $0x0  }
0x3f: {  	[sflag:s12] =	ssyncadd.s32 $0xFFFFFB00  }
0x40: {  	v6 =	vld.idx.msk [tilespmem:v4+s16+$0x0], $0xffff  }
0x41: {  	v5 =	vld.idx.msk [tilespmem:v5+s17+$0x0], $0xffff  }
0x42: {  	v2 =	vld.idx.msk [tilespmem:v2+s17+$0x0], $0xffff  }
0x43: {  	v7 =	vld.idx.msk [tilespmem:v3+s16+$0x0], $0xffff;
	_ =	sdelay $0x3  }
0x44: {  	v2 =	vadd.f32 v2, v6  }
0x45: {  	v5 =	vadd.f32 v5, v7  }
0x46: {  	v6 =	vmul.f32 $2.000000030e-01, v2  }
0x47: {  	v7 =	vmul.f32 $2.000000030e-01, v5  }
0x48: {  	v2 =	vmax.f32 v2, v6  }
0x49: {  	v5 =	vmax.f32 v5, v7;
	v2 =	vmul.f32 $1.442695020e+00, v2  }
0x4a: {  	v5 =	vmul.f32 $1.442695020e+00, v5  }
0x4b: {  	(erf) = vpow2.f32 v2  }
0x4c: {  	(erf) = vpow2.f32 v5;
	_ =	sdelay $0x3  }
0x4d: {  	s30 =	simm.s32 $0x10  }
0x4e: {  	v2 =	vor.u32 s30, v1  }
0x4f: {  	v5 =	vmul.u32 $0x90, v2;
	_ =	sdelay $0x1  }
0x50: {  	v2 =	vshll.u32 v2, $0x4;
	v6 =	vadd.s32 $0x80, v5;
	v7 =	vpop (erf)  }
0x51: {  	v8 =	vor.u32 $0x1, v2;
	[tilespmem:v4+s16+$0x0] =	vst.idx.msk $0xffff, v7;
	v4 =	vpop (erf)  }
0x52: {  	s23 =	simm.s32 $0x1A040;
	[tilespmem:v3+s16+$0x0] =	vst.idx.msk $0xffff, v4  }
0x53: {  	s22 =	simm.s32 $0x1A090;
	v9 =	vadd.s32 $0x81, v5;
	[tilespmem:s23+$0x0] =	vst v7  }
0x54: {  	[tilespmem:s22+$0x0] =	vst v4  }
0x55: {  	v3 =	vld.idx.msk [tilespmem:v6+s16+$0x0], $0xffff  }
0x56: {  	v4 =	vld.idx.msk [tilespmem:v8+s17+$0x0], $0xffff  }
0x57: {  	v2 =	vld.idx.msk [tilespmem:v2+s17+$0x0], $0xffff  }
0x58: {  	v5 =	vld.idx.msk [tilespmem:v9+s16+$0x0], $0xffff;
	_ =	sdelay $0x3  }
0x59: {  	v2 =	vadd.f32 v2, v3  }
0x5a: {  	v3 =	vadd.f32 v4, v5  }
0x5b: {  	v4 =	vmul.f32 $2.000000030e-01, v2  }
0x5c: {  	v5 =	vmul.f32 $2.000000030e-01, v3  }
0x5d: {  	v2 =	vmax.f32 v2, v4  }
0x5e: {  	v3 =	vmax.f32 v3, v5;
	v2 =	vmul.f32 $1.442695020e+00, v2  }
0x5f: {  	v3 =	vmul.f32 $1.442695020e+00, v3  }
0x60: {  	(erf) = vpow2.f32 v2  }
0x61: {  	(erf) = vpow2.f32 v3;
	_ =	sdelay $0x3  }
0x62: {  	s31 =	simm.s32 $0x20  }
0x63: {  	v2 =	vor.u32 s31, v1  }
0x64: {  	v5 =	vmul.u32 $0x90, v2;
	_ =	sdelay $0x1  }
0x65: {  	v3 =	vshll.u32 v2, $0x4;
	v4 =	vadd.s32 $0x80, v5;
	v7 =	vpop (erf)  }
0x66: {  	[tilespmem:v6+s16+$0x0] =	vst.idx.msk $0xffff, v7;
	v8 =	vpop (erf);
	v6 =	vor.u32 $0x1, v3  }
0x67: {  	s24 =	simm.s32 $0x30;
	s23 =	simm.s32 $0x1A050;
	v2 =	vmov v4;
	[tilespmem:v9+s16+$0x0] =	vst.idx.msk $0xffff, v8  }
.LBB2_7:
0x68: {  	p0 =	sne.s32 s24, $0x40;
	v9 =	vadd.s32 $0x81, v5;
	[tilespmem:s23+$0x0] =	vst v7;
	s22 =	sadd.s32 $0x10, s22  }
0x69: {  	[tilespmem:s22+$0x0] =	vst v8  }
0x6a: {  	v4 =	vld.idx.msk [tilespmem:v4+s16+$0x0], $0xffff  }
0x6b: {  	v5 =	vld.idx.msk [tilespmem:v6+s17+$0x0], $0xffff  }
0x6c: {  	v3 =	vld.idx.msk [tilespmem:v3+s17+$0x0], $0xffff  }
0x6d: {  	v6 =	vld.idx.msk [tilespmem:v9+s16+$0x0], $0xffff;
	_ =	sdelay $0x4  }
0x6e: {  	v3 =	vadd.f32 v3, v4  }
0x6f: {  	v4 =	vadd.f32 v5, v6  }
0x70: {  	v5 =	vmul.f32 $2.000000030e-01, v3  }
0x71: {  	v6 =	vmul.f32 $2.000000030e-01, v4  }
0x72: {  	v3 =	vmax.f32 v3, v5  }
0x73: {  	v3 =	vmul.f32 $1.442695020e+00, v3;
	v4 =	vmax.f32 v4, v6  }
0x74: {  	v4 =	vmul.f32 $1.442695020e+00, v4  }
0x75: {  	(erf) = vpow2.f32 v3  }
0x76: {  	(erf) = vpow2.f32 v4;
	_ =	sdelay $0x4  }
0x77: {  	v3 =	vor.u32 s24, v1  }
.Ltmp2:
0x78: {  	v5 =	vmul.u32 $0x90, v3;
	(pc) =	sbr.rel @p0 .LBB2_7-.Ltmp2, $4  }
0x79: {  	_ = 	snop  }
0x7a: {  	v3 =	vshll.u32 v3, $0x4;
	v4 =	vadd.s32 $0x80, v5;
	v7 =	vpop (erf)  }
0x7b: {  	v6 =	vor.u32 $0x1, v3;
	[tilespmem:v2+s16+$0x0] =	vst.idx.msk $0xffff, v7;
	v8 =	vpop (erf);
	v2 =	vmov v4  }
0x7c: {  	s23 =	sadd.s32 $0x10, s23;
	s24 =	sadd.s32 $0x10, s24;
	[tilespmem:v9+s16+$0x0] =	vst.idx.msk $0xffff, v8  }
0x7d: {  	_ =	sdelay $0x1  }
0x7e: {  	v5 =	vadd.s32 $0x81, v5;
	[tilespmem:s23+$0x0] =	vst v7;
	s22 =	sadd.s32 $0x10, s22  }
0x7f: {  	[tilespmem:s22+$0x0] =	vst v8  }
0x80: {  	v4 =	vld.idx.msk [tilespmem:v4+s16+$0x0], $0xffff  }
0x81: {  	v6 =	vld.idx.msk [tilespmem:v6+s17+$0x0], $0xffff  }
0x82: {  	v3 =	vld.idx.msk [tilespmem:v3+s17+$0x0], $0xffff  }
0x83: {  	v7 =	vld.idx.msk [tilespmem:v5+s16+$0x0], $0xffff;
	_ =	sdelay $0x3  }
0x84: {  	v3 =	vadd.f32 v3, v4  }
0x85: {  	v4 =	vadd.f32 v6, v7  }
0x86: {  	v6 =	vmul.f32 $2.000000030e-01, v3  }
0x87: {  	v7 =	vmul.f32 $2.000000030e-01, v4  }
0x88: {  	v3 =	vmax.f32 v3, v6  }
0x89: {  	v3 =	vmul.f32 $1.442695020e+00, v3;
	v4 =	vmax.f32 v4, v7  }
0x8a: {  	v4 =	vmul.f32 $1.442695020e+00, v4  }
0x8b: {  	(erf) = vpow2.f32 v3  }
0x8c: {  	(erf) = vpow2.f32 v4;
	_ =	sdelay $0x7  }
0x8d: {  	v3 =	vpop (erf)  }
0x8e: {  	[tilespmem:v2+s16+$0x0] =	vst.idx.msk $0xffff, v3;
	v2 =	vpop (erf)  }
0x8f: {  	s31 =	sadd.s32 $0x10, s23;
	[tilespmem:v5+s16+$0x0] =	vst.idx.msk $0xffff, v2  }
0x90: {  	s24 =	simm.s32 $0x0;
	s22 =	sadd.s32 $0x10, s22;
	[tilespmem:s31+$0x0] =	vst v3  }
0x91: {  	v3 =	vmov s24;
	[tilespmem:s22+$0x0] =	vst v2;
	s22 =	simm.s32 $0x16570  }
0x92: {  	v9 =	vld [tilespmem:s22+$0xFFFFFFF0]  }
0x93: {  	v7 =	vld [tilespmem:s22+$0xFFFFFFC0]  }
0x94: {  	v8 =	vld [tilespmem:s22+$0xFFFFFFD0]  }
0x95: {  	v12 =	vld [tilespmem:s22+$0x0]  }
0x96: {  	v5 =	vld.idx.msk [tilespmem:v3+s18+$0x0], $0xffff  }
0x97: {  	v4 =	vld [tilespmem:s22+$0xFFFFFFE0]  }
0x98: {  	v3 =	vld.idx.msk [tilespmem:v3+s19+$0x0], $0xffff  }
0x99: {  	v2 =	vld [tilespmem:s22+$0x30]  }
0x9a: {  	v6 =	vld [tilespmem:s22+$0x20]  }
0x9b: {  	v11 =	vmul.f32 v7, v5;
	v7 =	vld [tilespmem:s22+$0x10]  }
0x9c: {  	v8 =	vmul.f32 v8, v5  }
0x9d: {  	s23 =	simm.s32 $0x1;
	s24 =	simm.s32 $0x16570;
	v10 =	vmul.f32 v9, v5;
	v9 =	vmul.f32 v12, v3  }
.LBB2_9:
0x9e: {  	p0 =	sne.s32 s23, $0x4F  }
0x9f: {  	[tilespmem:s22+$0xFFFFFFC0] =	vst v11;
	v4 =	vmul.f32 v4, v5;
	v5 =	vmul.f32 v6, v3;
	s24 =	sadd.s32 $0x90, s24;
	s25 =	smov.u32 s23;
	s23 =	sadd.s32 $0x1, s23  }
0xa0: {  	v2 =	vmul.f32 v2, v3;
	[tilespmem:s22+$0xFFFFFFF0] =	vst v10;
	v6 =	vmul.f32 v7, v3  }
0xa1: {  	[tilespmem:s22+$0xFFFFFFD0] =	vst v8  }
0xa2: {  	v3 =	vmov s25;
	v10 =	vld [tilespmem:s24+$0xFFFFFFF0];
	[tilespmem:s22+$0x0] =	vst v9  }
0xa3: {  	v8 =	vld [tilespmem:s24+$0xFFFFFFC0];
	[tilespmem:s22+$0xFFFFFFE0] =	vst v4  }
0xa4: {  	v4 =	vld [tilespmem:s24+$0xFFFFFFE0];
	[tilespmem:s22+$0x30] =	vst v2  }
0xa5: {  	v2 =	vld [tilespmem:s24+$0x30];
	[tilespmem:s22+$0x10] =	vst v6  }
0xa6: {  	v9 =	vld [tilespmem:s24+$0xFFFFFFD0];
	[tilespmem:s22+$0x20] =	vst v5;
	s22 =	smov.u32 s24  }
0xa7: {  	v5 =	vld.idx.msk [tilespmem:v3+s18+$0x0], $0xffff  }
0xa8: {  	v3 =	vld.idx.msk [tilespmem:v3+s19+$0x0], $0xffff  }
0xa9: {  	v12 =	vld [tilespmem:s24+$0x0]  }
.Ltmp3:
0xaa: {  	v6 =	vld [tilespmem:s24+$0x20];
	(pc) =	sbr.rel @p0 .LBB2_9-.Ltmp3, $3  }
0xab: {  	v7 =	vld [tilespmem:s24+$0x10];
	_ =	sdelay $0x1  }
0xac: {  	v11 =	vmul.f32 v8, v5;
	v8 =	vmul.f32 v9, v5  }
0xad: {  	v10 =	vmul.f32 v10, v5;
	v9 =	vmul.f32 v12, v3  }
0xae: {  	[tilespmem:s22+$0xFFFFFFC0] =	vst v11  }
0xaf: {  	[tilespmem:s22+$0xFFFFFFD0] =	vst v8  }
0xb0: {  	v4 =	vmul.f32 v4, v5;
	[tilespmem:s22+$0xFFFFFFF0] =	vst v10  }
0xb1: {  	v2 =	vmul.f32 v2, v3;
	[tilespmem:s22+$0x0] =	vst v9  }
0xb2: {  	v63 =	vmul.f32 v7, v3;
	[tilespmem:s22+$0xFFFFFFE0] =	vst v4  }
0xb3: {  	s21 =	sadd.s32 $0x1, s21;
	v3 =	vmul.f32 v6, v3;
	[tilespmem:s22+$0x30] =	vst v2  }
0xb4: {  	p0 =	sne.s32 s21, $0x7D;
	[tilespmem:s22+$0x10] =	vst v63  }
.Ltmp4:
0xb5: {  	[tilespmem:s22+$0x20] =	vst v3;
	(pc) =	sbr.rel @p0 .LBB2_6-.Ltmp4, $4  }
0xb6: {  	[spmem:s3] =	stream.indirect.scatter.add.f32 [tilespmem:s16], [sflag:$0x1], $0x90, s14, s15, $0xb8;
	[tilespmem:$0x1A0E0] =	vst v63  }
0xb7: {  	_ =	swait.ge [sflag:s12], $0x2D00  }
0xb8: {  	[sflag:s12] =	ssyncset.done $0x0  }
0xb9: {  	[sflag:s12] =	ssyncadd.s32 $0xFFFFD300  }
0xba: {  	[bflag:$0x0] =	sbarrier.arrive $0xFFFF;
	s20 =	sshll.u32 s1, $0x6  }
0xbb: {  	s21 =	sadd.s32 $0x0, s10;
	s22 =	sshrl.u32 s9, $0x3;
	s20 =	sor.u32 $0x1C01, s20  }
0xbc: {  	[hbm:s21], [sflag:s20] =	dma.local [spmem:s22], $0x1C2  }
0xbd: {  	s21 =	simm.s32 $0x1C2;
	s22 =	sadd.s32 $0xE10, s9;
	_ =	swait.ge [sflag:s12], $0x1C2  }
.LBB2_12:
0xbe: {  	s23 =	sadd.s32 s21, s10;
	[sflag:s12] =	ssyncset.done $0x0;
	p0 =	sne.s32 s21, $0x2A30  }
.Ltmp5:
0xbf: {  	s24 =	sshrl.u32 s22, $0x3;
	[sflag:s12] =	ssyncadd.s32 $0xFFFFFE3E;
	(pc) =	sbr.rel @p0 .LBB2_12-.Ltmp5, $3  }
0xc0: {  	[hbm:s23], [sflag:s20] =	dma.local [spmem:s24], $0x1C2  }
0xc1: {  	s21 =	sadd.s32 $0x1C2, s21;
	_ =	sdelay $0x1  }
0xc2: {  	s22 =	sadd.s32 $0xE10, s22;
	_ =	swait.ge [sflag:s12], $0x1C2  }
0xc3: {  	s4 =	sadd.s32 $0x1, s4  }
0xc4: {  	p0 =	sne.s32 s4, s8  }
.Ltmp6:
0xc5: {  	_ = 	snop;
	(pc) =	sbr.rel @p0 .LBB2_1-.Ltmp6, $3  }
0xc6: {  	_ =	sdelay $0x1  }
0xc7: {  	[sflag:s12] =	ssyncset.done $0x0  }
0xc8: {  	[sflag:s12] =	ssyncadd.s32 $0xFFFFFE3E  }
0xc9: {  	_ =	sfence.sel $0x180000  }
0xca: {  	[bflag:$0x0] =	sbarrier.arrive $0xFFFF  }
0xcb: {  	p0 =	sne.s32 s1, $0x0;
	_ =	strace $0x9000004A  }
0xcc: {  	s0 =	sadd.s32 @!p0 $0x100000, s0;
	[bflag:$0x2] =	sbarrier.arrive $0xFFFF  }
0xcd: {  	[sflag:s0] =	ssyncadd.tile.s32 @!p0 $0x1;
	_ =	shalt  }
.Lfunc_end2:
_tile_overlayer_lowered:
.L_overlay_start_2:
0xce: {  	(tag) =	ssettag $0x2  }
0xcf: {  	s0 =	rddreg [dreg:$0x0];
	s2 =	stileid.u32  }
0xd0: {  	s1 =	rddreg [dreg:$0x1];
	p0 =	sne.s32 s2, $0x0  }
0xd1: {  	s3 =	rddreg [dreg:$0x2];
	[bflag:$0x3] =	sbarrier.arrive $0xFFFF;
	s2 =	simm.s32 @!p0 $0x1C01  }
0xd2: {  	[timem:s3], [sflag:s2] =	dma.local @!p0 [hbm:s0], s1  }
0xd3: {  	s0 =	simm.s32 @!p0 $0x1  }
0xd4: {  	_ =	swait.ge @!p0 [sflag:s0], s1  }
0xd5: {  	s1 =	ssub.s32 @!p0 $0x0, s1;
	[sflag:s0] =	ssyncset.done @!p0 $0x0  }
0xd6: {  	[sflag:s0] =	ssyncadd.s32 @!p0 s1  }
0xd7: {  	[bflag:$0x3] =	sbarrier.arrive $0xFFFF  }
0xd8: {  	_ =	shalt  }

// kernel: kernel.18.cloned.1.call-start
scs
__scs_entry_jumppad:
0x0: {  	(pc) =	sbr.rel $0x88, $3  }
0x1: {  	(tag) =	ssettag $0x0;
	lr =	simm.s32 $0x1  }
0x2: {  	[smem:$0x3F8C] =	sst lr;
	_ =	strace $0xD0000000  }
0x3: {  	_ = 	snop  }
0x4: {  	_ = 	snop  }
0x5: {  	_ = 	snop  }
0x6: {  	_ = 	snop  }
0x7: {  	_ = 	snop  }
__scs_overlays_trampoline_lowered:
0x8: {  	[smem:$0x3F9B] =	sst s0  }
0x9: {  	[smem:$0x3F9C] =	sst s1  }
0xa: {  	[smem:$0x3F9D] =	sst s2  }
0xb: {  	[smem:$0x3F9E] =	sst s3  }
0xc: {  	[smem:$0x3F9F] =	sst s4  }
0xd: {  	[smem:$0x3FA0] =	sst s5  }
0xe: {  	[smem:$0x3FA1] =	sst s6  }
0xf: {  	[smem:$0x3FA2] =	sst s7  }
0x10: {  	[smem:$0x3FA3] =	sst s8  }
0x11: {  	[smem:$0x3FA4] =	sst s9;
	s0 =	simm.s32 @!p0 $0x0  }
0x12: {  	s1 =	sld [smem:$0x3F8A];
	s0 =	simm.s32 @p0 $0x1  }
0x13: {  	[smem:$0x3FA5] =	sst s0;
	s0 =	simm.s32 @!p1 $0x0  }
0x14: {  	s2 =	sld [smem:$0x3F89];
	s0 =	simm.s32 @p1 $0x1  }
0x15: {  	[smem:$0x3FA6] =	sst s0;
	s0 =	simm.s32 @!p2 $0x0  }
0x16: {  	s3 =	sld [smem:$0x3FDB];
	s0 =	simm.s32 @p2 $0x1  }
0x17: {  	s4 =	simm.s32 $0x1BF5;
	[smem:$0x3FA8] =	sst s0  }
0x18: {  	s0 =	sld [smem:$0x3F8B];
	_ =	swait.ge [sflag:s4], $0x0  }
0x19: {  	s7 =	sld [smem:$0x3F8C]  }
0x1a: {  	s8 =	sadd.s32 $0xFFFFE003, lr  }
0x1b: {  	s9 =	sadd.s32 $0xFFFFFEF7, lr;
	s5 =	simm.s32 $0xFFFFFFFF;
	p2 =	slt.u32 s8, $0xFFFFF086  }
0x1c: {  	p1 =	slt.u32 s9, $0xF7A;
	s5 =	simm.s32 @!p2 $0x0  }
0x1d: {  	s5 =	simm.s32 @p1 $0x1;
	p0 =	seq.s32 s7, s2  }
0x1e: {  	s7 =	smul.u32 @!p0 $0xF7A, s2;
	p2 =	seq.s32 @!p0 s5, $0x0  }
0x1f: {  	s9 =	smul.u32 $0xF7A, s1;
	s8 =	simm.s32 @!p0 $0x1BF5;
	p2 =	por !p2, p0  }
0x20: {  	[sflag:s8] =	ssyncset.s32 @!p0 $0xFFFFF086;
	s6 =	sadd.s32 @!p0 s3, s7;
	s7 =	simm.s32 @!p0 $0x108  }
0x21: {  	s3 =	sadd.s32 s3, s9;
	s6 =	sadd.s32 @!p0 $0x88, s6;
	s7 =	simm.s32 @p2 $0x1082  }
0x22: {  	[simem:s7], [sflag:s8] =	dma.local @!p0 [hbm:s6], $0xF7A  }
0x23: {  	s9 =	sor.u32 $0xD0000000, s2;
	s6 =	simm.s32 $0x108;
	_ =	swait.ge @!p0 [sflag:s8], $0x0  }
0x24: {  	s3 =	sadd.s32 $0x88, s3;
	s6 =	simm.s32 @!p1 $0x1082;
	[sflag:s4] =	ssyncset.s32 $0xFFFFF086  }
0x25: {  	[simem:s6], [sflag:s4] =	dma.local [hbm:s3], $0xF7A  }
0x26: {  	[smem:$0x3F8C] =	sst s1;
	(tag) =	ssettag s2;
	_ =	strace s9  }
0x27: {  	s1 =	sld [smem:$0x3F9C]  }
0x28: {  	s2 =	sld [smem:$0x3F9D]  }
0x29: {  	s4 =	sld [smem:$0x3F9F]  }
0x2a: {  	p0 =	seq.s32 s5, $0x0;
	s5 =	sld [smem:$0x3FA0]  }
0x2b: {  	s6 =	sld [smem:$0x3FA1]  }
0x2c: {  	s7 =	sld [smem:$0x3FA2]  }
0x2d: {  	s3 =	simm.s32 $0x108;
	s8 =	sld [smem:$0x3FA3]  }
0x2e: {  	s3 =	simm.s32 @!p0 $0x1082;
	s9 =	sld [smem:$0x3FA4]  }
0x2f: {  	lr =	sadd.s32 s0, s3;
	s0 =	sld [smem:$0x3F9B]  }
0x30: {  	s3 =	sld [smem:$0x3F9E]  }
0x31: {  	[smem:$0x3FA7] =	sst s10  }
0x32: {  	s10 =	sld [smem:$0x3FA5];
	_ =	sdelay $0x3  }
0x33: {  	p0 =	seq.s32 s10, $0x1;
	s10 =	sld [smem:$0x3FA7];
	_ =	sdelay $0x3  }
0x34: {  	[smem:$0x3FA7] =	sst s10  }
0x35: {  	s10 =	sld [smem:$0x3FA6];
	_ =	sdelay $0x3  }
0x36: {  	p1 =	seq.s32 s10, $0x1;
	s10 =	sld [smem:$0x3FA7];
	_ =	sdelay $0x3  }
0x37: {  	[smem:$0x3FA7] =	sst s10  }
0x38: {  	s10 =	sld [smem:$0x3FA8]  }
0x39: {  	_ = 	snop;
	(pc) =	sbr.ind lr, $3  }
0x3a: {  	_ = 	snop  }
0x3b: {  	_ = 	snop  }
0x3c: {  	p2 =	seq.s32 s10, $0x1;
	s10 =	sld [smem:$0x3FA7]  }
0x3d: {  	_ =	shalt  }
0x3e: {  	_ =	shalt  }
0x3f: {  	_ =	shalt  }
0x40: {  	_ =	shalt  }
0x41: {  	_ =	shalt  }
0x42: {  	_ =	shalt  }
0x43: {  	_ =	shalt  }
0x44: {  	_ =	shalt  }
0x45: {  	_ =	shalt  }
0x46: {  	_ =	shalt  }
0x47: {  	_ =	shalt  }
0x48: {  	_ =	shalt  }
0x49: {  	_ =	shalt  }
0x4a: {  	_ =	shalt  }
0x4b: {  	_ =	shalt  }
0x4c: {  	_ =	shalt  }
0x4d: {  	_ =	shalt  }
0x4e: {  	_ =	shalt  }
0x4f: {  	_ =	shalt  }
0x50: {  	_ =	shalt  }
0x51: {  	_ =	shalt  }
0x52: {  	_ =	shalt  }
0x53: {  	_ =	shalt  }
0x54: {  	_ =	shalt  }
0x55: {  	_ =	shalt  }
0x56: {  	_ =	shalt  }
0x57: {  	_ =	shalt  }
0x58: {  	_ =	shalt  }
0x59: {  	_ =	shalt  }
0x5a: {  	_ =	shalt  }
0x5b: {  	_ =	shalt  }
0x5c: {  	_ =	shalt  }
0x5d: {  	_ =	shalt  }
0x5e: {  	_ =	shalt  }
0x5f: {  	_ =	shalt  }
0x60: {  	_ =	shalt  }
0x61: {  	_ =	shalt  }
0x62: {  	_ =	shalt  }
0x63: {  	_ =	shalt  }
0x64: {  	_ =	shalt  }
0x65: {  	_ =	shalt  }
0x66: {  	_ =	shalt  }
0x67: {  	_ =	shalt  }
0x68: {  	_ =	shalt  }
0x69: {  	_ =	shalt  }
0x6a: {  	_ =	shalt  }
0x6b: {  	_ =	shalt  }
0x6c: {  	_ =	shalt  }
0x6d: {  	_ =	shalt  }
0x6e: {  	_ =	shalt  }
0x6f: {  	_ =	shalt  }
0x70: {  	_ =	shalt  }
0x71: {  	_ =	shalt  }
0x72: {  	_ =	shalt  }
0x73: {  	_ =	shalt  }
0x74: {  	_ =	shalt  }
0x75: {  	_ =	shalt  }
0x76: {  	_ =	shalt  }
0x77: {  	_ =	shalt  }
0x78: {  	_ =	shalt  }
0x79: {  	_ =	shalt  }
0x7a: {  	_ =	shalt  }
0x7b: {  	_ =	shalt  }
0x7c: {  	_ =	shalt  }
0x7d: {  	_ =	shalt  }
0x7e: {  	_ =	shalt  }
0x7f: {  	_ =	shalt  }
0x80: {  	_ =	shalt  }
0x81: {  	_ =	shalt  }
0x82: {  	_ =	shalt  }
0x83: {  	_ =	shalt  }
0x84: {  	_ =	shalt  }
0x85: {  	_ =	shalt  }
0x86: {  	_ =	shalt  }
0x87: {  	_ =	shalt  }
.Lfunc_end0:
.L_simem_size_0:
called_computation.2_lowered:
.L_overlay_start_0:
0x88: {  	s2 =	sld [smem:$0x3FD9]  }
0x89: {  	s3 =	sld [smem:$0x3FFE];
	_ =	sdelay $0x1  }
0x8a: {  	s1 =	srdreg.scid  }
0x8b: {  	s0 =	sand.u32 $0x1, s1  }
0x8c: {  	s17 =	sshll.u32 s0, $0xA;
	s2 =	sadd.s32 s3, s2  }
0x8d: {  	s2 =	sadd.s32 s2, s17  }
0x8e: {  	[smem:$0x3FB3] =	sst s2  }
0x8f: {  	_ = 	snop  }
0x90: {  	s2 =	sld [smem:$0x3FD0];
	(tm) =	ssettm $0x1  }
0x91: {  	s18 =	sld [smem:$0x3FFB];
	_ =	sdelay $0x3  }
0x92: {  	_ =	strace s18  }
0x93: {  	s3 =	sld [smem:$0x3FFC];
	_ =	sdelay $0x3  }
0x94: {  	_ =	strace s3  }
0x95: {  	s3 =	sld [smem:$0x3FFD];
	_ =	sdelay $0x3  }
0x96: {  	_ =	strace s3  }
0x97: {  	_ =	strace $0x8FFFFFFF  }
0x98: {  	s19 =	sld [smem:$0x3FDB];
	_ =	sdelay $0x1  }
0x99: {  	s4 =	simm.s32 $_scs_section_size  }
0x9a: {  	s5 =	simm.s32 $_size__tile_overlayer_lowered;
	s6 =	simm.s32 $_tile_overlayer_lowered  }
0x9b: {  	s22 =	simm.s32 $0x1BFF;
	s21 =	sshll.u32 s6, $0x1;
	s3 =	sadd.s32 s4, s19  }
0x9c: {  	s7 =	simm.s32 $0x0;
	s20 =	sshll.u32 s5, $0x1;
	s5 =	sadd.s32 s21, s3  }
0x9d: {  	[timem:s7], [sflag:s22] =	dma.local [hbm:s5], s20  }
0x9e: {  	_ =	swait.ge [sflag:s22], s20  }
0x9f: {  	s4 =	ssub.s32 $0x0, s20;
	[sflag:s22] =	ssyncset.done $0x0  }
0xa0: {  	[sflag:s22] =	ssyncadd.s32 s4;
	_ =	sdelay $0x1  }
0xa1: {  	s23 =	simm.s32 $0x1B8B  }
0xa2: {  	_ =	swait.ge [sflag:s23], $0x1  }
0xa3: {  	[sflag:s23] =	ssyncset.done $0x0  }
0xa4: {  	s25 =	simm.s32 $0x1B8E;
	s24 =	sld [smem:$0x3FFE];
	[sflag:s23] =	ssyncadd.s32 $0xFFFFFFFF  }
0xa5: {  	s26 =	simm.s32 $execute0_lowered;
	[smem:$0x3FD2] =	sst s25  }
0xa6: {  	s5 =	sshll.u32 s26, $0x1;
	_ =	strace $0x8000004C;
	[dreg:$0x1] =	wrdreg $0xFFFFFFFF  }
0xa7: {  	s28 =	simm.s32 $_size_execute0_lowered;
	s3 =	sadd.s32 s3, s5;
	[dreg:$0x0] =	wrdreg $0x0  }
0xa8: {  	s5 =	sshll.u32 s28, $0x1;
	[dreg:$0x2] =	wrdreg s3  }
0xa9: {  	[dreg:$0x3] =	wrdreg s5  }
0xaa: {  	[dreg:$0x4] =	wrdreg $0xC0  }
0xab: {  	_ =	task [dreg:s7], $0x5FFFF  }
0xac: {  	[dreg:$0x1] =	wrdreg $0xFFFFFFFF  }
0xad: {  	[dreg:$0x0] =	wrdreg $0x60  }
0xae: {  	[dreg:$0x2] =	wrdreg s24  }
0xaf: {  	[dreg:$0x3] =	wrdreg s2  }
0xb0: {  	[dreg:$0x4] =	wrdreg $0x0  }
0xb1: {  	[dreg:$0x5] =	wrdreg $0x9  }
0xb2: {  	_ =	task.clear_ibuf [dreg:s7], $0x6FFFF;
	_ =	strace $0x9000004C  }
0xb3: {  	s29 =	simm.s32 $0x9;
	_ =	strace $0x8000004E  }
0xb4: {  	_ =	swait.ge [sflag:s29], $0x1  }
0xb5: {  	[sflag:s29] =	ssyncadd.s32 $0xFFFFFFFF  }
0xb6: {  	_ =	strace $0x9000004E  }
0xb7: {  	_ =	sfence  }
0xb8: {  	s30 =	sld [smem:$0x0];
	_ =	sdelay $0x2  }
0xb9: {  	s31 =	sshll.u32 s1, $0xD;
	s1 =	sshrl.u32 s1, $0x2  }
0xba: {  	s3 =	sand.u32 $0x4000, s31;
	s1 =	sadd.s32 s1, s30  }
0xbb: {  	s0 =	sor.u32 s3, s0;
	s1 =	sshll.u32 s1, $0x11  }
0xbc: {  	s0 =	sor.u32 s1, s0  }
0xbd: {  	s0 =	sadd.s32 $0x8F2B, s0  }
0xbe: {  	[sflag:s0] =	ssyncadd.remote.s32 $0x1  }
0xbf: {  	_ =	sfence.sel $0xFFFF  }
0xc0: {  	[dreg:$0x0] =	wrdreg $0xFFFFFFFF;
	(pc) =	sbr.abs _section_cstart, $3  }
0xc1: {  	[dreg:$0x1] =	wrdreg $0xFFFFFFFF  }
0xc2: {  	_ =	task.clear_ibuf [dreg:s7], $0x2FFFF;
	_ =	strace $0x9FFFFFFF  }
0xc3: {  	(tm) =	ssettm $0x7FFFFFFF  }
tec
execute0_lowered:
.L_overlay_start_1:
0x0: {  	(tag) =	ssettag $0x1  }
0x1: {  	s7 =	rddreg [dreg:$0x0]  }
0x2: {  	s2 =	rddreg [dreg:$0x1]  }
0x3: {  	s0 =	srdreg.scid;
	s3 =	rddreg [dreg:$0x2]  }
0x4: {  	s1 =	stileid.u32;
	s4 =	simm.s32 $0x0;
	s14 =	simm.s32 $0x164E0  }
0x5: {  	s15 =	simm.s32 $0x50;
	s16 =	simm.s32 $0x16530;
	s17 =	simm.s32 $0x15F90  }
0x6: {  	s18 =	simm.s32 $0x1A040;
	s19 =	simm.s32 $0x1A090;
	s6 =	smul.u32 $0x15F90, s1  }
0x7: {  	s8 =	sand.u32 $0x1, s0;
	s0 =	rddreg [dreg:$0x3];
	s12 =	smul.u32 $0x57E40, s1  }
0x8: {  	[smem:$0x7FF] =	sst s4;
	s11 =	sshll.u32 s1, $0x1;
	s5 =	smul.u32 $0x15F900, s8  }
0x9: {  	_ =	strace $0x8000004D;
	s10 =	ssub.s32 $0x2, s8;
	s8 =	sor.u32 s8, s11  }
0xa: {  	s11 =	simm.s32 $0x19230;
	s29 =	sshrl.u32 s10, $0x1;
	s31 =	sshrl.u32 s12, $0x2  }
0xb: {  	s12 =	simm.s32 $0x1;
	s9 =	sadd.s32 s6, s5;
	s5 =	sadd.s32 $0x3C00, s7  }
0xc: {  	s6 =	sadd.s32 $0xA0600, s7;
	s30 =	ssub.s32 s10, s29;
	s9 =	sshrl.u32 s9, $0x3  }
0xd: {  	s13 =	sadd.s32 s9, s7;
	s7 =	smul.u32 $0x2710, s8;
	s8 =	smax.u32 s30, $0x1  }
0xe: {  	v0 =	vimm.f32 $0.0e+00;
	v1 =	vlaneseq.u32;
	s9 =	sadd.s32 s31, s3;
	s10 =	sadd.s32 $0x2FC00, s13;
	s13 =	simm.s32 $0x16490  }
.LBB2_1:
0xf: {  	s20 =	simm.s32 $0x80;
	s21 =	simm.s32 $0x440  }
.LBB2_2:
0x10: {  	p0 =	sne.s32 s21, $0x3800;
	[tilespmem:s20+$0x19230] =	vst v0  }
0x11: {  	[tilespmem:s20+$0x191B0] =	vst v0  }
0x12: {  	[tilespmem:s20+$0x191C0] =	vst v0  }
0x13: {  	[tilespmem:s20+$0x191D0] =	vst v0  }
.Ltmp0:
0x14: {  	[tilespmem:s20+$0x191E0] =	vst v0;
	(pc) =	sbr.rel @p0 .LBB2_2-.Ltmp0, $4  }
0x15: {  	[tilespmem:s20+$0x191F0] =	vst v0  }
0x16: {  	[tilespmem:s20+$0x19200] =	vst v0  }
0x17: {  	[tilespmem:s20+$0x19210] =	vst v0  }
0x18: {  	[tilespmem:s20+$0x19220] =	vst v0;
	s20 =	sshra.s32 s21, $0x2;
	s21 =	sadd.s32 $0x240, s21  }
0x19: {  	[tilespmem:s20+$0x19230] =	vst v0  }
0x1a: {  	[tilespmem:s20+$0x191B0] =	vst v0  }
0x1b: {  	[tilespmem:s20+$0x191C0] =	vst v0  }
0x1c: {  	[tilespmem:s20+$0x191D0] =	vst v0  }
0x1d: {  	[tilespmem:s20+$0x191E0] =	vst v0  }
0x1e: {  	[tilespmem:s20+$0x191F0] =	vst v0  }
0x1f: {  	[tilespmem:s20+$0x19200] =	vst v0  }
0x20: {  	[tilespmem:s20+$0x19210] =	vst v0  }
0x21: {  	[tilespmem:s20+$0x19220] =	vst v0;
	s31 =	sadd.s32 $0x0, s9  }
0x22: {  	[spmem:s31] =	stream.linear.scatter [tilespmem:s11], [sflag:$0x1], $0xE10, $0x38;
	[tilespmem:$0x1A0E0] =	vst v63  }
0x23: {  	s20 =	simm.s32 $0x3840;
	_ =	swait.ge [sflag:s12], $0xE10  }
.LBB2_4:
0x24: {  	s21 =	sshra.s32 s20, $0x2;
	[sflag:s12] =	ssyncset.done $0x0;
	p0 =	sne.s32 s20, $0x54600  }
.Ltmp1:
0x25: {  	s21 =	sadd.s32 s21, s9;
	[sflag:s12] =	ssyncadd.s32 $0xFFFFF1F0;
	(pc) =	sbr.rel @p0 .LBB2_4-.Ltmp1, $3  }
0x26: {  	[spmem:s21] =	stream.linear.scatter [tilespmem:s11], [sflag:$0x1], $0xE10, $0x38;
	[tilespmem:$0x1A0E0] =	vst v63  }
0x27: {  	s20 =	sadd.s32 $0x3840, s20;
	_ =	sdelay $0x1  }
0x28: {  	_ =	swait.ge [sflag:s12], $0xE10  }
0x29: {  	[sflag:s12] =	ssyncset.done $0x0  }
0x2a: {  	[sflag:s12] =	ssyncadd.s32 $0xFFFFF1F0  }
0x2b: {  	s20 =	simm.s32 $0x0;
	s21 =	simm.s32 $0x0;
	[bflag:$0x0] =	sbarrier.arrive $0xFFFF  }
.LBB2_6:
0x2c: {  	s22 =	smul.u32 $0x50, s21;
	_ =	sdelay $0x1  }
0x2d: {  	s22 =	sadd.s32 s7, s22  }
0x2e: {  	s22 =	sshrl.u32 s22, $0x3  }
0x2f: {  	s22 =	sadd.s32 s6, s22  }
0x30: {  	[tilespmem:s13], [sflag:$0x1] =	stream.linear.gather [hbm4b:s22+s20], $0x50, $0x38;
	[tilespmem:$0x1A0E0] =	vst v63  }
0x31: {  	_ =	swait.ge [sflag:s12], $0x50  }
0x32: {  	[sflag:s12] =	ssyncset.done $0x0  }
0x33: {  	s22 =	sadd.s32 $0x9C40, s22;
	[sflag:s12] =	ssyncadd.s32 $0xFFFFFFB0  }
0x34: {  	[tilespmem:s14], [sflag:$0x1] =	stream.linear.gather [hbm4b:s22+s20], $0x50, $0x38;
	[tilespmem:$0x1A0E0] =	vst v63  }
0x35: {  	_ =	swait.ge [sflag:s12], $0x50  }
0x36: {  	[sflag:s12] =	ssyncset.done $0x0  }
0x37: {  	[sflag:s12] =	ssyncadd.s32 $0xFFFFFFB0  }
0x38: {  	v2 =	vor.u32 s20, v1;
	[tilespmem:s16], [sflag:$0x1] =	stream.indirect.gather [hbm4b:s5+s15], $0x90, s13, s15, $0xb8;
	[tilespmem:$0x1A0E0] =	vst v63  }
0x39: {  	v3 =	vmul.u32 $0x90, v2;
	_ =	swait.ge [sflag:s12], $0x2D00  }
0x3a: {  	[sflag:s12] =	ssyncset.done $0x0  }
0x3b: {  	v2 =	vshll.u32 v2, $0x4;
	v4 =	vadd.s32 $0x80, v3;
	[sflag:s12] =	ssyncadd.s32 $0xFFFFD300  }
0x3c: {  	v5 =	vor.u32 $0x1, v2;
	[tilespmem:s17], [sflag:$0x1] =	stream.indirect.gather [hbm4b:s2+s15], $0x10, s14, s15, $0xb8;
	[tilespmem:$0x1A0E0] =	vst v63  }
0x3d: {  	_ =	swait.ge [sflag:s12], $0x500  }
0x3e: {  	v3 =	vadd.s32 $0x81, v3;
	[sflag:s12] =	ssyncset.done $0x0  }
0x3f: {  	[sflag:s12] =	ssyncadd.s32 $0xFFFFFB00  }
0x40: {  	v6 =	vld.idx.msk [tilespmem:v4+s16+$0x0], $0xffff  }
0x41: {  	v5 =	vld.idx.msk [tilespmem:v5+s17+$0x0], $0xffff  }
0x42: {  	v2 =	vld.idx.msk [tilespmem:v2+s17+$0x0], $0xffff  }
0x43: {  	v7 =	vld.idx.msk [tilespmem:v3+s16+$0x0], $0xffff;
	_ =	sdelay $0x3  }
0x44: {  	v2 =	vadd.f32 v2, v6  }
0x45: {  	v5 =	vadd.f32 v5, v7  }
0x46: {  	v6 =	vmul.f32 $2.000000030e-01, v2  }
0x47: {  	v7 =	vmul.f32 $2.000000030e-01, v5  }
0x48: {  	v2 =	vmax.f32 v2, v6  }
0x49: {  	v5 =	vmax.f32 v5, v7;
	v2 =	vmul.f32 $1.442695020e+00, v2  }
0x4a: {  	v5 =	vmul.f32 $1.442695020e+00, v5  }
0x4b: {  	(erf) = vpow2.f32 v2  }
0x4c: {  	(erf) = vpow2.f32 v5;
	_ =	sdelay $0x3  }
0x4d: {  	s30 =	simm.s32 $0x10  }
0x4e: {  	v2 =	vor.u32 s30, v1  }
0x4f: {  	v5 =	vmul.u32 $0x90, v2;
	_ =	sdelay $0x1  }
0x50: {  	v2 =	vshll.u32 v2, $0x4;
	v6 =	vadd.s32 $0x80, v5;
	v7 =	vpop (erf)  }
0x51: {  	v8 =	vor.u32 $0x1, v2;
	[tilespmem:v4+s16+$0x0] =	vst.idx.msk $0xffff, v7;
	v4 =	vpop (erf)  }
0x52: {  	s23 =	simm.s32 $0x1A040;
	[tilespmem:v3+s16+$0x0] =	vst.idx.msk $0xffff, v4  }
0x53: {  	s22 =	simm.s32 $0x1A090;
	v9 =	vadd.s32 $0x81, v5;
	[tilespmem:s23+$0x0] =	vst v7  }
0x54: {  	[tilespmem:s22+$0x0] =	vst v4  }
0x55: {  	v3 =	vld.idx.msk [tilespmem:v6+s16+$0x0], $0xffff  }
0x56: {  	v4 =	vld.idx.msk [tilespmem:v8+s17+$0x0], $0xffff  }
0x57: {  	v2 =	vld.idx.msk [tilespmem:v2+s17+$0x0], $0xffff  }
0x58: {  	v5 =	vld.idx.msk [tilespmem:v9+s16+$0x0], $0xffff;
	_ =	sdelay $0x3  }
0x59: {  	v2 =	vadd.f32 v2, v3  }
0x5a: {  	v3 =	vadd.f32 v4, v5  }
0x5b: {  	v4 =	vmul.f32 $2.000000030e-01, v2  }
0x5c: {  	v5 =	vmul.f32 $2.000000030e-01, v3  }
0x5d: {  	v2 =	vmax.f32 v2, v4  }
0x5e: {  	v3 =	vmax.f32 v3, v5;
	v2 =	vmul.f32 $1.442695020e+00, v2  }
0x5f: {  	v3 =	vmul.f32 $1.442695020e+00, v3  }
0x60: {  	(erf) = vpow2.f32 v2  }
0x61: {  	(erf) = vpow2.f32 v3;
	_ =	sdelay $0x3  }
0x62: {  	s31 =	simm.s32 $0x20  }
0x63: {  	v2 =	vor.u32 s31, v1  }
0x64: {  	v5 =	vmul.u32 $0x90, v2;
	_ =	sdelay $0x1  }
0x65: {  	v3 =	vshll.u32 v2, $0x4;
	v4 =	vadd.s32 $0x80, v5;
	v7 =	vpop (erf)  }
0x66: {  	[tilespmem:v6+s16+$0x0] =	vst.idx.msk $0xffff, v7;
	v8 =	vpop (erf);
	v6 =	vor.u32 $0x1, v3  }
0x67: {  	s24 =	simm.s32 $0x30;
	s23 =	simm.s32 $0x1A050;
	v2 =	vmov v4;
	[tilespmem:v9+s16+$0x0] =	vst.idx.msk $0xffff, v8  }
.LBB2_7:
0x68: {  	p0 =	sne.s32 s24, $0x40;
	v9 =	vadd.s32 $0x81, v5;
	[tilespmem:s23+$0x0] =	vst v7;
	s22 =	sadd.s32 $0x10, s22  }
0x69: {  	[tilespmem:s22+$0x0] =	vst v8  }
0x6a: {  	v4 =	vld.idx.msk [tilespmem:v4+s16+$0x0], $0xffff  }
0x6b: {  	v5 =	vld.idx.msk [tilespmem:v6+s17+$0x0], $0xffff  }
0x6c: {  	v3 =	vld.idx.msk [tilespmem:v3+s17+$0x0], $0xffff  }
0x6d: {  	v6 =	vld.idx.msk [tilespmem:v9+s16+$0x0], $0xffff;
	_ =	sdelay $0x4  }
0x6e: {  	v3 =	vadd.f32 v3, v4  }
0x6f: {  	v4 =	vadd.f32 v5, v6  }
0x70: {  	v5 =	vmul.f32 $2.000000030e-01, v3  }
0x71: {  	v6 =	vmul.f32 $2.000000030e-01, v4  }
0x72: {  	v3 =	vmax.f32 v3, v5  }
0x73: {  	v3 =	vmul.f32 $1.442695020e+00, v3;
	v4 =	vmax.f32 v4, v6  }
0x74: {  	v4 =	vmul.f32 $1.442695020e+00, v4  }
0x75: {  	(erf) = vpow2.f32 v3  }
0x76: {  	(erf) = vpow2.f32 v4;
	_ =	sdelay $0x4  }
0x77: {  	v3 =	vor.u32 s24, v1  }
.Ltmp2:
0x78: {  	v5 =	vmul.u32 $0x90, v3;
	(pc) =	sbr.rel @p0 .LBB2_7-.Ltmp2, $4  }
0x79: {  	_ = 	snop  }
0x7a: {  	v3 =	vshll.u32 v3, $0x4;
	v4 =	vadd.s32 $0x80, v5;
	v7 =	vpop (erf)  }
0x7b: {  	v6 =	vor.u32 $0x1, v3;
	[tilespmem:v2+s16+$0x0] =	vst.idx.msk $0xffff, v7;
	v8 =	vpop (erf);
	v2 =	vmov v4  }
0x7c: {  	s23 =	sadd.s32 $0x10, s23;
	s24 =	sadd.s32 $0x10, s24;
	[tilespmem:v9+s16+$0x0] =	vst.idx.msk $0xffff, v8  }
0x7d: {  	_ =	sdelay $0x1  }
0x7e: {  	v5 =	vadd.s32 $0x81, v5;
	[tilespmem:s23+$0x0] =	vst v7;
	s22 =	sadd.s32 $0x10, s22  }
0x7f: {  	[tilespmem:s22+$0x0] =	vst v8  }
0x80: {  	v4 =	vld.idx.msk [tilespmem:v4+s16+$0x0], $0xffff  }
0x81: {  	v6 =	vld.idx.msk [tilespmem:v6+s17+$0x0], $0xffff  }
0x82: {  	v3 =	vld.idx.msk [tilespmem:v3+s17+$0x0], $0xffff  }
0x83: {  	v7 =	vld.idx.msk [tilespmem:v5+s16+$0x0], $0xffff;
	_ =	sdelay $0x3  }
0x84: {  	v3 =	vadd.f32 v3, v4  }
0x85: {  	v4 =	vadd.f32 v6, v7  }
0x86: {  	v6 =	vmul.f32 $2.000000030e-01, v3  }
0x87: {  	v7 =	vmul.f32 $2.000000030e-01, v4  }
0x88: {  	v3 =	vmax.f32 v3, v6  }
0x89: {  	v3 =	vmul.f32 $1.442695020e+00, v3;
	v4 =	vmax.f32 v4, v7  }
0x8a: {  	v4 =	vmul.f32 $1.442695020e+00, v4  }
0x8b: {  	(erf) = vpow2.f32 v3  }
0x8c: {  	(erf) = vpow2.f32 v4;
	_ =	sdelay $0x7  }
0x8d: {  	v3 =	vpop (erf)  }
0x8e: {  	[tilespmem:v2+s16+$0x0] =	vst.idx.msk $0xffff, v3;
	v2 =	vpop (erf)  }
0x8f: {  	s31 =	sadd.s32 $0x10, s23;
	[tilespmem:v5+s16+$0x0] =	vst.idx.msk $0xffff, v2  }
0x90: {  	s24 =	simm.s32 $0x0;
	s22 =	sadd.s32 $0x10, s22;
	[tilespmem:s31+$0x0] =	vst v3  }
0x91: {  	v3 =	vmov s24;
	[tilespmem:s22+$0x0] =	vst v2;
	s22 =	simm.s32 $0x16570  }
0x92: {  	v9 =	vld [tilespmem:s22+$0xFFFFFFF0]  }
0x93: {  	v7 =	vld [tilespmem:s22+$0xFFFFFFC0]  }
0x94: {  	v8 =	vld [tilespmem:s22+$0xFFFFFFD0]  }
0x95: {  	v12 =	vld [tilespmem:s22+$0x0]  }
0x96: {  	v5 =	vld.idx.msk [tilespmem:v3+s18+$0x0], $0xffff  }
0x97: {  	v4 =	vld [tilespmem:s22+$0xFFFFFFE0]  }
0x98: {  	v3 =	vld.idx.msk [tilespmem:v3+s19+$0x0], $0xffff  }
0x99: {  	v2 =	vld [tilespmem:s22+$0x30]  }
0x9a: {  	v6 =	vld [tilespmem:s22+$0x20]  }
0x9b: {  	v11 =	vmul.f32 v7, v5;
	v7 =	vld [tilespmem:s22+$0x10]  }
0x9c: {  	v8 =	vmul.f32 v8, v5  }
0x9d: {  	s23 =	simm.s32 $0x1;
	s24 =	simm.s32 $0x16570;
	v10 =	vmul.f32 v9, v5;
	v9 =	vmul.f32 v12, v3  }
.LBB2_9:
0x9e: {  	p0 =	sne.s32 s23, $0x4F  }
0x9f: {  	[tilespmem:s22+$0xFFFFFFC0] =	vst v11;
	v4 =	vmul.f32 v4, v5;
	v5 =	vmul.f32 v6, v3;
	s24 =	sadd.s32 $0x90, s24;
	s25 =	smov.u32 s23;
	s23 =	sadd.s32 $0x1, s23  }
0xa0: {  	v2 =	vmul.f32 v2, v3;
	[tilespmem:s22+$0xFFFFFFF0] =	vst v10;
	v6 =	vmul.f32 v7, v3  }
0xa1: {  	[tilespmem:s22+$0xFFFFFFD0] =	vst v8  }
0xa2: {  	v3 =	vmov s25;
	v10 =	vld [tilespmem:s24+$0xFFFFFFF0];
	[tilespmem:s22+$0x0] =	vst v9  }
0xa3: {  	v8 =	vld [tilespmem:s24+$0xFFFFFFC0];
	[tilespmem:s22+$0xFFFFFFE0] =	vst v4  }
0xa4: {  	v4 =	vld [tilespmem:s24+$0xFFFFFFE0];
	[tilespmem:s22+$0x30] =	vst v2  }
0xa5: {  	v2 =	vld [tilespmem:s24+$0x30];
	[tilespmem:s22+$0x10] =	vst v6  }
0xa6: {  	v9 =	vld [tilespmem:s24+$0xFFFFFFD0];
	[tilespmem:s22+$0x20] =	vst v5;
	s22 =	smov.u32 s24  }
0xa7: {  	v5 =	vld.idx.msk [tilespmem:v3+s18+$0x0], $0xffff  }
0xa8: {  	v3 =	vld.idx.msk [tilespmem:v3+s19+$0x0], $0xffff  }
0xa9: {  	v12 =	vld [tilespmem:s24+$0x0]  }
.Ltmp3:
0xaa: {  	v6 =	vld [tilespmem:s24+$0x20];
	(pc) =	sbr.rel @p0 .LBB2_9-.Ltmp3, $3  }
0xab: {  	v7 =	vld [tilespmem:s24+$0x10];
	_ =	sdelay $0x1  }
0xac: {  	v11 =	vmul.f32 v8, v5;
	v8 =	vmul.f32 v9, v5  }
0xad: {  	v10 =	vmul.f32 v10, v5;
	v9 =	vmul.f32 v12, v3  }
0xae: {  	[tilespmem:s22+$0xFFFFFFC0] =	vst v11  }
0xaf: {  	[tilespmem:s22+$0xFFFFFFD0] =	vst v8  }
0xb0: {  	v4 =	vmul.f32 v4, v5;
	[tilespmem:s22+$0xFFFFFFF0] =	vst v10  }
0xb1: {  	v2 =	vmul.f32 v2, v3;
	[tilespmem:s22+$0x0] =	vst v9  }
0xb2: {  	v63 =	vmul.f32 v7, v3;
	[tilespmem:s22+$0xFFFFFFE0] =	vst v4  }
0xb3: {  	s21 =	sadd.s32 $0x1, s21;
	v3 =	vmul.f32 v6, v3;
	[tilespmem:s22+$0x30] =	vst v2  }
0xb4: {  	p0 =	sne.s32 s21, $0x7D;
	[tilespmem:s22+$0x10] =	vst v63  }
.Ltmp4:
0xb5: {  	[tilespmem:s22+$0x20] =	vst v3;
	(pc) =	sbr.rel @p0 .LBB2_6-.Ltmp4, $4  }
0xb6: {  	[spmem:s3] =	stream.indirect.scatter.add.f32 [tilespmem:s16], [sflag:$0x1], $0x90, s14, s15, $0xb8;
	[tilespmem:$0x1A0E0] =	vst v63  }
0xb7: {  	_ =	swait.ge [sflag:s12], $0x2D00  }
0xb8: {  	[sflag:s12] =	ssyncset.done $0x0  }
0xb9: {  	[sflag:s12] =	ssyncadd.s32 $0xFFFFD300  }
0xba: {  	[bflag:$0x0] =	sbarrier.arrive $0xFFFF;
	s20 =	sshll.u32 s1, $0x6  }
0xbb: {  	s21 =	sadd.s32 $0x0, s10;
	s22 =	sshrl.u32 s9, $0x3;
	s20 =	sor.u32 $0x1C01, s20  }
0xbc: {  	[hbm:s21], [sflag:s20] =	dma.local [spmem:s22], $0x1C2  }
0xbd: {  	s21 =	simm.s32 $0x1C2;
	s22 =	sadd.s32 $0xE10, s9;
	_ =	swait.ge [sflag:s12], $0x1C2  }
.LBB2_12:
0xbe: {  	s23 =	sadd.s32 s21, s10;
	[sflag:s12] =	ssyncset.done $0x0;
	p0 =	sne.s32 s21, $0x2A30  }
.Ltmp5:
0xbf: {  	s24 =	sshrl.u32 s22, $0x3;
	[sflag:s12] =	ssyncadd.s32 $0xFFFFFE3E;
	(pc) =	sbr.rel @p0 .LBB2_12-.Ltmp5, $3  }
0xc0: {  	[hbm:s23], [sflag:s20] =	dma.local [spmem:s24], $0x1C2  }
0xc1: {  	s21 =	sadd.s32 $0x1C2, s21;
	_ =	sdelay $0x1  }
0xc2: {  	s22 =	sadd.s32 $0xE10, s22;
	_ =	swait.ge [sflag:s12], $0x1C2  }
0xc3: {  	s4 =	sadd.s32 $0x1, s4  }
0xc4: {  	p0 =	sne.s32 s4, s8  }
.Ltmp6:
0xc5: {  	_ = 	snop;
	(pc) =	sbr.rel @p0 .LBB2_1-.Ltmp6, $3  }
0xc6: {  	_ =	sdelay $0x1  }
0xc7: {  	[sflag:s12] =	ssyncset.done $0x0  }
0xc8: {  	[sflag:s12] =	ssyncadd.s32 $0xFFFFFE3E  }
0xc9: {  	_ =	sfence.sel $0x180000  }
0xca: {  	[bflag:$0x0] =	sbarrier.arrive $0xFFFF  }
0xcb: {  	p0 =	sne.s32 s1, $0x0;
	_ =	strace $0x9000004D  }
0xcc: {  	s0 =	sadd.s32 @!p0 $0x100000, s0;
	[bflag:$0x2] =	sbarrier.arrive $0xFFFF  }
0xcd: {  	[sflag:s0] =	ssyncadd.tile.s32 @!p0 $0x1;
	_ =	shalt  }
.Lfunc_end2:
_tile_overlayer_lowered:
.L_overlay_start_2:
0xce: {  	(tag) =	ssettag $0x2  }
0xcf: {  	s0 =	rddreg [dreg:$0x0];
	s2 =	stileid.u32  }
0xd0: {  	s1 =	rddreg [dreg:$0x1];
	p0 =	sne.s32 s2, $0x0  }
0xd1: {  	s3 =	rddreg [dreg:$0x2];
	[bflag:$0x3] =	sbarrier.arrive $0xFFFF;
	s2 =	simm.s32 @!p0 $0x1C01  }
0xd2: {  	[timem:s3], [sflag:s2] =	dma.local @!p0 [hbm:s0], s1  }
0xd3: {  	s0 =	simm.s32 @!p0 $0x1  }
0xd4: {  	_ =	swait.ge @!p0 [sflag:s0], s1  }
0xd5: {  	s1 =	ssub.s32 @!p0 $0x0, s1;
	[sflag:s0] =	ssyncset.done @!p0 $0x0  }
0xd6: {  	[sflag:s0] =	ssyncadd.s32 @!p0 s1  }
0xd7: {  	[bflag:$0x3] =	sbarrier.arrive $0xFFFF  }
0xd8: {  	_ =	shalt  }

</sc_bundles>
